<compile_context>
chip_gen: v7x
topology: tpu7x:2x2x1
jax: 0.10.2.dev20260603
libtpu: 0.0.44.dev20260713+nightly
codegen_flags: <defaults>
</compile_context>

<pallas_src>
import functools

import jax
import jax.numpy as jnp
import numpy as np
from jax import lax
from jax.experimental import pallas as pl
from jax.experimental.pallas import tpu as pltpu
from jax.experimental.pallas import tpu_sc as plsc

TEMPERATURE = 0.07
N_NEGATIVES = 32
_B = 64
_D = 64
_HW = 128 * 128
_N2 = 2 * _B


def _pool_body(f_ref, l_ref, t_ref, b_ref, c_ref):
    f = f_ref[0]
    l0 = l_ref[0, 0]
    l1 = l_ref[0, 1]
    t0p = jnp.sum(f * l0[None, :, :], axis=1)
    t1p = jnp.sum(f * l1[None, :, :], axis=1)
    sp = jnp.sum(f, axis=1)
    t0 = jnp.sum(t0p, axis=1)
    t1 = jnp.sum(t1p, axis=1)
    s = jnp.sum(sp, axis=1)
    t_ref[0, 0] = t0
    t_ref[0, 1] = t1
    b_ref[0, 0] = s - t0
    b_ref[0, 1] = s - t1
    c_ref[0, 0] = jnp.broadcast_to(jnp.sum(l0), (_D,))
    c_ref[0, 1] = jnp.broadcast_to(jnp.sum(l1), (_D,))


_NC = 2
_NS = 16
_DT = 8
_NSC = 16
_NTC = _B - _NSC
_UT = _D // _DT
_UPW = _NSC * _UT // (_NC * _NS)


def _sc_split_body(f_hbm, l_hbm, t_hbm, b_hbm, c_hbm, lab_v, fbuf, out_v,
                   sem0, sem1):
    wid = lax.axis_index("s") * _NC + lax.axis_index("c")

    def do_unit(k, carry):
        unit = wid * _UPW + k
        bo = unit // _UT
        b = _NTC + bo
        dt = unit % _UT
        pltpu.sync_copy(l_hbm.at[b], lab_v)

        @pl.when(dt == 0)
        def _():
            def cnt_body(i, cc):
                c0, c1 = cc
                h = i >> 3
                w0 = (i & 7) * 16
                return (c0 + lab_v[0, h, pl.ds(w0, 16)],
                        c1 + lab_v[1, h, pl.ds(w0, 16)])

            c0v, c1v = plsc.parallel_loop(
                0, 1024, unroll=4,
                carry=(jnp.zeros((16,), jnp.float32),
                       jnp.zeros((16,), jnp.float32)))(cnt_body)
            out_v[pl.ds(4 * 16 * 16, 16)] = c0v
            out_v[pl.ds(4 * 16 * 16 + 16, 16)] = c1v
            pltpu.sync_copy(
                out_v.at[pl.ds(4 * 16 * 16, 16)],
                c_hbm.at[pl.ds(2 * bo * 16, 16)])
            pltpu.sync_copy(
                out_v.at[pl.ds(4 * 16 * 16 + 16, 16)],
                c_hbm.at[pl.ds((2 * bo + 1) * 16, 16)])

        sems = (sem0, sem1)
        copies = [None, None]
        copies[0] = pltpu.async_copy(
            f_hbm.at[b, pl.ds(dt * _DT, _DT), pl.ds(0, 16), :],
            fbuf.at[0], sem0)
        accs = tuple(jnp.zeros((16,), jnp.float32) for _ in range(3 * _DT))
        for hc in range(8):
            cur = hc % 2
            if hc < 7:
                nxt = (hc + 1) % 2
                copies[nxt] = pltpu.async_copy(
                    f_hbm.at[b, pl.ds(dt * _DT, _DT),
                             pl.ds((hc + 1) * 16, 16), :],
                    fbuf.at[nxt], sems[nxt])
            copies[cur].wait()

            def chunk_body(i, acc, _cur=cur, _hc=hc):
                h = i >> 3
                w0 = (i & 7) * 16
                l0c = lab_v[0, _hc * 16 + h, pl.ds(w0, 16)]
                l1c = lab_v[1, _hc * 16 + h, pl.ds(w0, 16)]
                t0s, t1s, ss = [], [], []
                for j in range(_DT):
                    fv = fbuf[_cur, j, h, pl.ds(w0, 16)]
                    t0s.append(acc[j] + fv * l0c)
                    t1s.append(acc[_DT + j] + fv * l1c)
                    ss.append(acc[2 * _DT + j] + fv)
                return tuple(t0s + t1s + ss)

            accs = plsc.parallel_loop(
                0, 128, unroll=4, carry=accs)(chunk_body)
        for j in range(_DT):
            out_v[pl.ds((0 * _DT + j) * 16, 16)] = accs[j]
            out_v[pl.ds((1 * _DT + j) * 16, 16)] = accs[_DT + j]
            out_v[pl.ds((2 * _DT + j) * 16, 16)] = \
                accs[2 * _DT + j] - accs[j]
            out_v[pl.ds((3 * _DT + j) * 16, 16)] = \
                accs[2 * _DT + j] - accs[_DT + j]
        for srow, dst in ((0, t_hbm), (1, t_hbm), (2, b_hbm), (3, b_hbm)):
            pltpu.sync_copy(
                out_v.at[pl.ds(srow * _DT * 16, _DT * 16)],
                dst.at[pl.ds((2 * bo + (srow % 2)) * _D * 16 + dt * _DT * 16,
                             _DT * 16)])
        return carry

    lax.fori_loop(0, _UPW, do_unit, 0)


@functools.lru_cache(maxsize=None)
def _sc_split_pool_fn():
    return functools.partial(
        pl.kernel,
        out_type=[
            jax.ShapeDtypeStruct((2 * _NSC * _D * 16,), jnp.float32),
            jax.ShapeDtypeStruct((2 * _NSC * _D * 16,), jnp.float32),
            jax.ShapeDtypeStruct((2 * _NSC * 16,), jnp.float32),
        ],
        mesh=plsc.VectorSubcoreMesh(core_axis_name="c",
                                    subcore_axis_name="s"),
        scratch_types=[
            pltpu.VMEM((2, 128, 128), jnp.float32),
            pltpu.VMEM((2, _DT, 16, 128), jnp.float32),
            pltpu.VMEM((4 * 16 * 16 + 32,), jnp.float32),
            pltpu.SemaphoreType.DMA,
            pltpu.SemaphoreType.DMA,
        ],
    )(_sc_split_body)


def _finale_mix_body(ttc_ref, btc_ref, ctcc_ref, ctcr_ref, tsc_ref, bsc_ref,
                     cscp_ref, cscpt_ref, tidc_ref, tidr_ref, p_ref, out_ref):
    gr = lax.broadcasted_iota(jnp.int32, (_D * 16, _D), 0)
    gc = lax.broadcasted_iota(jnp.int32, (_D * 16, _D), 1)
    M = ((gr >> 4) == gc).astype(jnp.float32)
    tsc = lax.dot_general(tsc_ref[...], M, (((1,), (0,)), ((), ())),
                          preferred_element_type=jnp.float32)
    bsc = lax.dot_general(bsc_ref[...], M, (((1,), (0,)), ((), ())),
                          preferred_element_type=jnp.float32)
    T = jnp.concatenate([ttc_ref[...], tsc], axis=0)
    Bg = jnp.concatenate([btc_ref[...], bsc], axis=0)
    cntc = jnp.concatenate(
        [ctcc_ref[...], jnp.sum(cscp_ref[...], axis=1, keepdims=True)],
        axis=0)
    cntr = jnp.concatenate(
        [ctcr_ref[...], jnp.sum(cscpt_ref[...], axis=0, keepdims=True)],
        axis=1)
    _finale_math(T, Bg, cntc, cntr, tidc_ref[...], tidr_ref[...], p_ref[...],
                 out_ref)


def _finale_math(T, Bg, cntc, cntr, tidc, tidr, P, out_ref):
    rt = T / jnp.maximum(cntc, 1.0)
    rt = rt / jnp.maximum(
        jnp.sqrt(jnp.sum(rt * rt, axis=1, keepdims=True)), 1e-12)
    rb = Bg / jnp.maximum(float(_HW) - cntc, 1.0)
    rb = rb / jnp.maximum(
        jnp.sqrt(jnp.sum(rb * rb, axis=1, keepdims=True)), 1e-12)

    gt = lax.dot_general(rt, rt, (((1,), (1,)), ((), ())),
                         preferred_element_type=jnp.float32)
    gb = lax.dot_general(rt, rb, (((1,), (1,)), ((), ())),
                         preferred_element_type=jnp.float32)

    rowi = lax.broadcasted_iota(jnp.int32, (_N2, _N2), 0)
    colj = lax.broadcasted_iota(jnp.int32, (_N2, _N2), 1)
    tri = (rowi <= colj).astype(jnp.float32)

    cooc = (tidc != tidr) & (cntr != 0.0)
    cf = cooc.astype(jnp.float32)
    csum = lax.dot_general(cf, tri, (((1,), (0,)), ((), ())),
                           preferred_element_type=jnp.float32)
    ndiff = csum[:, _N2 - 1:_N2]
    jf = colj.astype(jnp.float32)
    key = jnp.where(cooc, csum - 1.0, ndiff + jf - csum)

    pcond = (tidc == tidr) & (colj != tidc)
    pf = pcond.astype(jnp.float32)
    psum = lax.dot_general(pf, tri, (((1,), (0,)), ((), ())),
                           preferred_element_type=jnp.float32)
    onehot = pf * (psum == 1.0).astype(jnp.float32)
    has_pos = psum[:, _N2 - 1:_N2] > 0.0
    fallback = (colj == 0).astype(jnp.float32)
    oh = jnp.where(has_pos, onehot, fallback)
    pos_logit = jnp.sum(oh * gt, axis=1, keepdims=True)

    nw = N_NEGATIVES * _N2
    qk = lax.broadcasted_iota(jnp.int32, (N_NEGATIVES, nw), 0)
    qq = lax.broadcasted_iota(jnp.int32, (N_NEGATIVES, nw), 1)
    ek = (qk == (qq // _N2)).astype(jnp.float32)
    fj = lax.broadcasted_iota(jnp.int32, (_N2, nw), 0)
    fq = lax.broadcasted_iota(jnp.int32, (_N2, nw), 1)
    fjm = (fj == (fq % _N2)).astype(jnp.float32)
    dots = functools.partial(lax.dot_general,
                             dimension_numbers=(((1,), (0,)), ((), ())),
                             preferred_element_type=jnp.float32)
    pf = P.astype(jnp.float32)
    selk = (pf < ndiff).astype(jnp.float32)
    pk_w = dots(pf, ek)
    sel_w = dots(selk, ek)
    key_w = dots(key, fjm)
    gt_w = dots(gt, fjm)
    gb_w = dots(gb, fjm)
    mw = jnp.where(key_w == pk_w,
                   jnp.where(sel_w > 0.5, gt_w, gb_w), 0.0)
    rk = lax.broadcasted_iota(jnp.int32, (nw, N_NEGATIVES), 0)
    rc = lax.broadcasted_iota(jnp.int32, (nw, N_NEGATIVES), 1)
    e2 = ((rk // _N2) == rc).astype(jnp.float32)
    nl = dots(mw, e2) / TEMPERATURE
    pos = pos_logit / TEMPERATURE
    m = jnp.max(nl, axis=1, keepdims=True)
    row_loss = jnp.log(jnp.sum(jnp.exp(nl - m), axis=1, keepdims=True)) \
        - (pos - m)
    out_ref[...] = jnp.sum(row_loss, axis=0, keepdims=True) / float(_N2)


@jax.jit
def _run_mix(features, labels, task_ids, perms):
    tsc_f, bsc_f, csc_f = _sc_split_pool_fn()(features, labels)
    tsc = tsc_f.reshape(2 * _NSC, _D * 16)
    bsc = bsc_f.reshape(2 * _NSC, _D * 16)
    csc = csc_f.reshape(2 * _NSC, 16)
    pool = pl.pallas_call(
        _pool_body,
        grid=(_NTC,),
        in_specs=[
            pl.BlockSpec((1, _D, 128, 128), lambda i: (i, 0, 0, 0)),
            pl.BlockSpec((1, 2, 128, 128), lambda i: (i, 0, 0, 0)),
        ],
        out_specs=[
            pl.BlockSpec((1, 2, _D), lambda i: (i, 0, 0)),
            pl.BlockSpec((1, 2, _D), lambda i: (i, 0, 0)),
            pl.BlockSpec((1, 2, _D), lambda i: (i, 0, 0)),
        ],
        out_shape=[
            jax.ShapeDtypeStruct((_NTC, 2, _D), jnp.float32),
            jax.ShapeDtypeStruct((_NTC, 2, _D), jnp.float32),
            jax.ShapeDtypeStruct((_NTC, 2, _D), jnp.float32),
        ],
    )
    t_sums, b_sums, cnts = pool(features, labels)

    ttc = t_sums.reshape(2 * _NTC, _D)
    btc = b_sums.reshape(2 * _NTC, _D)
    ctc = cnts[:, :, 0].reshape(2 * _NTC)

    finale = pl.pallas_call(
        _finale_mix_body,
        out_shape=jax.ShapeDtypeStruct((1, 1), jnp.float32),
    )
    loss = finale(
        ttc, btc, ctc.reshape(2 * _NTC, 1), ctc.reshape(1, 2 * _NTC),
        tsc, bsc, csc, csc.T,
        task_ids.reshape(_N2, 1), task_ids.reshape(1, _N2),
        perms,
    )
    return loss[0, 0]


_rng = np.random.default_rng(0)
_PERMS = np.stack(
    [_rng.permutation(_D)[:N_NEGATIVES] for _ in range(_N2)]).astype(np.int32)


def kernel(features, labels, tasks):
    task_ids = jnp.stack([2 * tasks, 2 * tasks + 1], axis=1).reshape(-1)
    return _run_mix(features, labels, task_ids.astype(jnp.int32), _PERMS)

# --- scband reference (transcript-rebuilt; emitter-appended) ---
"""Pipeline reference for scband-contrastive-loss-62105227100871 (READ-ONLY COPY).

The authoritative reference and input builder live on the scoring server;
editing this copy changes nothing except your own understanding.
"""

import jax, jax.numpy as jnp
import numpy as np

TEMPERATURE = 0.07
N_NEGATIVES = 32
N_TASKS = 4


def setup_inputs(seed: int = 0):
    key = jax.random.key(seed)
    k1, k2, k3 = jax.random.split(key, 3)
    features = jax.random.normal(k1, (64, 64, 128, 128), dtype=jnp.float32)
    labels = jax.random.uniform(k2, (64, 2, 128, 128), dtype=jnp.float32)
    tasks = jax.random.randint(k3, (64,), 0, N_TASKS, dtype=jnp.int32)
    return {"features": features, "labels": labels, "tasks": tasks}


def _normalize(x, eps=1e-12):
    n = jnp.sqrt(jnp.sum(x * x, axis=1, keepdims=True))
    return x / jnp.maximum(n, eps)


def _prepare_reprs(features, labels):
    # features [b, d, h, w] -> unsqueeze(1): [b,1,d,h,w]; labels [b,2,h,w] -> unsqueeze(2): [b,2,1,h,w]
    masked = features[:, None, :, :, :] * labels[:, :, None, :, :]
    repr_vectors = masked.sum(axis=(-1, -2))  # [b, 2, d]
    cnt = jnp.maximum(labels.sum(axis=(-1, -2)), 1.0)[:, :, None]  # [b, 2, 1]
    repr_vectors = repr_vectors / cnt
    d = repr_vectors.shape[-1]
    return _normalize(repr_vectors.reshape(-1, d))  # [2b, d]


def _build_indices(tasks, label_mask, d_dim):
    b = tasks.shape[0]
    n2 = 2 * b
    task_ids = jnp.stack([2 * tasks, 2 * tasks + 1], axis=1).reshape(-1)  # [2b]
    cols = jnp.arange(n2)
    cooc_other = (task_ids[:, None] != task_ids[None, :]) & label_mask[None, :]
    # per row: indices where cooc_other, ascending, followed by the remaining
    # (same-task) indices ascending with a +2b offset -- faithful replication of
    # concatenate(nonzero(target_idx_neg), nonzero(background_idx_neg) + 2b)
    order = jnp.argsort(jnp.logical_not(cooc_other), axis=1, stable=True)
    n_diff = jnp.sum(cooc_other, axis=1, keepdims=True)
    combined = order + n2 * (cols[None, :] >= n_diff)
    # faithful replication of randperm(all_negatives.size(1)) = randperm(d);
    # draw count and width are static (shapes only), identical stream to the original
    rng = np.random.default_rng(0)
    perms = jnp.asarray(np.stack([rng.permutation(d_dim)[:N_NEGATIVES] for _ in range(n2)]))
    neg_idx = jnp.take_along_axis(combined, perms, axis=1)
    # faithful replication: scatter zeros at COLUMN = task id (as in original code)
    target_idx_pos = (task_ids[:, None] == task_ids[None, :]) & (cols[None, :] != task_ids[:, None])
    pos_idx = jnp.argmax(target_idx_pos, axis=1)
    filter_ids = cols
    return neg_idx, pos_idx, filter_ids


def _forward(features, labels, neg_idx, pos_idx, filter_ids):
    repr_targets = _prepare_reprs(features, labels)
    repr_backgrounds = _prepare_reprs(features, 1.0 - labels)
    all_reprs = jnp.concatenate([repr_targets, repr_backgrounds], axis=0)  # [4b, d]
    negatives = jnp.take(all_reprs, neg_idx, axis=0)  # [n_active, n_neg, d]
    positives = jnp.take(repr_targets, pos_idx, axis=0)[:, None, :]  # [n_active, 1, d]
    feats = jnp.take(repr_targets, filter_ids, axis=0)[:, :, None]  # [n_active, d, 1]
    pos_logits = jnp.matmul(positives, feats)[..., 0]  # [n_active, 1]
    neg_logits = jnp.matmul(negatives, feats)[..., 0]  # [n_active, n_neg]
    pos_logits = pos_logits / TEMPERATURE
    neg_logits = neg_logits / TEMPERATURE
    neg_max = jax.lax.stop_gradient(jnp.max(neg_logits, axis=1, keepdims=True))
    neg_logits = neg_logits - neg_max
    pos_logits = pos_logits - neg_max
    loss = (jnp.log(jnp.exp(neg_logits).sum(axis=1)) - pos_logits[:, 0]).mean()
    return loss


def reference(features, labels, tasks):
    label_mask = labels.sum(axis=(-1, -2)).reshape(-1) != 0  # [2b]
    neg_idx, pos_idx, filter_ids = _build_indices(tasks, label_mask, features.shape[1])
    return _forward(features, labels, neg_idx, pos_idx, filter_ids)

if __name__ == "__main__":
    import jax
    _d = setup_inputs()
    print(jax.jit(kernel)(*tuple(_d.values())))

</pallas_src>

<mosaic_0001>
#map = affine_map<(d0, d1) -> (0, 0, 0, 0)>
#map1 = affine_map<(d0, d1) -> (0)>
module attributes {stable_mosaic.version = 14 : i64} {
  func.func @_sc_split_body(%arg0: i32, %arg1: i32, %arg2: memref<64x64x128x128xf32, #tpu.memory_space<hbm>>, %arg3: memref<64x2x128x128xf32, #tpu.memory_space<hbm>>, %arg4: memref<32768xf32, #tpu.memory_space<hbm>>, %arg5: memref<32768xf32, #tpu.memory_space<hbm>>, %arg6: memref<512xf32, #tpu.memory_space<hbm>>, %arg7: memref<2x128x128xf32, #tpu.memory_space<vmem>>, %arg8: memref<2x8x16x128xf32, #tpu.memory_space<vmem>>, %arg9: memref<1056xf32, #tpu.memory_space<vmem>>, %arg10: memref<!tpu.dma_semaphore, #tpu.memory_space<semaphore_mem>>, %arg11: memref<!tpu.dma_semaphore, #tpu.memory_space<semaphore_mem>>) attributes {dimension_semantics = [#tpu.dimension_semantics<core_parallel>, #tpu.dimension_semantics<subcore_parallel>], iteration_bounds = array<i64: 2, 16>, scalar_prefetch = 0 : i64, scratch_operands = 5 : i64, tpu.core_type = #tpu.core_type<sc_vector_subcore>, window_params = [{transform_indices = #map}, {transform_indices = #map}, {transform_indices = #map1}, {transform_indices = #map1}, {transform_indices = #map1}]} {
    %mul3A = arith.constant 2 : i32
    %mul3A_0 = arith.muli %arg1, %mul3A : i32
    %add3A = arith.addi %mul3A_0, %arg0 : i32
    %scan3A = arith.constant 0 : i32
    %scan3A_1 = arith.constant 0 : i32
    %scan3A_2 = arith.constant 4 : i32
    %scan3A_3 = arith.addi %scan3A_1, %scan3A_2 : i32
    %scan3A_4 = arith.constant 1 : i32
    scf.for %scan3A_6 = %scan3A_1 to %scan3A_3 step %scan3A_4  : i32 {
      %mul3A_7 = arith.constant 4 : i32
      %mul3A_8 = arith.muli %add3A, %mul3A_7 : i32
      %add3A_9 = arith.addi %mul3A_8, %scan3A_6 : i32
      %jit3A = arith.constant 8 : i32
      %div3A = arith.divsi %add3A_9, %jit3A : i32
      %sign3A = arith.constant 0 : i32
      %sign3A_10 = arith.cmpi sgt, %add3A_9, %sign3A : i32
      %sign3A_11 = arith.extui %sign3A_10 : i1 to i32
      %sign3A_12 = arith.constant 0 : i32
      %sign3A_13 = arith.cmpi slt, %add3A_9, %sign3A_12 : i32
      %sign3A_14 = arith.extui %sign3A_13 : i1 to i32
      %sign3A_15 = arith.subi %sign3A_11, %sign3A_14 : i32
      %sign3A_16 = arith.constant 0 : i32
      %sign3A_17 = arith.cmpi sgt, %jit3A, %sign3A_16 : i32
      %sign3A_18 = arith.extui %sign3A_17 : i1 to i32
      %sign3A_19 = arith.constant 0 : i32
      %sign3A_20 = arith.cmpi slt, %jit3A, %sign3A_19 : i32
      %sign3A_21 = arith.extui %sign3A_20 : i1 to i32
      %sign3A_22 = arith.subi %sign3A_18, %sign3A_21 : i32
      %ne3A = arith.cmpi ne, %sign3A_15, %sign3A_22 : i32
      %rem3A = arith.remsi %add3A_9, %jit3A : i32
      %ne3A_23 = arith.constant 0 : i32
      %ne3A_24 = arith.cmpi ne, %rem3A, %ne3A_23 : i32
      %and3A = arith.andi %ne3A, %ne3A_24 : i1
      %sub3A = arith.constant 1 : i32
      %sub3A_25 = arith.subi %div3A, %sub3A : i32
      %select_n3A = arith.select %and3A, %sub3A_25, %div3A : i32
      %add3A_26 = arith.constant 48 : i32
      %add3A_27 = arith.addi %add3A_26, %select_n3A : i32
      %jit3A_28 = arith.constant 8 : i32
      %eq3A = arith.constant 0 : i32
      %eq3A_29 = arith.cmpi eq, %jit3A_28, %eq3A : i32
      %jit3A_30 = arith.constant 1 : i32
      %select_n3A_31 = arith.select %eq3A_29, %jit3A_30, %jit3A_28 : i32
      %rem3A_32 = arith.remsi %add3A_9, %select_n3A_31 : i32
      %ne3A_33 = arith.constant 0 : i32
      %ne3A_34 = arith.cmpi ne, %rem3A_32, %ne3A_33 : i32
      %lt3A = arith.constant 0 : i32
      %lt3A_35 = arith.cmpi slt, %rem3A_32, %lt3A : i32
      %lt3A_36 = arith.constant 0 : i32
      %lt3A_37 = arith.cmpi slt, %select_n3A_31, %lt3A_36 : i32
      %ne3A_38 = arith.xori %lt3A_35, %lt3A_37 : i1
      %and3A_39 = arith.andi %ne3A_38, %ne3A_34 : i1
      %add3A_40 = arith.addi %rem3A_32, %select_n3A_31 : i32
      %select_n3A_41 = arith.select %and3A_39, %add3A_40, %rem3A_32 : i32
      "tpu.region"() ({
        %run_scoped3A = tpu.sem_alloc : memref<!tpu.dma_semaphore, #tpu.memory_space<semaphore_mem>>
        %dma_start3A_636 = arith.constant 0 : i32
        %dma_start3A_637 = arith.constant 0 : i32
        %dma_start3A_638 = arith.constant 0 : i32
        %dma_start3A_639 = tpu.memref_slice %arg3[%add3A_27, %dma_start3A_636, %dma_start3A_637, %dma_start3A_638] : memref<64x2x128x128xf32, #tpu.memory_space<hbm>> -> memref<1x2x128x128xf32, #tpu.memory_space<hbm>>
        %dma_start3A_640 = tpu.memref_squeeze %dma_start3A_639 : memref<1x2x128x128xf32, #tpu.memory_space<hbm>> -> memref<2x128x128xf32, #tpu.memory_space<hbm>>
        %dma_start3A_641 = arith.constant 0 : i32
        %dma_start3A_642 = arith.constant 0 : i32
        %dma_start3A_643 = arith.constant 0 : i32
        %dma_start3A_644 = tpu.memref_slice %arg3[%add3A_27, %dma_start3A_641, %dma_start3A_642, %dma_start3A_643] : memref<64x2x128x128xf32, #tpu.memory_space<hbm>> -> memref<1x2x128x128xf32, #tpu.memory_space<hbm>>
        %dma_start3A_645 = tpu.memref_squeeze %dma_start3A_644 : memref<1x2x128x128xf32, #tpu.memory_space<hbm>> -> memref<2x128x128xf32, #tpu.memory_space<hbm>>
        tpu.enqueue_dma source(%dma_start3A_645 : memref<2x128x128xf32, #tpu.memory_space<hbm>>) target(%arg7 : memref<2x128x128xf32, #tpu.memory_space<vmem>>) target_semaphore(%run_scoped3A : memref<!tpu.dma_semaphore, #tpu.memory_space<semaphore_mem>>)
        %dma_wait3A_646 = arith.constant 0 : i32
        %dma_wait3A_647 = arith.constant 0 : i32
        %dma_wait3A_648 = arith.constant 0 : i32
        %dma_wait3A_649 = tpu.memref_slice %arg3[%add3A_27, %dma_wait3A_646, %dma_wait3A_647, %dma_wait3A_648] : memref<64x2x128x128xf32, #tpu.memory_space<hbm>> -> memref<1x2x128x128xf32, #tpu.memory_space<hbm>>
        %dma_wait3A_650 = tpu.memref_squeeze %dma_wait3A_649 : memref<1x2x128x128xf32, #tpu.memory_space<hbm>> -> memref<2x128x128xf32, #tpu.memory_space<hbm>>
        %dma_wait3A_651 = arith.constant 0 : i32
        %dma_wait3A_652 = arith.constant 0 : i32
        %dma_wait3A_653 = arith.constant 0 : i32
        %dma_wait3A_654 = tpu.memref_slice %arg3[%add3A_27, %dma_wait3A_651, %dma_wait3A_652, %dma_wait3A_653] : memref<64x2x128x128xf32, #tpu.memory_space<hbm>> -> memref<1x2x128x128xf32, #tpu.memory_space<hbm>>
        %dma_wait3A_655 = tpu.memref_squeeze %dma_wait3A_654 : memref<1x2x128x128xf32, #tpu.memory_space<hbm>> -> memref<2x128x128xf32, #tpu.memory_space<hbm>>
        tpu.wait_dma2 semaphore(%run_scoped3A : memref<!tpu.dma_semaphore, #tpu.memory_space<semaphore_mem>>) src(%dma_wait3A_655 : memref<2x128x128xf32, #tpu.memory_space<hbm>>) dst(%arg7 : memref<2x128x128xf32, #tpu.memory_space<vmem>>)
        tpu.yield
      }) : () -> ()
      %eq3A_42 = arith.constant 0 : i32
      %eq3A_43 = arith.cmpi eq, %select_n3A_41, %eq3A_42 : i32
      %convert_element_type3A = arith.extui %eq3A_43 : i1 to i32
      %cond3A = arith.constant 0 : i32
      %cond3A_44 = arith.cmpi ne, %convert_element_type3A, %cond3A : i32
      scf.if %cond3A_44 {
        %broadcast_in_dim3A_636 = arith.constant 0.000000e+00 : f32
        %broadcast_in_dim3A_637 = vector.broadcast %broadcast_in_dim3A_636 : f32 to vector<16xf32>
        %broadcast_in_dim3A_638 = arith.constant 0.000000e+00 : f32
        %broadcast_in_dim3A_639 = vector.broadcast %broadcast_in_dim3A_638 : f32 to vector<16xf32>
        %parallel_loop3A_640 = arith.constant 0 : i32
        %parallel_loop3A_641 = arith.constant 1024 : i32
        %parallel_loop3A_642 = arith.constant 1 : i32
        %parallel_loop3A_643:2 = scf.for %parallel_loop3A_662 = %parallel_loop3A_640 to %parallel_loop3A_641 step %parallel_loop3A_642 iter_args(%parallel_loop3A_663 = %broadcast_in_dim3A_637, %parallel_loop3A_664 = %broadcast_in_dim3A_639) -> (vector<16xf32>, vector<16xf32>)  : i32 {
          %parallel_loop3A_665 = arith.constant 3 : i32
          %parallel_loop3A_666 = arith.shrsi %parallel_loop3A_662, %parallel_loop3A_665 : i32
          %parallel_loop3A_667 = arith.constant 7 : i32
          %parallel_loop3A_668 = arith.andi %parallel_loop3A_662, %parallel_loop3A_667 : i32
          %parallel_loop3A_669 = arith.constant 16 : i32
          %parallel_loop3A_670 = arith.muli %parallel_loop3A_668, %parallel_loop3A_669 : i32
          %parallel_loop3A_671 = arith.constant 0 : i32
          %parallel_loop3A_672 = arith.index_cast %parallel_loop3A_671 : i32 to index
          %parallel_loop3A_673 = arith.index_cast %parallel_loop3A_666 : i32 to index
          %parallel_loop3A_674 = arith.index_cast %parallel_loop3A_670 : i32 to index
          %parallel_loop3A_675 = tpu.vector_load %arg7[%parallel_loop3A_672, %parallel_loop3A_673, %parallel_loop3A_674] {strides = array<i32>} : memref<2x128x128xf32, #tpu.memory_space<vmem>>, vector<1x1x16xf32>,
          %parallel_loop3A_676 = vector.shape_cast %parallel_loop3A_675 : vector<1x1x16xf32> to vector<16xf32>
          %parallel_loop3A_677 = arith.addf %parallel_loop3A_663, %parallel_loop3A_676 : vector<16xf32>
          %parallel_loop3A_678 = arith.constant 1 : i32
          %parallel_loop3A_679 = arith.index_cast %parallel_loop3A_678 : i32 to index
          %parallel_loop3A_680 = arith.index_cast %parallel_loop3A_666 : i32 to index
          %parallel_loop3A_681 = arith.index_cast %parallel_loop3A_670 : i32 to index
          %parallel_loop3A_682 = tpu.vector_load %arg7[%parallel_loop3A_679, %parallel_loop3A_680, %parallel_loop3A_681] {strides = array<i32>} : memref<2x128x128xf32, #tpu.memory_space<vmem>>, vector<1x1x16xf32>,
          %parallel_loop3A_683 = vector.shape_cast %parallel_loop3A_682 : vector<1x1x16xf32> to vector<16xf32>
          %parallel_loop3A_684 = arith.addf %parallel_loop3A_664, %parallel_loop3A_683 : vector<16xf32>
          scf.yield %parallel_loop3A_677, %parallel_loop3A_684 : vector<16xf32>, vector<16xf32>
        } {sc.loop_unroll_factor = 4 : i64, sc.parallel_access}
        %swap3A_644 = arith.constant 1024 : index
        %swap3A_645 = tpu.vector_load %arg9[%swap3A_644] {strides = array<i32>} : memref<1056xf32, #tpu.memory_space<vmem>>, vector<16xf32>,
        %swap3A_646 = vector.shape_cast %swap3A_645 : vector<16xf32> to vector<16xf32>
        %swap3A_647 = vector.shape_cast %parallel_loop3A_643#0 : vector<16xf32> to vector<16xf32>
        tpu.vector_store %arg9[%swap3A_644], %swap3A_647 {strides = array<i32>} : memref<1056xf32, #tpu.memory_space<vmem>>, vector<16xf32>,
        %swap3A_648 = arith.constant 1040 : index
        %swap3A_649 = tpu.vector_load %arg9[%swap3A_648] {strides = array<i32>} : memref<1056xf32, #tpu.memory_space<vmem>>, vector<16xf32>,
        %swap3A_650 = vector.shape_cast %swap3A_649 : vector<16xf32> to vector<16xf32>
        %swap3A_651 = vector.shape_cast %parallel_loop3A_643#1 : vector<16xf32> to vector<16xf32>
        tpu.vector_store %arg9[%swap3A_648], %swap3A_651 {strides = array<i32>} : memref<1056xf32, #tpu.memory_space<vmem>>, vector<16xf32>,
        %mul3A_652 = arith.constant 2 : i32
        %mul3A_653 = arith.muli %mul3A_652, %select_n3A : i32
        %mul3A_654 = arith.constant 16 : i32
        %mul3A_655 = arith.muli %mul3A_653, %mul3A_654 : i32
        "tpu.region"() ({
          %run_scoped3A = tpu.sem_alloc : memref<!tpu.dma_semaphore, #tpu.memory_space<semaphore_mem>>
          %dma_start3A_662 = arith.constant 1024 : i32
          %dma_start3A_663 = tpu.memref_slice %arg9[%dma_start3A_662] : memref<1056xf32, #tpu.memory_space<vmem>> -> memref<16xf32, #tpu.memory_space<vmem>>
          %dma_start3A_664 = tpu.memref_slice %arg6[%mul3A_655] : memref<512xf32, #tpu.memory_space<hbm>> -> memref<16xf32, #tpu.memory_space<hbm>>
          %dma_start3A_665 = tpu.memref_slice %arg6[%mul3A_655] : memref<512xf32, #tpu.memory_space<hbm>> -> memref<16xf32, #tpu.memory_space<hbm>>
          %dma_start3A_666 = arith.constant 1024 : i32
          %dma_start3A_667 = tpu.memref_slice %arg9[%dma_start3A_666] : memref<1056xf32, #tpu.memory_space<vmem>> -> memref<16xf32, #tpu.memory_space<vmem>>
          tpu.enqueue_dma source(%dma_start3A_667 : memref<16xf32, #tpu.memory_space<vmem>>) target(%dma_start3A_665 : memref<16xf32, #tpu.memory_space<hbm>>) target_semaphore(%run_scoped3A : memref<!tpu.dma_semaphore, #tpu.memory_space<semaphore_mem>>)
          %dma_wait3A_668 = arith.constant 1024 : i32
          %dma_wait3A_669 = tpu.memref_slice %arg9[%dma_wait3A_668] : memref<1056xf32, #tpu.memory_space<vmem>> -> memref<16xf32, #tpu.memory_space<vmem>>
          %dma_wait3A_670 = tpu.memref_slice %arg6[%mul3A_655] : memref<512xf32, #tpu.memory_space<hbm>> -> memref<16xf32, #tpu.memory_space<hbm>>
          %dma_wait3A_671 = tpu.memref_slice %arg6[%mul3A_655] : memref<512xf32, #tpu.memory_space<hbm>> -> memref<16xf32, #tpu.memory_space<hbm>>
          %dma_wait3A_672 = arith.constant 1024 : i32
          %dma_wait3A_673 = tpu.memref_slice %arg9[%dma_wait3A_672] : memref<1056xf32, #tpu.memory_space<vmem>> -> memref<16xf32, #tpu.memory_space<vmem>>
          tpu.wait_dma2 semaphore(%run_scoped3A : memref<!tpu.dma_semaphore, #tpu.memory_space<semaphore_mem>>) src(%dma_wait3A_673 : memref<16xf32, #tpu.memory_space<vmem>>) dst(%dma_wait3A_671 : memref<16xf32, #tpu.memory_space<hbm>>)
          tpu.yield
        }) : () -> ()
        %mul3A_656 = arith.constant 2 : i32
        %mul3A_657 = arith.muli %mul3A_656, %select_n3A : i32
        %add3A_658 = arith.constant 1 : i32
        %add3A_659 = arith.addi %mul3A_657, %add3A_658 : i32
        %mul3A_660 = arith.constant 16 : i32
        %mul3A_661 = arith.muli %add3A_659, %mul3A_660 : i32
        "tpu.region"() ({
          %run_scoped3A = tpu.sem_alloc : memref<!tpu.dma_semaphore, #tpu.memory_space<semaphore_mem>>
          %dma_start3A_662 = arith.constant 1040 : i32
          %dma_start3A_663 = tpu.memref_slice %arg9[%dma_start3A_662] : memref<1056xf32, #tpu.memory_space<vmem>> -> memref<16xf32, #tpu.memory_space<vmem>>
          %dma_start3A_664 = tpu.memref_slice %arg6[%mul3A_661] : memref<512xf32, #tpu.memory_space<hbm>> -> memref<16xf32, #tpu.memory_space<hbm>>
          %dma_start3A_665 = tpu.memref_slice %arg6[%mul3A_661] : memref<512xf32, #tpu.memory_space<hbm>> -> memref<16xf32, #tpu.memory_space<hbm>>
          %dma_start3A_666 = arith.constant 1040 : i32
          %dma_start3A_667 = tpu.memref_slice %arg9[%dma_start3A_666] : memref<1056xf32, #tpu.memory_space<vmem>> -> memref<16xf32, #tpu.memory_space<vmem>>
          tpu.enqueue_dma source(%dma_start3A_667 : memref<16xf32, #tpu.memory_space<vmem>>) target(%dma_start3A_665 : memref<16xf32, #tpu.memory_space<hbm>>) target_semaphore(%run_scoped3A : memref<!tpu.dma_semaphore, #tpu.memory_space<semaphore_mem>>)
          %dma_wait3A_668 = arith.constant 1040 : i32
          %dma_wait3A_669 = tpu.memref_slice %arg9[%dma_wait3A_668] : memref<1056xf32, #tpu.memory_space<vmem>> -> memref<16xf32, #tpu.memory_space<vmem>>
          %dma_wait3A_670 = tpu.memref_slice %arg6[%mul3A_661] : memref<512xf32, #tpu.memory_space<hbm>> -> memref<16xf32, #tpu.memory_space<hbm>>
          %dma_wait3A_671 = tpu.memref_slice %arg6[%mul3A_661] : memref<512xf32, #tpu.memory_space<hbm>> -> memref<16xf32, #tpu.memory_space<hbm>>
          %dma_wait3A_672 = arith.constant 1040 : i32
          %dma_wait3A_673 = tpu.memref_slice %arg9[%dma_wait3A_672] : memref<1056xf32, #tpu.memory_space<vmem>> -> memref<16xf32, #tpu.memory_space<vmem>>
          tpu.wait_dma2 semaphore(%run_scoped3A : memref<!tpu.dma_semaphore, #tpu.memory_space<semaphore_mem>>) src(%dma_wait3A_673 : memref<16xf32, #tpu.memory_space<vmem>>) dst(%dma_wait3A_671 : memref<16xf32, #tpu.memory_space<hbm>>)
          tpu.yield
        }) : () -> ()
      } else {
      }
      %mul3A_45 = arith.constant 8 : i32
      %mul3A_46 = arith.muli %select_n3A_41, %mul3A_45 : i32
      %dma_start3A = arith.constant 0 : i32
      %dma_start3A_47 = arith.constant 0 : i32
      %dma_start3A_48 = arith.constant 0 : i32
      %dma_start3A_49 = arith.constant 0 : i32
      %dma_start3A_50 = tpu.memref_slice %arg8[%dma_start3A, %dma_start3A_47, %dma_start3A_48, %dma_start3A_49] : memref<2x8x16x128xf32, #tpu.memory_space<vmem>> -> memref<1x8x16x128xf32, #tpu.memory_space<vmem>>
      %dma_start3A_51 = tpu.memref_squeeze %dma_start3A_50 : memref<1x8x16x128xf32, #tpu.memory_space<vmem>> -> memref<8x16x128xf32, #tpu.memory_space<vmem>>
      %dma_start3A_52 = arith.constant 0 : i32
      %dma_start3A_53 = arith.constant 0 : i32
      %dma_start3A_54 = tpu.memref_slice %arg2[%add3A_27, %mul3A_46, %dma_start3A_52, %dma_start3A_53] : memref<64x64x128x128xf32, #tpu.memory_space<hbm>> -> memref<1x8x16x128xf32, #tpu.memory_space<hbm>>
      %dma_start3A_55 = tpu.memref_squeeze %dma_start3A_54 : memref<1x8x16x128xf32, #tpu.memory_space<hbm>> -> memref<8x16x128xf32, #tpu.memory_space<hbm>>
      %dma_start3A_56 = arith.constant 0 : i32
      %dma_start3A_57 = arith.constant 0 : i32
      %dma_start3A_58 = arith.constant 0 : i32
      %dma_start3A_59 = tpu.memref_slice %arg8[%dma_start3A, %dma_start3A_56, %dma_start3A_57, %dma_start3A_58] : memref<2x8x16x128xf32, #tpu.memory_space<vmem>> -> memref<1x8x16x128xf32, #tpu.memory_space<vmem>>
      %dma_start3A_60 = tpu.memref_squeeze %dma_start3A_59 : memref<1x8x16x128xf32, #tpu.memory_space<vmem>> -> memref<8x16x128xf32, #tpu.memory_space<vmem>>
      %dma_start3A_61 = arith.constant 0 : i32
      %dma_start3A_62 = arith.constant 0 : i32
      %dma_start3A_63 = tpu.memref_slice %arg2[%add3A_27, %mul3A_46, %dma_start3A_61, %dma_start3A_62] : memref<64x64x128x128xf32, #tpu.memory_space<hbm>> -> memref<1x8x16x128xf32, #tpu.memory_space<hbm>>
      %dma_start3A_64 = tpu.memref_squeeze %dma_start3A_63 : memref<1x8x16x128xf32, #tpu.memory_space<hbm>> -> memref<8x16x128xf32, #tpu.memory_space<hbm>>
      tpu.enqueue_dma source(%dma_start3A_64 : memref<8x16x128xf32, #tpu.memory_space<hbm>>) target(%dma_start3A_60 : memref<8x16x128xf32, #tpu.memory_space<vmem>>) target_semaphore(%arg10 : memref<!tpu.dma_semaphore, #tpu.memory_space<semaphore_mem>>)
      %broadcast_in_dim3A = arith.constant 0.000000e+00 : f32
      %broadcast_in_dim3A_65 = vector.broadcast %broadcast_in_dim3A : f32 to vector<16xf32>
      %broadcast_in_dim3A_66 = arith.constant 0.000000e+00 : f32
      %broadcast_in_dim3A_67 = vector.broadcast %broadcast_in_dim3A_66 : f32 to vector<16xf32>
      %broadcast_in_dim3A_68 = arith.constant 0.000000e+00 : f32
      %broadcast_in_dim3A_69 = vector.broadcast %broadcast_in_dim3A_68 : f32 to vector<16xf32>
      %broadcast_in_dim3A_70 = arith.constant 0.000000e+00 : f32
      %broadcast_in_dim3A_71 = vector.broadcast %broadcast_in_dim3A_70 : f32 to vector<16xf32>
      %broadcast_in_dim3A_72 = arith.constant 0.000000e+00 : f32
      %broadcast_in_dim3A_73 = vector.broadcast %broadcast_in_dim3A_72 : f32 to vector<16xf32>
      %broadcast_in_dim3A_74 = arith.constant 0.000000e+00 : f32
      %broadcast_in_dim3A_75 = vector.broadcast %broadcast_in_dim3A_74 : f32 to vector<16xf32>
      %broadcast_in_dim3A_76 = arith.constant 0.000000e+00 : f32
      %broadcast_in_dim3A_77 = vector.broadcast %broadcast_in_dim3A_76 : f32 to vector<16xf32>
      %broadcast_in_dim3A_78 = arith.constant 0.000000e+00 : f32
      %broadcast_in_dim3A_79 = vector.broadcast %broadcast_in_dim3A_78 : f32 to vector<16xf32>
      %broadcast_in_dim3A_80 = arith.constant 0.000000e+00 : f32
      %broadcast_in_dim3A_81 = vector.broadcast %broadcast_in_dim3A_80 : f32 to vector<16xf32>
      %broadcast_in_dim3A_82 = arith.constant 0.000000e+00 : f32
      %broadcast_in_dim3A_83 = vector.broadcast %broadcast_in_dim3A_82 : f32 to vector<16xf32>
      %broadcast_in_dim3A_84 = arith.constant 0.000000e+00 : f32
      %broadcast_in_dim3A_85 = vector.broadcast %broadcast_in_dim3A_84 : f32 to vector<16xf32>
      %broadcast_in_dim3A_86 = arith.constant 0.000000e+00 : f32
      %broadcast_in_dim3A_87 = vector.broadcast %broadcast_in_dim3A_86 : f32 to vector<16xf32>
      %broadcast_in_dim3A_88 = arith.constant 0.000000e+00 : f32
      %broadcast_in_dim3A_89 = vector.broadcast %broadcast_in_dim3A_88 : f32 to vector<16xf32>
      %broadcast_in_dim3A_90 = arith.constant 0.000000e+00 : f32
      %broadcast_in_dim3A_91 = vector.broadcast %broadcast_in_dim3A_90 : f32 to vector<16xf32>
      %broadcast_in_dim3A_92 = arith.constant 0.000000e+00 : f32
      %broadcast_in_dim3A_93 = vector.broadcast %broadcast_in_dim3A_92 : f32 to vector<16xf32>
      %broadcast_in_dim3A_94 = arith.constant 0.000000e+00 : f32
      %broadcast_in_dim3A_95 = vector.broadcast %broadcast_in_dim3A_94 : f32 to vector<16xf32>
      %broadcast_in_dim3A_96 = arith.constant 0.000000e+00 : f32
      %broadcast_in_dim3A_97 = vector.broadcast %broadcast_in_dim3A_96 : f32 to vector<16xf32>
      %broadcast_in_dim3A_98 = arith.constant 0.000000e+00 : f32
      %broadcast_in_dim3A_99 = vector.broadcast %broadcast_in_dim3A_98 : f32 to vector<16xf32>
      %broadcast_in_dim3A_100 = arith.constant 0.000000e+00 : f32
      %broadcast_in_dim3A_101 = vector.broadcast %broadcast_in_dim3A_100 : f32 to vector<16xf32>
      %broadcast_in_dim3A_102 = arith.constant 0.000000e+00 : f32
      %broadcast_in_dim3A_103 = vector.broadcast %broadcast_in_dim3A_102 : f32 to vector<16xf32>
      %broadcast_in_dim3A_104 = arith.constant 0.000000e+00 : f32
      %broadcast_in_dim3A_105 = vector.broadcast %broadcast_in_dim3A_104 : f32 to vector<16xf32>
      %broadcast_in_dim3A_106 = arith.constant 0.000000e+00 : f32
      %broadcast_in_dim3A_107 = vector.broadcast %broadcast_in_dim3A_106 : f32 to vector<16xf32>
      %broadcast_in_dim3A_108 = arith.constant 0.000000e+00 : f32
      %broadcast_in_dim3A_109 = vector.broadcast %broadcast_in_dim3A_108 : f32 to vector<16xf32>
      %broadcast_in_dim3A_110 = arith.constant 0.000000e+00 : f32
      %broadcast_in_dim3A_111 = vector.broadcast %broadcast_in_dim3A_110 : f32 to vector<16xf32>
      %mul3A_112 = arith.constant 8 : i32
      %mul3A_113 = arith.muli %select_n3A_41, %mul3A_112 : i32
      %dma_start3A_114 = arith.constant 1 : i32
      %dma_start3A_115 = arith.constant 0 : i32
      %dma_start3A_116 = arith.constant 0 : i32
      %dma_start3A_117 = arith.constant 0 : i32
      %dma_start3A_118 = tpu.memref_slice %arg8[%dma_start3A_114, %dma_start3A_115, %dma_start3A_116, %dma_start3A_117] : memref<2x8x16x128xf32, #tpu.memory_space<vmem>> -> memref<1x8x16x128xf32, #tpu.memory_space<vmem>>
      %dma_start3A_119 = tpu.memref_squeeze %dma_start3A_118 : memref<1x8x16x128xf32, #tpu.memory_space<vmem>> -> memref<8x16x128xf32, #tpu.memory_space<vmem>>
      %dma_start3A_120 = arith.constant 16 : i32
      %dma_start3A_121 = arith.constant 0 : i32
      %dma_start3A_122 = tpu.memref_slice %arg2[%add3A_27, %mul3A_113, %dma_start3A_120, %dma_start3A_121] : memref<64x64x128x128xf32, #tpu.memory_space<hbm>> -> memref<1x8x16x128xf32, #tpu.memory_space<hbm>>
      %dma_start3A_123 = tpu.memref_squeeze %dma_start3A_122 : memref<1x8x16x128xf32, #tpu.memory_space<hbm>> -> memref<8x16x128xf32, #tpu.memory_space<hbm>>
      %dma_start3A_124 = arith.constant 0 : i32
      %dma_start3A_125 = arith.constant 0 : i32
      %dma_start3A_126 = arith.constant 0 : i32
      %dma_start3A_127 = tpu.memref_slice %arg8[%dma_start3A_114, %dma_start3A_124, %dma_start3A_125, %dma_start3A_126] : memref<2x8x16x128xf32, #tpu.memory_space<vmem>> -> memref<1x8x16x128xf32, #tpu.memory_space<vmem>>
      %dma_start3A_128 = tpu.memref_squeeze %dma_start3A_127 : memref<1x8x16x128xf32, #tpu.memory_space<vmem>> -> memref<8x16x128xf32, #tpu.memory_space<vmem>>
      %dma_start3A_129 = arith.constant 16 : i32
      %dma_start3A_130 = arith.constant 0 : i32
      %dma_start3A_131 = tpu.memref_slice %arg2[%add3A_27, %mul3A_113, %dma_start3A_129, %dma_start3A_130] : memref<64x64x128x128xf32, #tpu.memory_space<hbm>> -> memref<1x8x16x128xf32, #tpu.memory_space<hbm>>
      %dma_start3A_132 = tpu.memref_squeeze %dma_start3A_131 : memref<1x8x16x128xf32, #tpu.memory_space<hbm>> -> memref<8x16x128xf32, #tpu.memory_space<hbm>>
      tpu.enqueue_dma source(%dma_start3A_132 : memref<8x16x128xf32, #tpu.memory_space<hbm>>) target(%dma_start3A_128 : memref<8x16x128xf32, #tpu.memory_space<vmem>>) target_semaphore(%arg11 : memref<!tpu.dma_semaphore, #tpu.memory_space<semaphore_mem>>)
      %dma_wait3A = arith.constant 0 : i32
      %dma_wait3A_133 = arith.constant 0 : i32
      %dma_wait3A_134 = arith.constant 0 : i32
      %dma_wait3A_135 = arith.constant 0 : i32
      %dma_wait3A_136 = tpu.memref_slice %arg8[%dma_wait3A, %dma_wait3A_133, %dma_wait3A_134, %dma_wait3A_135] : memref<2x8x16x128xf32, #tpu.memory_space<vmem>> -> memref<1x8x16x128xf32, #tpu.memory_space<vmem>>
      %dma_wait3A_137 = tpu.memref_squeeze %dma_wait3A_136 : memref<1x8x16x128xf32, #tpu.memory_space<vmem>> -> memref<8x16x128xf32, #tpu.memory_space<vmem>>
      %dma_wait3A_138 = arith.constant 0 : i32
      %dma_wait3A_139 = arith.constant 0 : i32
      %dma_wait3A_140 = tpu.memref_slice %arg2[%add3A_27, %mul3A_46, %dma_wait3A_138, %dma_wait3A_139] : memref<64x64x128x128xf32, #tpu.memory_space<hbm>> -> memref<1x8x16x128xf32, #tpu.memory_space<hbm>>
      %dma_wait3A_141 = tpu.memref_squeeze %dma_wait3A_140 : memref<1x8x16x128xf32, #tpu.memory_space<hbm>> -> memref<8x16x128xf32, #tpu.memory_space<hbm>>
      %dma_wait3A_142 = arith.constant 0 : i32
      %dma_wait3A_143 = arith.constant 0 : i32
      %dma_wait3A_144 = arith.constant 0 : i32
      %dma_wait3A_145 = tpu.memref_slice %arg8[%dma_wait3A, %dma_wait3A_142, %dma_wait3A_143, %dma_wait3A_144] : memref<2x8x16x128xf32, #tpu.memory_space<vmem>> -> memref<1x8x16x128xf32, #tpu.memory_space<vmem>>
      %dma_wait3A_146 = tpu.memref_squeeze %dma_wait3A_145 : memref<1x8x16x128xf32, #tpu.memory_space<vmem>> -> memref<8x16x128xf32, #tpu.memory_space<vmem>>
      %dma_wait3A_147 = arith.constant 0 : i32
      %dma_wait3A_148 = arith.constant 0 : i32
      %dma_wait3A_149 = tpu.memref_slice %arg2[%add3A_27, %mul3A_46, %dma_wait3A_147, %dma_wait3A_148] : memref<64x64x128x128xf32, #tpu.memory_space<hbm>> -> memref<1x8x16x128xf32, #tpu.memory_space<hbm>>
      %dma_wait3A_150 = tpu.memref_squeeze %dma_wait3A_149 : memref<1x8x16x128xf32, #tpu.memory_space<hbm>> -> memref<8x16x128xf32, #tpu.memory_space<hbm>>
      tpu.wait_dma2 semaphore(%arg10 : memref<!tpu.dma_semaphore, #tpu.memory_space<semaphore_mem>>) src(%dma_wait3A_150 : memref<8x16x128xf32, #tpu.memory_space<hbm>>) dst(%dma_wait3A_146 : memref<8x16x128xf32, #tpu.memory_space<vmem>>)
      %parallel_loop3A = arith.constant 0 : i32
      %parallel_loop3A_151 = arith.constant 128 : i32
      %parallel_loop3A_152 = arith.constant 1 : i32
      %parallel_loop3A_153:24 = scf.for %parallel_loop3A_636 = %parallel_loop3A to %parallel_loop3A_151 step %parallel_loop3A_152 iter_args(%parallel_loop3A_637 = %broadcast_in_dim3A_65, %parallel_loop3A_638 = %broadcast_in_dim3A_67, %parallel_loop3A_639 = %broadcast_in_dim3A_69, %parallel_loop3A_640 = %broadcast_in_dim3A_71, %parallel_loop3A_641 = %broadcast_in_dim3A_73, %parallel_loop3A_642 = %broadcast_in_dim3A_75, %parallel_loop3A_643 = %broadcast_in_dim3A_77, %parallel_loop3A_644 = %broadcast_in_dim3A_79, %parallel_loop3A_645 = %broadcast_in_dim3A_81, %parallel_loop3A_646 = %broadcast_in_dim3A_83, %parallel_loop3A_647 = %broadcast_in_dim3A_85, %parallel_loop3A_648 = %broadcast_in_dim3A_87, %parallel_loop3A_649 = %broadcast_in_dim3A_89, %parallel_loop3A_650 = %broadcast_in_dim3A_91, %parallel_loop3A_651 = %broadcast_in_dim3A_93, %parallel_loop3A_652 = %broadcast_in_dim3A_95, %parallel_loop3A_653 = %broadcast_in_dim3A_97, %parallel_loop3A_654 = %broadcast_in_dim3A_99, %parallel_loop3A_655 = %broadcast_in_dim3A_101, %parallel_loop3A_656 = %broadcast_in_dim3A_103, %parallel_loop3A_657 = %broadcast_in_dim3A_105, %parallel_loop3A_658 = %broadcast_in_dim3A_107, %parallel_loop3A_659 = %broadcast_in_dim3A_109, %parallel_loop3A_660 = %broadcast_in_dim3A_111) -> (vector<16xf32>, vector<16xf32>, vector<16xf32>, vector<16xf32>, vector<16xf32>, vector<16xf32>, vector<16xf32>, vector<16xf32>, vector<16xf32>, vector<16xf32>, vector<16xf32>, vector<16xf32>, vector<16xf32>, vector<16xf32>, vector<16xf32>, vector<16xf32>, vector<16xf32>, vector<16xf32>, vector<16xf32>, vector<16xf32>, vector<16xf32>, vector<16xf32>, vector<16xf32>, vector<16xf32>)  : i32 {
        %parallel_loop3A_661 = arith.constant 3 : i32
        %parallel_loop3A_662 = arith.shrsi %parallel_loop3A_636, %parallel_loop3A_661 : i32
        %parallel_loop3A_663 = arith.constant 7 : i32
        %parallel_loop3A_664 = arith.andi %parallel_loop3A_636, %parallel_loop3A_663 : i32
        %parallel_loop3A_665 = arith.constant 16 : i32
        %parallel_loop3A_666 = arith.muli %parallel_loop3A_664, %parallel_loop3A_665 : i32
        %parallel_loop3A_667 = arith.constant 0 : i32
        %parallel_loop3A_668 = arith.addi %parallel_loop3A_667, %parallel_loop3A_662 : i32
        %parallel_loop3A_669 = arith.constant 0 : i32
        %parallel_loop3A_670 = arith.index_cast %parallel_loop3A_669 : i32 to index
        %parallel_loop3A_671 = arith.index_cast %parallel_loop3A_668 : i32 to index
        %parallel_loop3A_672 = arith.index_cast %parallel_loop3A_666 : i32 to index
        %parallel_loop3A_673 = tpu.vector_load %arg7[%parallel_loop3A_670, %parallel_loop3A_671, %parallel_loop3A_672] {strides = array<i32>} : memref<2x128x128xf32, #tpu.memory_space<vmem>>, vector<1x1x16xf32>,
        %parallel_loop3A_674 = vector.shape_cast %parallel_loop3A_673 : vector<1x1x16xf32> to vector<16xf32>
        %parallel_loop3A_675 = arith.constant 0 : i32
        %parallel_loop3A_676 = arith.addi %parallel_loop3A_675, %parallel_loop3A_662 : i32
        %parallel_loop3A_677 = arith.constant 1 : i32
        %parallel_loop3A_678 = arith.index_cast %parallel_loop3A_677 : i32 to index
        %parallel_loop3A_679 = arith.index_cast %parallel_loop3A_676 : i32 to index
        %parallel_loop3A_680 = arith.index_cast %parallel_loop3A_666 : i32 to index
        %parallel_loop3A_681 = tpu.vector_load %arg7[%parallel_loop3A_678, %parallel_loop3A_679, %parallel_loop3A_680] {strides = array<i32>} : memref<2x128x128xf32, #tpu.memory_space<vmem>>, vector<1x1x16xf32>,
        %parallel_loop3A_682 = vector.shape_cast %parallel_loop3A_681 : vector<1x1x16xf32> to vector<16xf32>
        %parallel_loop3A_683 = arith.constant 0 : i32
        %parallel_loop3A_684 = arith.constant 0 : i32
        %parallel_loop3A_685 = arith.index_cast %parallel_loop3A_683 : i32 to index
        %parallel_loop3A_686 = arith.index_cast %parallel_loop3A_684 : i32 to index
        %parallel_loop3A_687 = arith.index_cast %parallel_loop3A_662 : i32 to index
        %parallel_loop3A_688 = arith.index_cast %parallel_loop3A_666 : i32 to index
        %parallel_loop3A_689 = tpu.vector_load %arg8[%parallel_loop3A_685, %parallel_loop3A_686, %parallel_loop3A_687, %parallel_loop3A_688] {strides = array<i32>} : memref<2x8x16x128xf32, #tpu.memory_space<vmem>>, vector<1x1x1x16xf32>,
        %parallel_loop3A_690 = vector.shape_cast %parallel_loop3A_689 : vector<1x1x1x16xf32> to vector<16xf32>
        %parallel_loop3A_691 = arith.mulf %parallel_loop3A_690, %parallel_loop3A_674 : vector<16xf32>
        %parallel_loop3A_692 = arith.addf %parallel_loop3A_637, %parallel_loop3A_691 : vector<16xf32>
        %parallel_loop3A_693 = arith.mulf %parallel_loop3A_690, %parallel_loop3A_682 : vector<16xf32>
        %parallel_loop3A_694 = arith.addf %parallel_loop3A_645, %parallel_loop3A_693 : vector<16xf32>
        %parallel_loop3A_695 = arith.addf %parallel_loop3A_653, %parallel_loop3A_690 : vector<16xf32>
        %parallel_loop3A_696 = arith.constant 0 : i32
        %parallel_loop3A_697 = arith.constant 1 : i32
        %parallel_loop3A_698 = arith.index_cast %parallel_loop3A_696 : i32 to index
        %parallel_loop3A_699 = arith.index_cast %parallel_loop3A_697 : i32 to index
        %parallel_loop3A_700 = arith.index_cast %parallel_loop3A_662 : i32 to index
        %parallel_loop3A_701 = arith.index_cast %parallel_loop3A_666 : i32 to index
        %parallel_loop3A_702 = tpu.vector_load %arg8[%parallel_loop3A_698, %parallel_loop3A_699, %parallel_loop3A_700, %parallel_loop3A_701] {strides = array<i32>} : memref<2x8x16x128xf32, #tpu.memory_space<vmem>>, vector<1x1x1x16xf32>,
        %parallel_loop3A_703 = vector.shape_cast %parallel_loop3A_702 : vector<1x1x1x16xf32> to vector<16xf32>
        %parallel_loop3A_704 = arith.mulf %parallel_loop3A_703, %parallel_loop3A_674 : vector<16xf32>
        %parallel_loop3A_705 = arith.addf %parallel_loop3A_638, %parallel_loop3A_704 : vector<16xf32>
        %parallel_loop3A_706 = arith.mulf %parallel_loop3A_703, %parallel_loop3A_682 : vector<16xf32>
        %parallel_loop3A_707 = arith.addf %parallel_loop3A_646, %parallel_loop3A_706 : vector<16xf32>
        %parallel_loop3A_708 = arith.addf %parallel_loop3A_654, %parallel_loop3A_703 : vector<16xf32>
        %parallel_loop3A_709 = arith.constant 0 : i32
        %parallel_loop3A_710 = arith.constant 2 : i32
        %parallel_loop3A_711 = arith.index_cast %parallel_loop3A_709 : i32 to index
        %parallel_loop3A_712 = arith.index_cast %parallel_loop3A_710 : i32 to index
        %parallel_loop3A_713 = arith.index_cast %parallel_loop3A_662 : i32 to index
        %parallel_loop3A_714 = arith.index_cast %parallel_loop3A_666 : i32 to index
        %parallel_loop3A_715 = tpu.vector_load %arg8[%parallel_loop3A_711, %parallel_loop3A_712, %parallel_loop3A_713, %parallel_loop3A_714] {strides = array<i32>} : memref<2x8x16x128xf32, #tpu.memory_space<vmem>>, vector<1x1x1x16xf32>,
        %parallel_loop3A_716 = vector.shape_cast %parallel_loop3A_715 : vector<1x1x1x16xf32> to vector<16xf32>
        %parallel_loop3A_717 = arith.mulf %parallel_loop3A_716, %parallel_loop3A_674 : vector<16xf32>
        %parallel_loop3A_718 = arith.addf %parallel_loop3A_639, %parallel_loop3A_717 : vector<16xf32>
        %parallel_loop3A_719 = arith.mulf %parallel_loop3A_716, %parallel_loop3A_682 : vector<16xf32>
        %parallel_loop3A_720 = arith.addf %parallel_loop3A_647, %parallel_loop3A_719 : vector<16xf32>
        %parallel_loop3A_721 = arith.addf %parallel_loop3A_655, %parallel_loop3A_716 : vector<16xf32>
        %parallel_loop3A_722 = arith.constant 0 : i32
        %parallel_loop3A_723 = arith.constant 3 : i32
        %parallel_loop3A_724 = arith.index_cast %parallel_loop3A_722 : i32 to index
        %parallel_loop3A_725 = arith.index_cast %parallel_loop3A_723 : i32 to index
        %parallel_loop3A_726 = arith.index_cast %parallel_loop3A_662 : i32 to index
        %parallel_loop3A_727 = arith.index_cast %parallel_loop3A_666 : i32 to index
        %parallel_loop3A_728 = tpu.vector_load %arg8[%parallel_loop3A_724, %parallel_loop3A_725, %parallel_loop3A_726, %parallel_loop3A_727] {strides = array<i32>} : memref<2x8x16x128xf32, #tpu.memory_space<vmem>>, vector<1x1x1x16xf32>,
        %parallel_loop3A_729 = vector.shape_cast %parallel_loop3A_728 : vector<1x1x1x16xf32> to vector<16xf32>
        %parallel_loop3A_730 = arith.mulf %parallel_loop3A_729, %parallel_loop3A_674 : vector<16xf32>
        %parallel_loop3A_731 = arith.addf %parallel_loop3A_640, %parallel_loop3A_730 : vector<16xf32>
        %parallel_loop3A_732 = arith.mulf %parallel_loop3A_729, %parallel_loop3A_682 : vector<16xf32>
        %parallel_loop3A_733 = arith.addf %parallel_loop3A_648, %parallel_loop3A_732 : vector<16xf32>
        %parallel_loop3A_734 = arith.addf %parallel_loop3A_656, %parallel_loop3A_729 : vector<16xf32>
        %parallel_loop3A_735 = arith.constant 0 : i32
        %parallel_loop3A_736 = arith.constant 4 : i32
        %parallel_loop3A_737 = arith.index_cast %parallel_loop3A_735 : i32 to index
        %parallel_loop3A_738 = arith.index_cast %parallel_loop3A_736 : i32 to index
        %parallel_loop3A_739 = arith.index_cast %parallel_loop3A_662 : i32 to index
        %parallel_loop3A_740 = arith.index_cast %parallel_loop3A_666 : i32 to index
        %parallel_loop3A_741 = tpu.vector_load %arg8[%parallel_loop3A_737, %parallel_loop3A_738, %parallel_loop3A_739, %parallel_loop3A_740] {strides = array<i32>} : memref<2x8x16x128xf32, #tpu.memory_space<vmem>>, vector<1x1x1x16xf32>,
        %parallel_loop3A_742 = vector.shape_cast %parallel_loop3A_741 : vector<1x1x1x16xf32> to vector<16xf32>
        %parallel_loop3A_743 = arith.mulf %parallel_loop3A_742, %parallel_loop3A_674 : vector<16xf32>
        %parallel_loop3A_744 = arith.addf %parallel_loop3A_641, %parallel_loop3A_743 : vector<16xf32>
        %parallel_loop3A_745 = arith.mulf %parallel_loop3A_742, %parallel_loop3A_682 : vector<16xf32>
        %parallel_loop3A_746 = arith.addf %parallel_loop3A_649, %parallel_loop3A_745 : vector<16xf32>
        %parallel_loop3A_747 = arith.addf %parallel_loop3A_657, %parallel_loop3A_742 : vector<16xf32>
        %parallel_loop3A_748 = arith.constant 0 : i32
        %parallel_loop3A_749 = arith.constant 5 : i32
        %parallel_loop3A_750 = arith.index_cast %parallel_loop3A_748 : i32 to index
        %parallel_loop3A_751 = arith.index_cast %parallel_loop3A_749 : i32 to index
        %parallel_loop3A_752 = arith.index_cast %parallel_loop3A_662 : i32 to index
        %parallel_loop3A_753 = arith.index_cast %parallel_loop3A_666 : i32 to index
        %parallel_loop3A_754 = tpu.vector_load %arg8[%parallel_loop3A_750, %parallel_loop3A_751, %parallel_loop3A_752, %parallel_loop3A_753] {strides = array<i32>} : memref<2x8x16x128xf32, #tpu.memory_space<vmem>>, vector<1x1x1x16xf32>,
        %parallel_loop3A_755 = vector.shape_cast %parallel_loop3A_754 : vector<1x1x1x16xf32> to vector<16xf32>
        %parallel_loop3A_756 = arith.mulf %parallel_loop3A_755, %parallel_loop3A_674 : vector<16xf32>
        %parallel_loop3A_757 = arith.addf %parallel_loop3A_642, %parallel_loop3A_756 : vector<16xf32>
        %parallel_loop3A_758 = arith.mulf %parallel_loop3A_755, %parallel_loop3A_682 : vector<16xf32>
        %parallel_loop3A_759 = arith.addf %parallel_loop3A_650, %parallel_loop3A_758 : vector<16xf32>
        %parallel_loop3A_760 = arith.addf %parallel_loop3A_658, %parallel_loop3A_755 : vector<16xf32>
        %parallel_loop3A_761 = arith.constant 0 : i32
        %parallel_loop3A_762 = arith.constant 6 : i32
        %parallel_loop3A_763 = arith.index_cast %parallel_loop3A_761 : i32 to index
        %parallel_loop3A_764 = arith.index_cast %parallel_loop3A_762 : i32 to index
        %parallel_loop3A_765 = arith.index_cast %parallel_loop3A_662 : i32 to index
        %parallel_loop3A_766 = arith.index_cast %parallel_loop3A_666 : i32 to index
        %parallel_loop3A_767 = tpu.vector_load %arg8[%parallel_loop3A_763, %parallel_loop3A_764, %parallel_loop3A_765, %parallel_loop3A_766] {strides = array<i32>} : memref<2x8x16x128xf32, #tpu.memory_space<vmem>>, vector<1x1x1x16xf32>,
        %parallel_loop3A_768 = vector.shape_cast %parallel_loop3A_767 : vector<1x1x1x16xf32> to vector<16xf32>
        %parallel_loop3A_769 = arith.mulf %parallel_loop3A_768, %parallel_loop3A_674 : vector<16xf32>
        %parallel_loop3A_770 = arith.addf %parallel_loop3A_643, %parallel_loop3A_769 : vector<16xf32>
        %parallel_loop3A_771 = arith.mulf %parallel_loop3A_768, %parallel_loop3A_682 : vector<16xf32>
        %parallel_loop3A_772 = arith.addf %parallel_loop3A_651, %parallel_loop3A_771 : vector<16xf32>
        %parallel_loop3A_773 = arith.addf %parallel_loop3A_659, %parallel_loop3A_768 : vector<16xf32>
        %parallel_loop3A_774 = arith.constant 0 : i32
        %parallel_loop3A_775 = arith.constant 7 : i32
        %parallel_loop3A_776 = arith.index_cast %parallel_loop3A_774 : i32 to index
        %parallel_loop3A_777 = arith.index_cast %parallel_loop3A_775 : i32 to index
        %parallel_loop3A_778 = arith.index_cast %parallel_loop3A_662 : i32 to index
        %parallel_loop3A_779 = arith.index_cast %parallel_loop3A_666 : i32 to index
        %parallel_loop3A_780 = tpu.vector_load %arg8[%parallel_loop3A_776, %parallel_loop3A_777, %parallel_loop3A_778, %parallel_loop3A_779] {strides = array<i32>} : memref<2x8x16x128xf32, #tpu.memory_space<vmem>>, vector<1x1x1x16xf32>,
        %parallel_loop3A_781 = vector.shape_cast %parallel_loop3A_780 : vector<1x1x1x16xf32> to vector<16xf32>
        %parallel_loop3A_782 = arith.mulf %parallel_loop3A_781, %parallel_loop3A_674 : vector<16xf32>
        %parallel_loop3A_783 = arith.addf %parallel_loop3A_644, %parallel_loop3A_782 : vector<16xf32>
        %parallel_loop3A_784 = arith.mulf %parallel_loop3A_781, %parallel_loop3A_682 : vector<16xf32>
        %parallel_loop3A_785 = arith.addf %parallel_loop3A_652, %parallel_loop3A_784 : vector<16xf32>
        %parallel_loop3A_786 = arith.addf %parallel_loop3A_660, %parallel_loop3A_781 : vector<16xf32>
        scf.yield %parallel_loop3A_692, %parallel_loop3A_705, %parallel_loop3A_718, %parallel_loop3A_731, %parallel_loop3A_744, %parallel_loop3A_757, %parallel_loop3A_770, %parallel_loop3A_783, %parallel_loop3A_694, %parallel_loop3A_707, %parallel_loop3A_720, %parallel_loop3A_733, %parallel_loop3A_746, %parallel_loop3A_759, %parallel_loop3A_772, %parallel_loop3A_785, %parallel_loop3A_695, %parallel_loop3A_708, %parallel_loop3A_721, %parallel_loop3A_734, %parallel_loop3A_747, %parallel_loop3A_760, %parallel_loop3A_773, %parallel_loop3A_786 : vector<16xf32>, vector<16xf32>, vector<16xf32>, vector<16xf32>, vector<16xf32>, vector<16xf32>, vector<16xf32>, vector<16xf32>, vector<16xf32>, vector<16xf32>, vector<16xf32>, vector<16xf32>, vector<16xf32>, vector<16xf32>, vector<16xf32>, vector<16xf32>, vector<16xf32>, vector<16xf32>, vector<16xf32>, vector<16xf32>, vector<16xf32>, vector<16xf32>, vector<16xf32>, vector<16xf32>
      } {sc.loop_unroll_factor = 4 : i64, sc.parallel_access}
      %mul3A_154 = arith.constant 8 : i32
      %mul3A_155 = arith.muli %select_n3A_41, %mul3A_154 : i32
      %dma_start3A_156 = arith.constant 0 : i32
      %dma_start3A_157 = arith.constant 0 : i32
      %dma_start3A_158 = arith.constant 0 : i32
      %dma_start3A_159 = arith.constant 0 : i32
      %dma_start3A_160 = tpu.memref_slice %arg8[%dma_start3A_156, %dma_start3A_157, %dma_start3A_158, %dma_start3A_159] : memref<2x8x16x128xf32, #tpu.memory_space<vmem>> -> memref<1x8x16x128xf32, #tpu.memory_space<vmem>>
      %dma_start3A_161 = tpu.memref_squeeze %dma_start3A_160 : memref<1x8x16x128xf32, #tpu.memory_space<vmem>> -> memref<8x16x128xf32, #tpu.memory_space<vmem>>
      %dma_start3A_162 = arith.constant 32 : i32
      %dma_start3A_163 = arith.constant 0 : i32
      %dma_start3A_164 = tpu.memref_slice %arg2[%add3A_27, %mul3A_155, %dma_start3A_162, %dma_start3A_163] : memref<64x64x128x128xf32, #tpu.memory_space<hbm>> -> memref<1x8x16x128xf32, #tpu.memory_space<hbm>>
      %dma_start3A_165 = tpu.memref_squeeze %dma_start3A_164 : memref<1x8x16x128xf32, #tpu.memory_space<hbm>> -> memref<8x16x128xf32, #tpu.memory_space<hbm>>
      %dma_start3A_166 = arith.constant 0 : i32
      %dma_start3A_167 = arith.constant 0 : i32
      %dma_start3A_168 = arith.constant 0 : i32
      %dma_start3A_169 = tpu.memref_slice %arg8[%dma_start3A_156, %dma_start3A_166, %dma_start3A_167, %dma_start3A_168] : memref<2x8x16x128xf32, #tpu.memory_space<vmem>> -> memref<1x8x16x128xf32, #tpu.memory_space<vmem>>
      %dma_start3A_170 = tpu.memref_squeeze %dma_start3A_169 : memref<1x8x16x128xf32, #tpu.memory_space<vmem>> -> memref<8x16x128xf32, #tpu.memory_space<vmem>>
      %dma_start3A_171 = arith.constant 32 : i32
      %dma_start3A_172 = arith.constant 0 : i32
      %dma_start3A_173 = tpu.memref_slice %arg2[%add3A_27, %mul3A_155, %dma_start3A_171, %dma_start3A_172] : memref<64x64x128x128xf32, #tpu.memory_space<hbm>> -> memref<1x8x16x128xf32, #tpu.memory_space<hbm>>
      %dma_start3A_174 = tpu.memref_squeeze %dma_start3A_173 : memref<1x8x16x128xf32, #tpu.memory_space<hbm>> -> memref<8x16x128xf32, #tpu.memory_space<hbm>>
      tpu.enqueue_dma source(%dma_start3A_174 : memref<8x16x128xf32, #tpu.memory_space<hbm>>) target(%dma_start3A_170 : memref<8x16x128xf32, #tpu.memory_space<vmem>>) target_semaphore(%arg10 : memref<!tpu.dma_semaphore, #tpu.memory_space<semaphore_mem>>)
      %dma_wait3A_175 = arith.constant 1 : i32
      %dma_wait3A_176 = arith.constant 0 : i32
      %dma_wait3A_177 = arith.constant 0 : i32
      %dma_wait3A_178 = arith.constant 0 : i32
      %dma_wait3A_179 = tpu.memref_slice %arg8[%dma_wait3A_175, %dma_wait3A_176, %dma_wait3A_177, %dma_wait3A_178] : memref<2x8x16x128xf32, #tpu.memory_space<vmem>> -> memref<1x8x16x128xf32, #tpu.memory_space<vmem>>
      %dma_wait3A_180 = tpu.memref_squeeze %dma_wait3A_179 : memref<1x8x16x128xf32, #tpu.memory_space<vmem>> -> memref<8x16x128xf32, #tpu.memory_space<vmem>>
      %dma_wait3A_181 = arith.constant 16 : i32
      %dma_wait3A_182 = arith.constant 0 : i32
      %dma_wait3A_183 = tpu.memref_slice %arg2[%add3A_27, %mul3A_113, %dma_wait3A_181, %dma_wait3A_182] : memref<64x64x128x128xf32, #tpu.memory_space<hbm>> -> memref<1x8x16x128xf32, #tpu.memory_space<hbm>>
      %dma_wait3A_184 = tpu.memref_squeeze %dma_wait3A_183 : memref<1x8x16x128xf32, #tpu.memory_space<hbm>> -> memref<8x16x128xf32, #tpu.memory_space<hbm>>
      %dma_wait3A_185 = arith.constant 0 : i32
      %dma_wait3A_186 = arith.constant 0 : i32
      %dma_wait3A_187 = arith.constant 0 : i32
      %dma_wait3A_188 = tpu.memref_slice %arg8[%dma_wait3A_175, %dma_wait3A_185, %dma_wait3A_186, %dma_wait3A_187] : memref<2x8x16x128xf32, #tpu.memory_space<vmem>> -> memref<1x8x16x128xf32, #tpu.memory_space<vmem>>
      %dma_wait3A_189 = tpu.memref_squeeze %dma_wait3A_188 : memref<1x8x16x128xf32, #tpu.memory_space<vmem>> -> memref<8x16x128xf32, #tpu.memory_space<vmem>>
      %dma_wait3A_190 = arith.constant 16 : i32
      %dma_wait3A_191 = arith.constant 0 : i32
      %dma_wait3A_192 = tpu.memref_slice %arg2[%add3A_27, %mul3A_113, %dma_wait3A_190, %dma_wait3A_191] : memref<64x64x128x128xf32, #tpu.memory_space<hbm>> -> memref<1x8x16x128xf32, #tpu.memory_space<hbm>>
      %dma_wait3A_193 = tpu.memref_squeeze %dma_wait3A_192 : memref<1x8x16x128xf32, #tpu.memory_space<hbm>> -> memref<8x16x128xf32, #tpu.memory_space<hbm>>
      tpu.wait_dma2 semaphore(%arg11 : memref<!tpu.dma_semaphore, #tpu.memory_space<semaphore_mem>>) src(%dma_wait3A_193 : memref<8x16x128xf32, #tpu.memory_space<hbm>>) dst(%dma_wait3A_189 : memref<8x16x128xf32, #tpu.memory_space<vmem>>)
      %parallel_loop3A_194 = arith.constant 0 : i32
      %parallel_loop3A_195 = arith.constant 128 : i32
      %parallel_loop3A_196 = arith.constant 1 : i32
      %parallel_loop3A_197:24 = scf.for %parallel_loop3A_636 = %parallel_loop3A_194 to %parallel_loop3A_195 step %parallel_loop3A_196 iter_args(%parallel_loop3A_637 = %parallel_loop3A_153#0, %parallel_loop3A_638 = %parallel_loop3A_153#1, %parallel_loop3A_639 = %parallel_loop3A_153#2, %parallel_loop3A_640 = %parallel_loop3A_153#3, %parallel_loop3A_641 = %parallel_loop3A_153#4, %parallel_loop3A_642 = %parallel_loop3A_153#5, %parallel_loop3A_643 = %parallel_loop3A_153#6, %parallel_loop3A_644 = %parallel_loop3A_153#7, %parallel_loop3A_645 = %parallel_loop3A_153#8, %parallel_loop3A_646 = %parallel_loop3A_153#9, %parallel_loop3A_647 = %parallel_loop3A_153#10, %parallel_loop3A_648 = %parallel_loop3A_153#11, %parallel_loop3A_649 = %parallel_loop3A_153#12, %parallel_loop3A_650 = %parallel_loop3A_153#13, %parallel_loop3A_651 = %parallel_loop3A_153#14, %parallel_loop3A_652 = %parallel_loop3A_153#15, %parallel_loop3A_653 = %parallel_loop3A_153#16, %parallel_loop3A_654 = %parallel_loop3A_153#17, %parallel_loop3A_655 = %parallel_loop3A_153#18, %parallel_loop3A_656 = %parallel_loop3A_153#19, %parallel_loop3A_657 = %parallel_loop3A_153#20, %parallel_loop3A_658 = %parallel_loop3A_153#21, %parallel_loop3A_659 = %parallel_loop3A_153#22, %parallel_loop3A_660 = %parallel_loop3A_153#23) -> (vector<16xf32>, vector<16xf32>, vector<16xf32>, vector<16xf32>, vector<16xf32>, vector<16xf32>, vector<16xf32>, vector<16xf32>, vector<16xf32>, vector<16xf32>, vector<16xf32>, vector<16xf32>, vector<16xf32>, vector<16xf32>, vector<16xf32>, vector<16xf32>, vector<16xf32>, vector<16xf32>, vector<16xf32>, vector<16xf32>, vector<16xf32>, vector<16xf32>, vector<16xf32>, vector<16xf32>)  : i32 {
        %parallel_loop3A_661 = arith.constant 3 : i32
        %parallel_loop3A_662 = arith.shrsi %parallel_loop3A_636, %parallel_loop3A_661 : i32
        %parallel_loop3A_663 = arith.constant 7 : i32
        %parallel_loop3A_664 = arith.andi %parallel_loop3A_636, %parallel_loop3A_663 : i32
        %parallel_loop3A_665 = arith.constant 16 : i32
        %parallel_loop3A_666 = arith.muli %parallel_loop3A_664, %parallel_loop3A_665 : i32
        %parallel_loop3A_667 = arith.constant 16 : i32
        %parallel_loop3A_668 = arith.addi %parallel_loop3A_667, %parallel_loop3A_662 : i32
        %parallel_loop3A_669 = arith.constant 0 : i32
        %parallel_loop3A_670 = arith.index_cast %parallel_loop3A_669 : i32 to index
        %parallel_loop3A_671 = arith.index_cast %parallel_loop3A_668 : i32 to index
        %parallel_loop3A_672 = arith.index_cast %parallel_loop3A_666 : i32 to index
        %parallel_loop3A_673 = tpu.vector_load %arg7[%parallel_loop3A_670, %parallel_loop3A_671, %parallel_loop3A_672] {strides = array<i32>} : memref<2x128x128xf32, #tpu.memory_space<vmem>>, vector<1x1x16xf32>,
        %parallel_loop3A_674 = vector.shape_cast %parallel_loop3A_673 : vector<1x1x16xf32> to vector<16xf32>
        %parallel_loop3A_675 = arith.constant 16 : i32
        %parallel_loop3A_676 = arith.addi %parallel_loop3A_675, %parallel_loop3A_662 : i32
        %parallel_loop3A_677 = arith.constant 1 : i32
        %parallel_loop3A_678 = arith.index_cast %parallel_loop3A_677 : i32 to index
        %parallel_loop3A_679 = arith.index_cast %parallel_loop3A_676 : i32 to index
        %parallel_loop3A_680 = arith.index_cast %parallel_loop3A_666 : i32 to index
        %parallel_loop3A_681 = tpu.vector_load %arg7[%parallel_loop3A_678, %parallel_loop3A_679, %parallel_loop3A_680] {strides = array<i32>} : memref<2x128x128xf32, #tpu.memory_space<vmem>>, vector<1x1x16xf32>,
        %parallel_loop3A_682 = vector.shape_cast %parallel_loop3A_681 : vector<1x1x16xf32> to vector<16xf32>
        %parallel_loop3A_683 = arith.constant 1 : i32
        %parallel_loop3A_684 = arith.constant 0 : i32
        %parallel_loop3A_685 = arith.index_cast %parallel_loop3A_683 : i32 to index
        %parallel_loop3A_686 = arith.index_cast %parallel_loop3A_684 : i32 to index
        %parallel_loop3A_687 = arith.index_cast %parallel_loop3A_662 : i32 to index
        %parallel_loop3A_688 = arith.index_cast %parallel_loop3A_666 : i32 to index
        %parallel_loop3A_689 = tpu.vector_load %arg8[%parallel_loop3A_685, %parallel_loop3A_686, %parallel_loop3A_687, %parallel_loop3A_688] {strides = array<i32>} : memref<2x8x16x128xf32, #tpu.memory_space<vmem>>, vector<1x1x1x16xf32>,
        %parallel_loop3A_690 = vector.shape_cast %parallel_loop3A_689 : vector<1x1x1x16xf32> to vector<16xf32>
        %parallel_loop3A_691 = arith.mulf %parallel_loop3A_690, %parallel_loop3A_674 : vector<16xf32>
        %parallel_loop3A_692 = arith.addf %parallel_loop3A_637, %parallel_loop3A_691 : vector<16xf32>
        %parallel_loop3A_693 = arith.mulf %parallel_loop3A_690, %parallel_loop3A_682 : vector<16xf32>
        %parallel_loop3A_694 = arith.addf %parallel_loop3A_645, %parallel_loop3A_693 : vector<16xf32>
        %parallel_loop3A_695 = arith.addf %parallel_loop3A_653, %parallel_loop3A_690 : vector<16xf32>
        %parallel_loop3A_696 = arith.constant 1 : i32
        %parallel_loop3A_697 = arith.constant 1 : i32
        %parallel_loop3A_698 = arith.index_cast %parallel_loop3A_696 : i32 to index
        %parallel_loop3A_699 = arith.index_cast %parallel_loop3A_697 : i32 to index
        %parallel_loop3A_700 = arith.index_cast %parallel_loop3A_662 : i32 to index
        %parallel_loop3A_701 = arith.index_cast %parallel_loop3A_666 : i32 to index
        %parallel_loop3A_702 = tpu.vector_load %arg8[%parallel_loop3A_698, %parallel_loop3A_699, %parallel_loop3A_700, %parallel_loop3A_701] {strides = array<i32>} : memref<2x8x16x128xf32, #tpu.memory_space<vmem>>, vector<1x1x1x16xf32>,
        %parallel_loop3A_703 = vector.shape_cast %parallel_loop3A_702 : vector<1x1x1x16xf32> to vector<16xf32>
        %parallel_loop3A_704 = arith.mulf %parallel_loop3A_703, %parallel_loop3A_674 : vector<16xf32>
        %parallel_loop3A_705 = arith.addf %parallel_loop3A_638, %parallel_loop3A_704 : vector<16xf32>
        %parallel_loop3A_706 = arith.mulf %parallel_loop3A_703, %parallel_loop3A_682 : vector<16xf32>
        %parallel_loop3A_707 = arith.addf %parallel_loop3A_646, %parallel_loop3A_706 : vector<16xf32>
        %parallel_loop3A_708 = arith.addf %parallel_loop3A_654, %parallel_loop3A_703 : vector<16xf32>
        %parallel_loop3A_709 = arith.constant 1 : i32
        %parallel_loop3A_710 = arith.constant 2 : i32
        %parallel_loop3A_711 = arith.index_cast %parallel_loop3A_709 : i32 to index
        %parallel_loop3A_712 = arith.index_cast %parallel_loop3A_710 : i32 to index
        %parallel_loop3A_713 = arith.index_cast %parallel_loop3A_662 : i32 to index
        %parallel_loop3A_714 = arith.index_cast %parallel_loop3A_666 : i32 to index
        %parallel_loop3A_715 = tpu.vector_load %arg8[%parallel_loop3A_711, %parallel_loop3A_712, %parallel_loop3A_713, %parallel_loop3A_714] {strides = array<i32>} : memref<2x8x16x128xf32, #tpu.memory_space<vmem>>, vector<1x1x1x16xf32>,
        %parallel_loop3A_716 = vector.shape_cast %parallel_loop3A_715 : vector<1x1x1x16xf32> to vector<16xf32>
        %parallel_loop3A_717 = arith.mulf %parallel_loop3A_716, %parallel_loop3A_674 : vector<16xf32>
        %parallel_loop3A_718 = arith.addf %parallel_loop3A_639, %parallel_loop3A_717 : vector<16xf32>
        %parallel_loop3A_719 = arith.mulf %parallel_loop3A_716, %parallel_loop3A_682 : vector<16xf32>
        %parallel_loop3A_720 = arith.addf %parallel_loop3A_647, %parallel_loop3A_719 : vector<16xf32>
        %parallel_loop3A_721 = arith.addf %parallel_loop3A_655, %parallel_loop3A_716 : vector<16xf32>
        %parallel_loop3A_722 = arith.constant 1 : i32
        %parallel_loop3A_723 = arith.constant 3 : i32
        %parallel_loop3A_724 = arith.index_cast %parallel_loop3A_722 : i32 to index
        %parallel_loop3A_725 = arith.index_cast %parallel_loop3A_723 : i32 to index
        %parallel_loop3A_726 = arith.index_cast %parallel_loop3A_662 : i32 to index
        %parallel_loop3A_727 = arith.index_cast %parallel_loop3A_666 : i32 to index
        %parallel_loop3A_728 = tpu.vector_load %arg8[%parallel_loop3A_724, %parallel_loop3A_725, %parallel_loop3A_726, %parallel_loop3A_727] {strides = array<i32>} : memref<2x8x16x128xf32, #tpu.memory_space<vmem>>, vector<1x1x1x16xf32>,
        %parallel_loop3A_729 = vector.shape_cast %parallel_loop3A_728 : vector<1x1x1x16xf32> to vector<16xf32>
        %parallel_loop3A_730 = arith.mulf %parallel_loop3A_729, %parallel_loop3A_674 : vector<16xf32>
        %parallel_loop3A_731 = arith.addf %parallel_loop3A_640, %parallel_loop3A_730 : vector<16xf32>
        %parallel_loop3A_732 = arith.mulf %parallel_loop3A_729, %parallel_loop3A_682 : vector<16xf32>
        %parallel_loop3A_733 = arith.addf %parallel_loop3A_648, %parallel_loop3A_732 : vector<16xf32>
        %parallel_loop3A_734 = arith.addf %parallel_loop3A_656, %parallel_loop3A_729 : vector<16xf32>
        %parallel_loop3A_735 = arith.constant 1 : i32
        %parallel_loop3A_736 = arith.constant 4 : i32
        %parallel_loop3A_737 = arith.index_cast %parallel_loop3A_735 : i32 to index
        %parallel_loop3A_738 = arith.index_cast %parallel_loop3A_736 : i32 to index
        %parallel_loop3A_739 = arith.index_cast %parallel_loop3A_662 : i32 to index
        %parallel_loop3A_740 = arith.index_cast %parallel_loop3A_666 : i32 to index
        %parallel_loop3A_741 = tpu.vector_load %arg8[%parallel_loop3A_737, %parallel_loop3A_738, %parallel_loop3A_739, %parallel_loop3A_740] {strides = array<i32>} : memref<2x8x16x128xf32, #tpu.memory_space<vmem>>, vector<1x1x1x16xf32>,
        %parallel_loop3A_742 = vector.shape_cast %parallel_loop3A_741 : vector<1x1x1x16xf32> to vector<16xf32>
        %parallel_loop3A_743 = arith.mulf %parallel_loop3A_742, %parallel_loop3A_674 : vector<16xf32>
        %parallel_loop3A_744 = arith.addf %parallel_loop3A_641, %parallel_loop3A_743 : vector<16xf32>
        %parallel_loop3A_745 = arith.mulf %parallel_loop3A_742, %parallel_loop3A_682 : vector<16xf32>
        %parallel_loop3A_746 = arith.addf %parallel_loop3A_649, %parallel_loop3A_745 : vector<16xf32>
        %parallel_loop3A_747 = arith.addf %parallel_loop3A_657, %parallel_loop3A_742 : vector<16xf32>
        %parallel_loop3A_748 = arith.constant 1 : i32
        %parallel_loop3A_749 = arith.constant 5 : i32
        %parallel_loop3A_750 = arith.index_cast %parallel_loop3A_748 : i32 to index
        %parallel_loop3A_751 = arith.index_cast %parallel_loop3A_749 : i32 to index
        %parallel_loop3A_752 = arith.index_cast %parallel_loop3A_662 : i32 to index
        %parallel_loop3A_753 = arith.index_cast %parallel_loop3A_666 : i32 to index
        %parallel_loop3A_754 = tpu.vector_load %arg8[%parallel_loop3A_750, %parallel_loop3A_751, %parallel_loop3A_752, %parallel_loop3A_753] {strides = array<i32>} : memref<2x8x16x128xf32, #tpu.memory_space<vmem>>, vector<1x1x1x16xf32>,
        %parallel_loop3A_755 = vector.shape_cast %parallel_loop3A_754 : vector<1x1x1x16xf32> to vector<16xf32>
        %parallel_loop3A_756 = arith.mulf %parallel_loop3A_755, %parallel_loop3A_674 : vector<16xf32>
        %parallel_loop3A_757 = arith.addf %parallel_loop3A_642, %parallel_loop3A_756 : vector<16xf32>
        %parallel_loop3A_758 = arith.mulf %parallel_loop3A_755, %parallel_loop3A_682 : vector<16xf32>
        %parallel_loop3A_759 = arith.addf %parallel_loop3A_650, %parallel_loop3A_758 : vector<16xf32>
        %parallel_loop3A_760 = arith.addf %parallel_loop3A_658, %parallel_loop3A_755 : vector<16xf32>
        %parallel_loop3A_761 = arith.constant 1 : i32
        %parallel_loop3A_762 = arith.constant 6 : i32
        %parallel_loop3A_763 = arith.index_cast %parallel_loop3A_761 : i32 to index
        %parallel_loop3A_764 = arith.index_cast %parallel_loop3A_762 : i32 to index
        %parallel_loop3A_765 = arith.index_cast %parallel_loop3A_662 : i32 to index
        %parallel_loop3A_766 = arith.index_cast %parallel_loop3A_666 : i32 to index
        %parallel_loop3A_767 = tpu.vector_load %arg8[%parallel_loop3A_763, %parallel_loop3A_764, %parallel_loop3A_765, %parallel_loop3A_766] {strides = array<i32>} : memref<2x8x16x128xf32, #tpu.memory_space<vmem>>, vector<1x1x1x16xf32>,
        %parallel_loop3A_768 = vector.shape_cast %parallel_loop3A_767 : vector<1x1x1x16xf32> to vector<16xf32>
        %parallel_loop3A_769 = arith.mulf %parallel_loop3A_768, %parallel_loop3A_674 : vector<16xf32>
        %parallel_loop3A_770 = arith.addf %parallel_loop3A_643, %parallel_loop3A_769 : vector<16xf32>
        %parallel_loop3A_771 = arith.mulf %parallel_loop3A_768, %parallel_loop3A_682 : vector<16xf32>
        %parallel_loop3A_772 = arith.addf %parallel_loop3A_651, %parallel_loop3A_771 : vector<16xf32>
        %parallel_loop3A_773 = arith.addf %parallel_loop3A_659, %parallel_loop3A_768 : vector<16xf32>
        %parallel_loop3A_774 = arith.constant 1 : i32
        %parallel_loop3A_775 = arith.constant 7 : i32
        %parallel_loop3A_776 = arith.index_cast %parallel_loop3A_774 : i32 to index
        %parallel_loop3A_777 = arith.index_cast %parallel_loop3A_775 : i32 to index
        %parallel_loop3A_778 = arith.index_cast %parallel_loop3A_662 : i32 to index
        %parallel_loop3A_779 = arith.index_cast %parallel_loop3A_666 : i32 to index
        %parallel_loop3A_780 = tpu.vector_load %arg8[%parallel_loop3A_776, %parallel_loop3A_777, %parallel_loop3A_778, %parallel_loop3A_779] {strides = array<i32>} : memref<2x8x16x128xf32, #tpu.memory_space<vmem>>, vector<1x1x1x16xf32>,
        %parallel_loop3A_781 = vector.shape_cast %parallel_loop3A_780 : vector<1x1x1x16xf32> to vector<16xf32>
        %parallel_loop3A_782 = arith.mulf %parallel_loop3A_781, %parallel_loop3A_674 : vector<16xf32>
        %parallel_loop3A_783 = arith.addf %parallel_loop3A_644, %parallel_loop3A_782 : vector<16xf32>
        %parallel_loop3A_784 = arith.mulf %parallel_loop3A_781, %parallel_loop3A_682 : vector<16xf32>
        %parallel_loop3A_785 = arith.addf %parallel_loop3A_652, %parallel_loop3A_784 : vector<16xf32>
        %parallel_loop3A_786 = arith.addf %parallel_loop3A_660, %parallel_loop3A_781 : vector<16xf32>
        scf.yield %parallel_loop3A_692, %parallel_loop3A_705, %parallel_loop3A_718, %parallel_loop3A_731, %parallel_loop3A_744, %parallel_loop3A_757, %parallel_loop3A_770, %parallel_loop3A_783, %parallel_loop3A_694, %parallel_loop3A_707, %parallel_loop3A_720, %parallel_loop3A_733, %parallel_loop3A_746, %parallel_loop3A_759, %parallel_loop3A_772, %parallel_loop3A_785, %parallel_loop3A_695, %parallel_loop3A_708, %parallel_loop3A_721, %parallel_loop3A_734, %parallel_loop3A_747, %parallel_loop3A_760, %parallel_loop3A_773, %parallel_loop3A_786 : vector<16xf32>, vector<16xf32>, vector<16xf32>, vector<16xf32>, vector<16xf32>, vector<16xf32>, vector<16xf32>, vector<16xf32>, vector<16xf32>, vector<16xf32>, vector<16xf32>, vector<16xf32>, vector<16xf32>, vector<16xf32>, vector<16xf32>, vector<16xf32>, vector<16xf32>, vector<16xf32>, vector<16xf32>, vector<16xf32>, vector<16xf32>, vector<16xf32>, vector<16xf32>, vector<16xf32>
      } {sc.loop_unroll_factor = 4 : i64, sc.parallel_access}
      %mul3A_198 = arith.constant 8 : i32
      %mul3A_199 = arith.muli %select_n3A_41, %mul3A_198 : i32
      %dma_start3A_200 = arith.constant 1 : i32
      %dma_start3A_201 = arith.constant 0 : i32
      %dma_start3A_202 = arith.constant 0 : i32
      %dma_start3A_203 = arith.constant 0 : i32
      %dma_start3A_204 = tpu.memref_slice %arg8[%dma_start3A_200, %dma_start3A_201, %dma_start3A_202, %dma_start3A_203] : memref<2x8x16x128xf32, #tpu.memory_space<vmem>> -> memref<1x8x16x128xf32, #tpu.memory_space<vmem>>
      %dma_start3A_205 = tpu.memref_squeeze %dma_start3A_204 : memref<1x8x16x128xf32, #tpu.memory_space<vmem>> -> memref<8x16x128xf32, #tpu.memory_space<vmem>>
      %dma_start3A_206 = arith.constant 48 : i32
      %dma_start3A_207 = arith.constant 0 : i32
      %dma_start3A_208 = tpu.memref_slice %arg2[%add3A_27, %mul3A_199, %dma_start3A_206, %dma_start3A_207] : memref<64x64x128x128xf32, #tpu.memory_space<hbm>> -> memref<1x8x16x128xf32, #tpu.memory_space<hbm>>
      %dma_start3A_209 = tpu.memref_squeeze %dma_start3A_208 : memref<1x8x16x128xf32, #tpu.memory_space<hbm>> -> memref<8x16x128xf32, #tpu.memory_space<hbm>>
      %dma_start3A_210 = arith.constant 0 : i32
      %dma_start3A_211 = arith.constant 0 : i32
      %dma_start3A_212 = arith.constant 0 : i32
      %dma_start3A_213 = tpu.memref_slice %arg8[%dma_start3A_200, %dma_start3A_210, %dma_start3A_211, %dma_start3A_212] : memref<2x8x16x128xf32, #tpu.memory_space<vmem>> -> memref<1x8x16x128xf32, #tpu.memory_space<vmem>>
      %dma_start3A_214 = tpu.memref_squeeze %dma_start3A_213 : memref<1x8x16x128xf32, #tpu.memory_space<vmem>> -> memref<8x16x128xf32, #tpu.memory_space<vmem>>
      %dma_start3A_215 = arith.constant 48 : i32
      %dma_start3A_216 = arith.constant 0 : i32
      %dma_start3A_217 = tpu.memref_slice %arg2[%add3A_27, %mul3A_199, %dma_start3A_215, %dma_start3A_216] : memref<64x64x128x128xf32, #tpu.memory_space<hbm>> -> memref<1x8x16x128xf32, #tpu.memory_space<hbm>>
      %dma_start3A_218 = tpu.memref_squeeze %dma_start3A_217 : memref<1x8x16x128xf32, #tpu.memory_space<hbm>> -> memref<8x16x128xf32, #tpu.memory_space<hbm>>
      tpu.enqueue_dma source(%dma_start3A_218 : memref<8x16x128xf32, #tpu.memory_space<hbm>>) target(%dma_start3A_214 : memref<8x16x128xf32, #tpu.memory_space<vmem>>) target_semaphore(%arg11 : memref<!tpu.dma_semaphore, #tpu.memory_space<semaphore_mem>>)
      %dma_wait3A_219 = arith.constant 0 : i32
      %dma_wait3A_220 = arith.constant 0 : i32
      %dma_wait3A_221 = arith.constant 0 : i32
      %dma_wait3A_222 = arith.constant 0 : i32
      %dma_wait3A_223 = tpu.memref_slice %arg8[%dma_wait3A_219, %dma_wait3A_220, %dma_wait3A_221, %dma_wait3A_222] : memref<2x8x16x128xf32, #tpu.memory_space<vmem>> -> memref<1x8x16x128xf32, #tpu.memory_space<vmem>>
      %dma_wait3A_224 = tpu.memref_squeeze %dma_wait3A_223 : memref<1x8x16x128xf32, #tpu.memory_space<vmem>> -> memref<8x16x128xf32, #tpu.memory_space<vmem>>
      %dma_wait3A_225 = arith.constant 32 : i32
      %dma_wait3A_226 = arith.constant 0 : i32
      %dma_wait3A_227 = tpu.memref_slice %arg2[%add3A_27, %mul3A_155, %dma_wait3A_225, %dma_wait3A_226] : memref<64x64x128x128xf32, #tpu.memory_space<hbm>> -> memref<1x8x16x128xf32, #tpu.memory_space<hbm>>
      %dma_wait3A_228 = tpu.memref_squeeze %dma_wait3A_227 : memref<1x8x16x128xf32, #tpu.memory_space<hbm>> -> memref<8x16x128xf32, #tpu.memory_space<hbm>>
      %dma_wait3A_229 = arith.constant 0 : i32
      %dma_wait3A_230 = arith.constant 0 : i32
      %dma_wait3A_231 = arith.constant 0 : i32
      %dma_wait3A_232 = tpu.memref_slice %arg8[%dma_wait3A_219, %dma_wait3A_229, %dma_wait3A_230, %dma_wait3A_231] : memref<2x8x16x128xf32, #tpu.memory_space<vmem>> -> memref<1x8x16x128xf32, #tpu.memory_space<vmem>>
      %dma_wait3A_233 = tpu.memref_squeeze %dma_wait3A_232 : memref<1x8x16x128xf32, #tpu.memory_space<vmem>> -> memref<8x16x128xf32, #tpu.memory_space<vmem>>
      %dma_wait3A_234 = arith.constant 32 : i32
      %dma_wait3A_235 = arith.constant 0 : i32
      %dma_wait3A_236 = tpu.memref_slice %arg2[%add3A_27, %mul3A_155, %dma_wait3A_234, %dma_wait3A_235] : memref<64x64x128x128xf32, #tpu.memory_space<hbm>> -> memref<1x8x16x128xf32, #tpu.memory_space<hbm>>
      %dma_wait3A_237 = tpu.memref_squeeze %dma_wait3A_236 : memref<1x8x16x128xf32, #tpu.memory_space<hbm>> -> memref<8x16x128xf32, #tpu.memory_space<hbm>>
      tpu.wait_dma2 semaphore(%arg10 : memref<!tpu.dma_semaphore, #tpu.memory_space<semaphore_mem>>) src(%dma_wait3A_237 : memref<8x16x128xf32, #tpu.memory_space<hbm>>) dst(%dma_wait3A_233 : memref<8x16x128xf32, #tpu.memory_space<vmem>>)
      %parallel_loop3A_238 = arith.constant 0 : i32
      %parallel_loop3A_239 = arith.constant 128 : i32
      %parallel_loop3A_240 = arith.constant 1 : i32
      %parallel_loop3A_241:24 = scf.for %parallel_loop3A_636 = %parallel_loop3A_238 to %parallel_loop3A_239 step %parallel_loop3A_240 iter_args(%parallel_loop3A_637 = %parallel_loop3A_197#0, %parallel_loop3A_638 = %parallel_loop3A_197#1, %parallel_loop3A_639 = %parallel_loop3A_197#2, %parallel_loop3A_640 = %parallel_loop3A_197#3, %parallel_loop3A_641 = %parallel_loop3A_197#4, %parallel_loop3A_642 = %parallel_loop3A_197#5, %parallel_loop3A_643 = %parallel_loop3A_197#6, %parallel_loop3A_644 = %parallel_loop3A_197#7, %parallel_loop3A_645 = %parallel_loop3A_197#8, %parallel_loop3A_646 = %parallel_loop3A_197#9, %parallel_loop3A_647 = %parallel_loop3A_197#10, %parallel_loop3A_648 = %parallel_loop3A_197#11, %parallel_loop3A_649 = %parallel_loop3A_197#12, %parallel_loop3A_650 = %parallel_loop3A_197#13, %parallel_loop3A_651 = %parallel_loop3A_197#14, %parallel_loop3A_652 = %parallel_loop3A_197#15, %parallel_loop3A_653 = %parallel_loop3A_197#16, %parallel_loop3A_654 = %parallel_loop3A_197#17, %parallel_loop3A_655 = %parallel_loop3A_197#18, %parallel_loop3A_656 = %parallel_loop3A_197#19, %parallel_loop3A_657 = %parallel_loop3A_197#20, %parallel_loop3A_658 = %parallel_loop3A_197#21, %parallel_loop3A_659 = %parallel_loop3A_197#22, %parallel_loop3A_660 = %parallel_loop3A_197#23) -> (vector<16xf32>, vector<16xf32>, vector<16xf32>, vector<16xf32>, vector<16xf32>, vector<16xf32>, vector<16xf32>, vector<16xf32>, vector<16xf32>, vector<16xf32>, vector<16xf32>, vector<16xf32>, vector<16xf32>, vector<16xf32>, vector<16xf32>, vector<16xf32>, vector<16xf32>, vector<16xf32>, vector<16xf32>, vector<16xf32>, vector<16xf32>, vector<16xf32>, vector<16xf32>, vector<16xf32>)  : i32 {
        %parallel_loop3A_661 = arith.constant 3 : i32
        %parallel_loop3A_662 = arith.shrsi %parallel_loop3A_636, %parallel_loop3A_661 : i32
        %parallel_loop3A_663 = arith.constant 7 : i32
        %parallel_loop3A_664 = arith.andi %parallel_loop3A_636, %parallel_loop3A_663 : i32
        %parallel_loop3A_665 = arith.constant 16 : i32
        %parallel_loop3A_666 = arith.muli %parallel_loop3A_664, %parallel_loop3A_665 : i32
        %parallel_loop3A_667 = arith.constant 32 : i32
        %parallel_loop3A_668 = arith.addi %parallel_loop3A_667, %parallel_loop3A_662 : i32
        %parallel_loop3A_669 = arith.constant 0 : i32
        %parallel_loop3A_670 = arith.index_cast %parallel_loop3A_669 : i32 to index
        %parallel_loop3A_671 = arith.index_cast %parallel_loop3A_668 : i32 to index
        %parallel_loop3A_672 = arith.index_cast %parallel_loop3A_666 : i32 to index
        %parallel_loop3A_673 = tpu.vector_load %arg7[%parallel_loop3A_670, %parallel_loop3A_671, %parallel_loop3A_672] {strides = array<i32>} : memref<2x128x128xf32, #tpu.memory_space<vmem>>, vector<1x1x16xf32>,
        %parallel_loop3A_674 = vector.shape_cast %parallel_loop3A_673 : vector<1x1x16xf32> to vector<16xf32>
        %parallel_loop3A_675 = arith.constant 32 : i32
        %parallel_loop3A_676 = arith.addi %parallel_loop3A_675, %parallel_loop3A_662 : i32
        %parallel_loop3A_677 = arith.constant 1 : i32
        %parallel_loop3A_678 = arith.index_cast %parallel_loop3A_677 : i32 to index
        %parallel_loop3A_679 = arith.index_cast %parallel_loop3A_676 : i32 to index
        %parallel_loop3A_680 = arith.index_cast %parallel_loop3A_666 : i32 to index
        %parallel_loop3A_681 = tpu.vector_load %arg7[%parallel_loop3A_678, %parallel_loop3A_679, %parallel_loop3A_680] {strides = array<i32>} : memref<2x128x128xf32, #tpu.memory_space<vmem>>, vector<1x1x16xf32>,
        %parallel_loop3A_682 = vector.shape_cast %parallel_loop3A_681 : vector<1x1x16xf32> to vector<16xf32>
        %parallel_loop3A_683 = arith.constant 0 : i32
        %parallel_loop3A_684 = arith.constant 0 : i32
        %parallel_loop3A_685 = arith.index_cast %parallel_loop3A_683 : i32 to index
        %parallel_loop3A_686 = arith.index_cast %parallel_loop3A_684 : i32 to index
        %parallel_loop3A_687 = arith.index_cast %parallel_loop3A_662 : i32 to index
        %parallel_loop3A_688 = arith.index_cast %parallel_loop3A_666 : i32 to index
        %parallel_loop3A_689 = tpu.vector_load %arg8[%parallel_loop3A_685, %parallel_loop3A_686, %parallel_loop3A_687, %parallel_loop3A_688] {strides = array<i32>} : memref<2x8x16x128xf32, #tpu.memory_space<vmem>>, vector<1x1x1x16xf32>,
        %parallel_loop3A_690 = vector.shape_cast %parallel_loop3A_689 : vector<1x1x1x16xf32> to vector<16xf32>
        %parallel_loop3A_691 = arith.mulf %parallel_loop3A_690, %parallel_loop3A_674 : vector<16xf32>
        %parallel_loop3A_692 = arith.addf %parallel_loop3A_637, %parallel_loop3A_691 : vector<16xf32>
        %parallel_loop3A_693 = arith.mulf %parallel_loop3A_690, %parallel_loop3A_682 : vector<16xf32>
        %parallel_loop3A_694 = arith.addf %parallel_loop3A_645, %parallel_loop3A_693 : vector<16xf32>
        %parallel_loop3A_695 = arith.addf %parallel_loop3A_653, %parallel_loop3A_690 : vector<16xf32>
        %parallel_loop3A_696 = arith.constant 0 : i32
        %parallel_loop3A_697 = arith.constant 1 : i32
        %parallel_loop3A_698 = arith.index_cast %parallel_loop3A_696 : i32 to index
        %parallel_loop3A_699 = arith.index_cast %parallel_loop3A_697 : i32 to index
        %parallel_loop3A_700 = arith.index_cast %parallel_loop3A_662 : i32 to index
        %parallel_loop3A_701 = arith.index_cast %parallel_loop3A_666 : i32 to index
        %parallel_loop3A_702 = tpu.vector_load %arg8[%parallel_loop3A_698, %parallel_loop3A_699, %parallel_loop3A_700, %parallel_loop3A_701] {strides = array<i32>} : memref<2x8x16x128xf32, #tpu.memory_space<vmem>>, vector<1x1x1x16xf32>,
        %parallel_loop3A_703 = vector.shape_cast %parallel_loop3A_702 : vector<1x1x1x16xf32> to vector<16xf32>
        %parallel_loop3A_704 = arith.mulf %parallel_loop3A_703, %parallel_loop3A_674 : vector<16xf32>
        %parallel_loop3A_705 = arith.addf %parallel_loop3A_638, %parallel_loop3A_704 : vector<16xf32>
        %parallel_loop3A_706 = arith.mulf %parallel_loop3A_703, %parallel_loop3A_682 : vector<16xf32>
        %parallel_loop3A_707 = arith.addf %parallel_loop3A_646, %parallel_loop3A_706 : vector<16xf32>
        %parallel_loop3A_708 = arith.addf %parallel_loop3A_654, %parallel_loop3A_703 : vector<16xf32>
        %parallel_loop3A_709 = arith.constant 0 : i32
        %parallel_loop3A_710 = arith.constant 2 : i32
        %parallel_loop3A_711 = arith.index_cast %parallel_loop3A_709 : i32 to index
        %parallel_loop3A_712 = arith.index_cast %parallel_loop3A_710 : i32 to index
        %parallel_loop3A_713 = arith.index_cast %parallel_loop3A_662 : i32 to index
        %parallel_loop3A_714 = arith.index_cast %parallel_loop3A_666 : i32 to index
        %parallel_loop3A_715 = tpu.vector_load %arg8[%parallel_loop3A_711, %parallel_loop3A_712, %parallel_loop3A_713, %parallel_loop3A_714] {strides = array<i32>} : memref<2x8x16x128xf32, #tpu.memory_space<vmem>>, vector<1x1x1x16xf32>,
        %parallel_loop3A_716 = vector.shape_cast %parallel_loop3A_715 : vector<1x1x1x16xf32> to vector<16xf32>
        %parallel_loop3A_717 = arith.mulf %parallel_loop3A_716, %parallel_loop3A_674 : vector<16xf32>
        %parallel_loop3A_718 = arith.addf %parallel_loop3A_639, %parallel_loop3A_717 : vector<16xf32>
        %parallel_loop3A_719 = arith.mulf %parallel_loop3A_716, %parallel_loop3A_682 : vector<16xf32>
        %parallel_loop3A_720 = arith.addf %parallel_loop3A_647, %parallel_loop3A_719 : vector<16xf32>
        %parallel_loop3A_721 = arith.addf %parallel_loop3A_655, %parallel_loop3A_716 : vector<16xf32>
        %parallel_loop3A_722 = arith.constant 0 : i32
        %parallel_loop3A_723 = arith.constant 3 : i32
        %parallel_loop3A_724 = arith.index_cast %parallel_loop3A_722 : i32 to index
        %parallel_loop3A_725 = arith.index_cast %parallel_loop3A_723 : i32 to index
        %parallel_loop3A_726 = arith.index_cast %parallel_loop3A_662 : i32 to index
        %parallel_loop3A_727 = arith.index_cast %parallel_loop3A_666 : i32 to index
        %parallel_loop3A_728 = tpu.vector_load %arg8[%parallel_loop3A_724, %parallel_loop3A_725, %parallel_loop3A_726, %parallel_loop3A_727] {strides = array<i32>} : memref<2x8x16x128xf32, #tpu.memory_space<vmem>>, vector<1x1x1x16xf32>,
        %parallel_loop3A_729 = vector.shape_cast %parallel_loop3A_728 : vector<1x1x1x16xf32> to vector<16xf32>
        %parallel_loop3A_730 = arith.mulf %parallel_loop3A_729, %parallel_loop3A_674 : vector<16xf32>
        %parallel_loop3A_731 = arith.addf %parallel_loop3A_640, %parallel_loop3A_730 : vector<16xf32>
        %parallel_loop3A_732 = arith.mulf %parallel_loop3A_729, %parallel_loop3A_682 : vector<16xf32>
        %parallel_loop3A_733 = arith.addf %parallel_loop3A_648, %parallel_loop3A_732 : vector<16xf32>
        %parallel_loop3A_734 = arith.addf %parallel_loop3A_656, %parallel_loop3A_729 : vector<16xf32>
        %parallel_loop3A_735 = arith.constant 0 : i32
        %parallel_loop3A_736 = arith.constant 4 : i32
        %parallel_loop3A_737 = arith.index_cast %parallel_loop3A_735 : i32 to index
        %parallel_loop3A_738 = arith.index_cast %parallel_loop3A_736 : i32 to index
        %parallel_loop3A_739 = arith.index_cast %parallel_loop3A_662 : i32 to index
        %parallel_loop3A_740 = arith.index_cast %parallel_loop3A_666 : i32 to index
        %parallel_loop3A_741 = tpu.vector_load %arg8[%parallel_loop3A_737, %parallel_loop3A_738, %parallel_loop3A_739, %parallel_loop3A_740] {strides = array<i32>} : memref<2x8x16x128xf32, #tpu.memory_space<vmem>>, vector<1x1x1x16xf32>,
        %parallel_loop3A_742 = vector.shape_cast %parallel_loop3A_741 : vector<1x1x1x16xf32> to vector<16xf32>
        %parallel_loop3A_743 = arith.mulf %parallel_loop3A_742, %parallel_loop3A_674 : vector<16xf32>
        %parallel_loop3A_744 = arith.addf %parallel_loop3A_641, %parallel_loop3A_743 : vector<16xf32>
        %parallel_loop3A_745 = arith.mulf %parallel_loop3A_742, %parallel_loop3A_682 : vector<16xf32>
        %parallel_loop3A_746 = arith.addf %parallel_loop3A_649, %parallel_loop3A_745 : vector<16xf32>
        %parallel_loop3A_747 = arith.addf %parallel_loop3A_657, %parallel_loop3A_742 : vector<16xf32>
        %parallel_loop3A_748 = arith.constant 0 : i32
        %parallel_loop3A_749 = arith.constant 5 : i32
        %parallel_loop3A_750 = arith.index_cast %parallel_loop3A_748 : i32 to index
        %parallel_loop3A_751 = arith.index_cast %parallel_loop3A_749 : i32 to index
        %parallel_loop3A_752 = arith.index_cast %parallel_loop3A_662 : i32 to index
        %parallel_loop3A_753 = arith.index_cast %parallel_loop3A_666 : i32 to index
        %parallel_loop3A_754 = tpu.vector_load %arg8[%parallel_loop3A_750, %parallel_loop3A_751, %parallel_loop3A_752, %parallel_loop3A_753] {strides = array<i32>} : memref<2x8x16x128xf32, #tpu.memory_space<vmem>>, vector<1x1x1x16xf32>,
        %parallel_loop3A_755 = vector.shape_cast %parallel_loop3A_754 : vector<1x1x1x16xf32> to vector<16xf32>
        %parallel_loop3A_756 = arith.mulf %parallel_loop3A_755, %parallel_loop3A_674 : vector<16xf32>
        %parallel_loop3A_757 = arith.addf %parallel_loop3A_642, %parallel_loop3A_756 : vector<16xf32>
        %parallel_loop3A_758 = arith.mulf %parallel_loop3A_755, %parallel_loop3A_682 : vector<16xf32>
        %parallel_loop3A_759 = arith.addf %parallel_loop3A_650, %parallel_loop3A_758 : vector<16xf32>
        %parallel_loop3A_760 = arith.addf %parallel_loop3A_658, %parallel_loop3A_755 : vector<16xf32>
        %parallel_loop3A_761 = arith.constant 0 : i32
        %parallel_loop3A_762 = arith.constant 6 : i32
        %parallel_loop3A_763 = arith.index_cast %parallel_loop3A_761 : i32 to index
        %parallel_loop3A_764 = arith.index_cast %parallel_loop3A_762 : i32 to index
        %parallel_loop3A_765 = arith.index_cast %parallel_loop3A_662 : i32 to index
        %parallel_loop3A_766 = arith.index_cast %parallel_loop3A_666 : i32 to index
        %parallel_loop3A_767 = tpu.vector_load %arg8[%parallel_loop3A_763, %parallel_loop3A_764, %parallel_loop3A_765, %parallel_loop3A_766] {strides = array<i32>} : memref<2x8x16x128xf32, #tpu.memory_space<vmem>>, vector<1x1x1x16xf32>,
        %parallel_loop3A_768 = vector.shape_cast %parallel_loop3A_767 : vector<1x1x1x16xf32> to vector<16xf32>
        %parallel_loop3A_769 = arith.mulf %parallel_loop3A_768, %parallel_loop3A_674 : vector<16xf32>
        %parallel_loop3A_770 = arith.addf %parallel_loop3A_643, %parallel_loop3A_769 : vector<16xf32>
        %parallel_loop3A_771 = arith.mulf %parallel_loop3A_768, %parallel_loop3A_682 : vector<16xf32>
        %parallel_loop3A_772 = arith.addf %parallel_loop3A_651, %parallel_loop3A_771 : vector<16xf32>
        %parallel_loop3A_773 = arith.addf %parallel_loop3A_659, %parallel_loop3A_768 : vector<16xf32>
        %parallel_loop3A_774 = arith.constant 0 : i32
        %parallel_loop3A_775 = arith.constant 7 : i32
        %parallel_loop3A_776 = arith.index_cast %parallel_loop3A_774 : i32 to index
        %parallel_loop3A_777 = arith.index_cast %parallel_loop3A_775 : i32 to index
        %parallel_loop3A_778 = arith.index_cast %parallel_loop3A_662 : i32 to index
        %parallel_loop3A_779 = arith.index_cast %parallel_loop3A_666 : i32 to index
        %parallel_loop3A_780 = tpu.vector_load %arg8[%parallel_loop3A_776, %parallel_loop3A_777, %parallel_loop3A_778, %parallel_loop3A_779] {strides = array<i32>} : memref<2x8x16x128xf32, #tpu.memory_space<vmem>>, vector<1x1x1x16xf32>,
        %parallel_loop3A_781 = vector.shape_cast %parallel_loop3A_780 : vector<1x1x1x16xf32> to vector<16xf32>
        %parallel_loop3A_782 = arith.mulf %parallel_loop3A_781, %parallel_loop3A_674 : vector<16xf32>
        %parallel_loop3A_783 = arith.addf %parallel_loop3A_644, %parallel_loop3A_782 : vector<16xf32>
        %parallel_loop3A_784 = arith.mulf %parallel_loop3A_781, %parallel_loop3A_682 : vector<16xf32>
        %parallel_loop3A_785 = arith.addf %parallel_loop3A_652, %parallel_loop3A_784 : vector<16xf32>
        %parallel_loop3A_786 = arith.addf %parallel_loop3A_660, %parallel_loop3A_781 : vector<16xf32>
        scf.yield %parallel_loop3A_692, %parallel_loop3A_705, %parallel_loop3A_718, %parallel_loop3A_731, %parallel_loop3A_744, %parallel_loop3A_757, %parallel_loop3A_770, %parallel_loop3A_783, %parallel_loop3A_694, %parallel_loop3A_707, %parallel_loop3A_720, %parallel_loop3A_733, %parallel_loop3A_746, %parallel_loop3A_759, %parallel_loop3A_772, %parallel_loop3A_785, %parallel_loop3A_695, %parallel_loop3A_708, %parallel_loop3A_721, %parallel_loop3A_734, %parallel_loop3A_747, %parallel_loop3A_760, %parallel_loop3A_773, %parallel_loop3A_786 : vector<16xf32>, vector<16xf32>, vector<16xf32>, vector<16xf32>, vector<16xf32>, vector<16xf32>, vector<16xf32>, vector<16xf32>, vector<16xf32>, vector<16xf32>, vector<16xf32>, vector<16xf32>, vector<16xf32>, vector<16xf32>, vector<16xf32>, vector<16xf32>, vector<16xf32>, vector<16xf32>, vector<16xf32>, vector<16xf32>, vector<16xf32>, vector<16xf32>, vector<16xf32>, vector<16xf32>
      } {sc.loop_unroll_factor = 4 : i64, sc.parallel_access}
      %mul3A_242 = arith.constant 8 : i32
      %mul3A_243 = arith.muli %select_n3A_41, %mul3A_242 : i32
      %dma_start3A_244 = arith.constant 0 : i32
      %dma_start3A_245 = arith.constant 0 : i32
      %dma_start3A_246 = arith.constant 0 : i32
      %dma_start3A_247 = arith.constant 0 : i32
      %dma_start3A_248 = tpu.memref_slice %arg8[%dma_start3A_244, %dma_start3A_245, %dma_start3A_246, %dma_start3A_247] : memref<2x8x16x128xf32, #tpu.memory_space<vmem>> -> memref<1x8x16x128xf32, #tpu.memory_space<vmem>>
      %dma_start3A_249 = tpu.memref_squeeze %dma_start3A_248 : memref<1x8x16x128xf32, #tpu.memory_space<vmem>> -> memref<8x16x128xf32, #tpu.memory_space<vmem>>
      %dma_start3A_250 = arith.constant 64 : i32
      %dma_start3A_251 = arith.constant 0 : i32
      %dma_start3A_252 = tpu.memref_slice %arg2[%add3A_27, %mul3A_243, %dma_start3A_250, %dma_start3A_251] : memref<64x64x128x128xf32, #tpu.memory_space<hbm>> -> memref<1x8x16x128xf32, #tpu.memory_space<hbm>>
      %dma_start3A_253 = tpu.memref_squeeze %dma_start3A_252 : memref<1x8x16x128xf32, #tpu.memory_space<hbm>> -> memref<8x16x128xf32, #tpu.memory_space<hbm>>
      %dma_start3A_254 = arith.constant 0 : i32
      %dma_start3A_255 = arith.constant 0 : i32
      %dma_start3A_256 = arith.constant 0 : i32
      %dma_start3A_257 = tpu.memref_slice %arg8[%dma_start3A_244, %dma_start3A_254, %dma_start3A_255, %dma_start3A_256] : memref<2x8x16x128xf32, #tpu.memory_space<vmem>> -> memref<1x8x16x128xf32, #tpu.memory_space<vmem>>
      %dma_start3A_258 = tpu.memref_squeeze %dma_start3A_257 : memref<1x8x16x128xf32, #tpu.memory_space<vmem>> -> memref<8x16x128xf32, #tpu.memory_space<vmem>>
      %dma_start3A_259 = arith.constant 64 : i32
      %dma_start3A_260 = arith.constant 0 : i32
      %dma_start3A_261 = tpu.memref_slice %arg2[%add3A_27, %mul3A_243, %dma_start3A_259, %dma_start3A_260] : memref<64x64x128x128xf32, #tpu.memory_space<hbm>> -> memref<1x8x16x128xf32, #tpu.memory_space<hbm>>
      %dma_start3A_262 = tpu.memref_squeeze %dma_start3A_261 : memref<1x8x16x128xf32, #tpu.memory_space<hbm>> -> memref<8x16x128xf32, #tpu.memory_space<hbm>>
      tpu.enqueue_dma source(%dma_start3A_262 : memref<8x16x128xf32, #tpu.memory_space<hbm>>) target(%dma_start3A_258 : memref<8x16x128xf32, #tpu.memory_space<vmem>>) target_semaphore(%arg10 : memref<!tpu.dma_semaphore, #tpu.memory_space<semaphore_mem>>)
      %dma_wait3A_263 = arith.constant 1 : i32
      %dma_wait3A_264 = arith.constant 0 : i32
      %dma_wait3A_265 = arith.constant 0 : i32
      %dma_wait3A_266 = arith.constant 0 : i32
      %dma_wait3A_267 = tpu.memref_slice %arg8[%dma_wait3A_263, %dma_wait3A_264, %dma_wait3A_265, %dma_wait3A_266] : memref<2x8x16x128xf32, #tpu.memory_space<vmem>> -> memref<1x8x16x128xf32, #tpu.memory_space<vmem>>
      %dma_wait3A_268 = tpu.memref_squeeze %dma_wait3A_267 : memref<1x8x16x128xf32, #tpu.memory_space<vmem>> -> memref<8x16x128xf32, #tpu.memory_space<vmem>>
      %dma_wait3A_269 = arith.constant 48 : i32
      %dma_wait3A_270 = arith.constant 0 : i32
      %dma_wait3A_271 = tpu.memref_slice %arg2[%add3A_27, %mul3A_199, %dma_wait3A_269, %dma_wait3A_270] : memref<64x64x128x128xf32, #tpu.memory_space<hbm>> -> memref<1x8x16x128xf32, #tpu.memory_space<hbm>>
      %dma_wait3A_272 = tpu.memref_squeeze %dma_wait3A_271 : memref<1x8x16x128xf32, #tpu.memory_space<hbm>> -> memref<8x16x128xf32, #tpu.memory_space<hbm>>
      %dma_wait3A_273 = arith.constant 0 : i32
      %dma_wait3A_274 = arith.constant 0 : i32
      %dma_wait3A_275 = arith.constant 0 : i32
      %dma_wait3A_276 = tpu.memref_slice %arg8[%dma_wait3A_263, %dma_wait3A_273, %dma_wait3A_274, %dma_wait3A_275] : memref<2x8x16x128xf32, #tpu.memory_space<vmem>> -> memref<1x8x16x128xf32, #tpu.memory_space<vmem>>
      %dma_wait3A_277 = tpu.memref_squeeze %dma_wait3A_276 : memref<1x8x16x128xf32, #tpu.memory_space<vmem>> -> memref<8x16x128xf32, #tpu.memory_space<vmem>>
      %dma_wait3A_278 = arith.constant 48 : i32
      %dma_wait3A_279 = arith.constant 0 : i32
      %dma_wait3A_280 = tpu.memref_slice %arg2[%add3A_27, %mul3A_199, %dma_wait3A_278, %dma_wait3A_279] : memref<64x64x128x128xf32, #tpu.memory_space<hbm>> -> memref<1x8x16x128xf32, #tpu.memory_space<hbm>>
      %dma_wait3A_281 = tpu.memref_squeeze %dma_wait3A_280 : memref<1x8x16x128xf32, #tpu.memory_space<hbm>> -> memref<8x16x128xf32, #tpu.memory_space<hbm>>
      tpu.wait_dma2 semaphore(%arg11 : memref<!tpu.dma_semaphore, #tpu.memory_space<semaphore_mem>>) src(%dma_wait3A_281 : memref<8x16x128xf32, #tpu.memory_space<hbm>>) dst(%dma_wait3A_277 : memref<8x16x128xf32, #tpu.memory_space<vmem>>)
      %parallel_loop3A_282 = arith.constant 0 : i32
      %parallel_loop3A_283 = arith.constant 128 : i32
      %parallel_loop3A_284 = arith.constant 1 : i32
      %parallel_loop3A_285:24 = scf.for %parallel_loop3A_636 = %parallel_loop3A_282 to %parallel_loop3A_283 step %parallel_loop3A_284 iter_args(%parallel_loop3A_637 = %parallel_loop3A_241#0, %parallel_loop3A_638 = %parallel_loop3A_241#1, %parallel_loop3A_639 = %parallel_loop3A_241#2, %parallel_loop3A_640 = %parallel_loop3A_241#3, %parallel_loop3A_641 = %parallel_loop3A_241#4, %parallel_loop3A_642 = %parallel_loop3A_241#5, %parallel_loop3A_643 = %parallel_loop3A_241#6, %parallel_loop3A_644 = %parallel_loop3A_241#7, %parallel_loop3A_645 = %parallel_loop3A_241#8, %parallel_loop3A_646 = %parallel_loop3A_241#9, %parallel_loop3A_647 = %parallel_loop3A_241#10, %parallel_loop3A_648 = %parallel_loop3A_241#11, %parallel_loop3A_649 = %parallel_loop3A_241#12, %parallel_loop3A_650 = %parallel_loop3A_241#13, %parallel_loop3A_651 = %parallel_loop3A_241#14, %parallel_loop3A_652 = %parallel_loop3A_241#15, %parallel_loop3A_653 = %parallel_loop3A_241#16, %parallel_loop3A_654 = %parallel_loop3A_241#17, %parallel_loop3A_655 = %parallel_loop3A_241#18, %parallel_loop3A_656 = %parallel_loop3A_241#19, %parallel_loop3A_657 = %parallel_loop3A_241#20, %parallel_loop3A_658 = %parallel_loop3A_241#21, %parallel_loop3A_659 = %parallel_loop3A_241#22, %parallel_loop3A_660 = %parallel_loop3A_241#23) -> (vector<16xf32>, vector<16xf32>, vector<16xf32>, vector<16xf32>, vector<16xf32>, vector<16xf32>, vector<16xf32>, vector<16xf32>, vector<16xf32>, vector<16xf32>, vector<16xf32>, vector<16xf32>, vector<16xf32>, vector<16xf32>, vector<16xf32>, vector<16xf32>, vector<16xf32>, vector<16xf32>, vector<16xf32>, vector<16xf32>, vector<16xf32>, vector<16xf32>, vector<16xf32>, vector<16xf32>)  : i32 {
        %parallel_loop3A_661 = arith.constant 3 : i32
        %parallel_loop3A_662 = arith.shrsi %parallel_loop3A_636, %parallel_loop3A_661 : i32
        %parallel_loop3A_663 = arith.constant 7 : i32
        %parallel_loop3A_664 = arith.andi %parallel_loop3A_636, %parallel_loop3A_663 : i32
        %parallel_loop3A_665 = arith.constant 16 : i32
        %parallel_loop3A_666 = arith.muli %parallel_loop3A_664, %parallel_loop3A_665 : i32
        %parallel_loop3A_667 = arith.constant 48 : i32
        %parallel_loop3A_668 = arith.addi %parallel_loop3A_667, %parallel_loop3A_662 : i32
        %parallel_loop3A_669 = arith.constant 0 : i32
        %parallel_loop3A_670 = arith.index_cast %parallel_loop3A_669 : i32 to index
        %parallel_loop3A_671 = arith.index_cast %parallel_loop3A_668 : i32 to index
        %parallel_loop3A_672 = arith.index_cast %parallel_loop3A_666 : i32 to index
        %parallel_loop3A_673 = tpu.vector_load %arg7[%parallel_loop3A_670, %parallel_loop3A_671, %parallel_loop3A_672] {strides = array<i32>} : memref<2x128x128xf32, #tpu.memory_space<vmem>>, vector<1x1x16xf32>,
        %parallel_loop3A_674 = vector.shape_cast %parallel_loop3A_673 : vector<1x1x16xf32> to vector<16xf32>
        %parallel_loop3A_675 = arith.constant 48 : i32
        %parallel_loop3A_676 = arith.addi %parallel_loop3A_675, %parallel_loop3A_662 : i32
        %parallel_loop3A_677 = arith.constant 1 : i32
        %parallel_loop3A_678 = arith.index_cast %parallel_loop3A_677 : i32 to index
        %parallel_loop3A_679 = arith.index_cast %parallel_loop3A_676 : i32 to index
        %parallel_loop3A_680 = arith.index_cast %parallel_loop3A_666 : i32 to index
        %parallel_loop3A_681 = tpu.vector_load %arg7[%parallel_loop3A_678, %parallel_loop3A_679, %parallel_loop3A_680] {strides = array<i32>} : memref<2x128x128xf32, #tpu.memory_space<vmem>>, vector<1x1x16xf32>,
        %parallel_loop3A_682 = vector.shape_cast %parallel_loop3A_681 : vector<1x1x16xf32> to vector<16xf32>
        %parallel_loop3A_683 = arith.constant 1 : i32
        %parallel_loop3A_684 = arith.constant 0 : i32
        %parallel_loop3A_685 = arith.index_cast %parallel_loop3A_683 : i32 to index
        %parallel_loop3A_686 = arith.index_cast %parallel_loop3A_684 : i32 to index
        %parallel_loop3A_687 = arith.index_cast %parallel_loop3A_662 : i32 to index
        %parallel_loop3A_688 = arith.index_cast %parallel_loop3A_666 : i32 to index
        %parallel_loop3A_689 = tpu.vector_load %arg8[%parallel_loop3A_685, %parallel_loop3A_686, %parallel_loop3A_687, %parallel_loop3A_688] {strides = array<i32>} : memref<2x8x16x128xf32, #tpu.memory_space<vmem>>, vector<1x1x1x16xf32>,
        %parallel_loop3A_690 = vector.shape_cast %parallel_loop3A_689 : vector<1x1x1x16xf32> to vector<16xf32>
        %parallel_loop3A_691 = arith.mulf %parallel_loop3A_690, %parallel_loop3A_674 : vector<16xf32>
        %parallel_loop3A_692 = arith.addf %parallel_loop3A_637, %parallel_loop3A_691 : vector<16xf32>
        %parallel_loop3A_693 = arith.mulf %parallel_loop3A_690, %parallel_loop3A_682 : vector<16xf32>
        %parallel_loop3A_694 = arith.addf %parallel_loop3A_645, %parallel_loop3A_693 : vector<16xf32>
        %parallel_loop3A_695 = arith.addf %parallel_loop3A_653, %parallel_loop3A_690 : vector<16xf32>
        %parallel_loop3A_696 = arith.constant 1 : i32
        %parallel_loop3A_697 = arith.constant 1 : i32
        %parallel_loop3A_698 = arith.index_cast %parallel_loop3A_696 : i32 to index
        %parallel_loop3A_699 = arith.index_cast %parallel_loop3A_697 : i32 to index
        %parallel_loop3A_700 = arith.index_cast %parallel_loop3A_662 : i32 to index
        %parallel_loop3A_701 = arith.index_cast %parallel_loop3A_666 : i32 to index
        %parallel_loop3A_702 = tpu.vector_load %arg8[%parallel_loop3A_698, %parallel_loop3A_699, %parallel_loop3A_700, %parallel_loop3A_701] {strides = array<i32>} : memref<2x8x16x128xf32, #tpu.memory_space<vmem>>, vector<1x1x1x16xf32>,
        %parallel_loop3A_703 = vector.shape_cast %parallel_loop3A_702 : vector<1x1x1x16xf32> to vector<16xf32>
        %parallel_loop3A_704 = arith.mulf %parallel_loop3A_703, %parallel_loop3A_674 : vector<16xf32>
        %parallel_loop3A_705 = arith.addf %parallel_loop3A_638, %parallel_loop3A_704 : vector<16xf32>
        %parallel_loop3A_706 = arith.mulf %parallel_loop3A_703, %parallel_loop3A_682 : vector<16xf32>
        %parallel_loop3A_707 = arith.addf %parallel_loop3A_646, %parallel_loop3A_706 : vector<16xf32>
        %parallel_loop3A_708 = arith.addf %parallel_loop3A_654, %parallel_loop3A_703 : vector<16xf32>
        %parallel_loop3A_709 = arith.constant 1 : i32
        %parallel_loop3A_710 = arith.constant 2 : i32
        %parallel_loop3A_711 = arith.index_cast %parallel_loop3A_709 : i32 to index
        %parallel_loop3A_712 = arith.index_cast %parallel_loop3A_710 : i32 to index
        %parallel_loop3A_713 = arith.index_cast %parallel_loop3A_662 : i32 to index
        %parallel_loop3A_714 = arith.index_cast %parallel_loop3A_666 : i32 to index
        %parallel_loop3A_715 = tpu.vector_load %arg8[%parallel_loop3A_711, %parallel_loop3A_712, %parallel_loop3A_713, %parallel_loop3A_714] {strides = array<i32>} : memref<2x8x16x128xf32, #tpu.memory_space<vmem>>, vector<1x1x1x16xf32>,
        %parallel_loop3A_716 = vector.shape_cast %parallel_loop3A_715 : vector<1x1x1x16xf32> to vector<16xf32>
        %parallel_loop3A_717 = arith.mulf %parallel_loop3A_716, %parallel_loop3A_674 : vector<16xf32>
        %parallel_loop3A_718 = arith.addf %parallel_loop3A_639, %parallel_loop3A_717 : vector<16xf32>
        %parallel_loop3A_719 = arith.mulf %parallel_loop3A_716, %parallel_loop3A_682 : vector<16xf32>
        %parallel_loop3A_720 = arith.addf %parallel_loop3A_647, %parallel_loop3A_719 : vector<16xf32>
        %parallel_loop3A_721 = arith.addf %parallel_loop3A_655, %parallel_loop3A_716 : vector<16xf32>
        %parallel_loop3A_722 = arith.constant 1 : i32
        %parallel_loop3A_723 = arith.constant 3 : i32
        %parallel_loop3A_724 = arith.index_cast %parallel_loop3A_722 : i32 to index
        %parallel_loop3A_725 = arith.index_cast %parallel_loop3A_723 : i32 to index
        %parallel_loop3A_726 = arith.index_cast %parallel_loop3A_662 : i32 to index
        %parallel_loop3A_727 = arith.index_cast %parallel_loop3A_666 : i32 to index
        %parallel_loop3A_728 = tpu.vector_load %arg8[%parallel_loop3A_724, %parallel_loop3A_725, %parallel_loop3A_726, %parallel_loop3A_727] {strides = array<i32>} : memref<2x8x16x128xf32, #tpu.memory_space<vmem>>, vector<1x1x1x16xf32>,
        %parallel_loop3A_729 = vector.shape_cast %parallel_loop3A_728 : vector<1x1x1x16xf32> to vector<16xf32>
        %parallel_loop3A_730 = arith.mulf %parallel_loop3A_729, %parallel_loop3A_674 : vector<16xf32>
        %parallel_loop3A_731 = arith.addf %parallel_loop3A_640, %parallel_loop3A_730 : vector<16xf32>
        %parallel_loop3A_732 = arith.mulf %parallel_loop3A_729, %parallel_loop3A_682 : vector<16xf32>
        %parallel_loop3A_733 = arith.addf %parallel_loop3A_648, %parallel_loop3A_732 : vector<16xf32>
        %parallel_loop3A_734 = arith.addf %parallel_loop3A_656, %parallel_loop3A_729 : vector<16xf32>
        %parallel_loop3A_735 = arith.constant 1 : i32
        %parallel_loop3A_736 = arith.constant 4 : i32
        %parallel_loop3A_737 = arith.index_cast %parallel_loop3A_735 : i32 to index
        %parallel_loop3A_738 = arith.index_cast %parallel_loop3A_736 : i32 to index
        %parallel_loop3A_739 = arith.index_cast %parallel_loop3A_662 : i32 to index
        %parallel_loop3A_740 = arith.index_cast %parallel_loop3A_666 : i32 to index
        %parallel_loop3A_741 = tpu.vector_load %arg8[%parallel_loop3A_737, %parallel_loop3A_738, %parallel_loop3A_739, %parallel_loop3A_740] {strides = array<i32>} : memref<2x8x16x128xf32, #tpu.memory_space<vmem>>, vector<1x1x1x16xf32>,
        %parallel_loop3A_742 = vector.shape_cast %parallel_loop3A_741 : vector<1x1x1x16xf32> to vector<16xf32>
        %parallel_loop3A_743 = arith.mulf %parallel_loop3A_742, %parallel_loop3A_674 : vector<16xf32>
        %parallel_loop3A_744 = arith.addf %parallel_loop3A_641, %parallel_loop3A_743 : vector<16xf32>
        %parallel_loop3A_745 = arith.mulf %parallel_loop3A_742, %parallel_loop3A_682 : vector<16xf32>
        %parallel_loop3A_746 = arith.addf %parallel_loop3A_649, %parallel_loop3A_745 : vector<16xf32>
        %parallel_loop3A_747 = arith.addf %parallel_loop3A_657, %parallel_loop3A_742 : vector<16xf32>
        %parallel_loop3A_748 = arith.constant 1 : i32
        %parallel_loop3A_749 = arith.constant 5 : i32
        %parallel_loop3A_750 = arith.index_cast %parallel_loop3A_748 : i32 to index
        %parallel_loop3A_751 = arith.index_cast %parallel_loop3A_749 : i32 to index
        %parallel_loop3A_752 = arith.index_cast %parallel_loop3A_662 : i32 to index
        %parallel_loop3A_753 = arith.index_cast %parallel_loop3A_666 : i32 to index
        %parallel_loop3A_754 = tpu.vector_load %arg8[%parallel_loop3A_750, %parallel_loop3A_751, %parallel_loop3A_752, %parallel_loop3A_753] {strides = array<i32>} : memref<2x8x16x128xf32, #tpu.memory_space<vmem>>, vector<1x1x1x16xf32>,
        %parallel_loop3A_755 = vector.shape_cast %parallel_loop3A_754 : vector<1x1x1x16xf32> to vector<16xf32>
        %parallel_loop3A_756 = arith.mulf %parallel_loop3A_755, %parallel_loop3A_674 : vector<16xf32>
        %parallel_loop3A_757 = arith.addf %parallel_loop3A_642, %parallel_loop3A_756 : vector<16xf32>
        %parallel_loop3A_758 = arith.mulf %parallel_loop3A_755, %parallel_loop3A_682 : vector<16xf32>
        %parallel_loop3A_759 = arith.addf %parallel_loop3A_650, %parallel_loop3A_758 : vector<16xf32>
        %parallel_loop3A_760 = arith.addf %parallel_loop3A_658, %parallel_loop3A_755 : vector<16xf32>
        %parallel_loop3A_761 = arith.constant 1 : i32
        %parallel_loop3A_762 = arith.constant 6 : i32
        %parallel_loop3A_763 = arith.index_cast %parallel_loop3A_761 : i32 to index
        %parallel_loop3A_764 = arith.index_cast %parallel_loop3A_762 : i32 to index
        %parallel_loop3A_765 = arith.index_cast %parallel_loop3A_662 : i32 to index
        %parallel_loop3A_766 = arith.index_cast %parallel_loop3A_666 : i32 to index
        %parallel_loop3A_767 = tpu.vector_load %arg8[%parallel_loop3A_763, %parallel_loop3A_764, %parallel_loop3A_765, %parallel_loop3A_766] {strides = array<i32>} : memref<2x8x16x128xf32, #tpu.memory_space<vmem>>, vector<1x1x1x16xf32>,
        %parallel_loop3A_768 = vector.shape_cast %parallel_loop3A_767 : vector<1x1x1x16xf32> to vector<16xf32>
        %parallel_loop3A_769 = arith.mulf %parallel_loop3A_768, %parallel_loop3A_674 : vector<16xf32>
        %parallel_loop3A_770 = arith.addf %parallel_loop3A_643, %parallel_loop3A_769 : vector<16xf32>
        %parallel_loop3A_771 = arith.mulf %parallel_loop3A_768, %parallel_loop3A_682 : vector<16xf32>
        %parallel_loop3A_772 = arith.addf %parallel_loop3A_651, %parallel_loop3A_771 : vector<16xf32>
        %parallel_loop3A_773 = arith.addf %parallel_loop3A_659, %parallel_loop3A_768 : vector<16xf32>
        %parallel_loop3A_774 = arith.constant 1 : i32
        %parallel_loop3A_775 = arith.constant 7 : i32
        %parallel_loop3A_776 = arith.index_cast %parallel_loop3A_774 : i32 to index
        %parallel_loop3A_777 = arith.index_cast %parallel_loop3A_775 : i32 to index
        %parallel_loop3A_778 = arith.index_cast %parallel_loop3A_662 : i32 to index
        %parallel_loop3A_779 = arith.index_cast %parallel_loop3A_666 : i32 to index
        %parallel_loop3A_780 = tpu.vector_load %arg8[%parallel_loop3A_776, %parallel_loop3A_777, %parallel_loop3A_778, %parallel_loop3A_779] {strides = array<i32>} : memref<2x8x16x128xf32, #tpu.memory_space<vmem>>, vector<1x1x1x16xf32>,
        %parallel_loop3A_781 = vector.shape_cast %parallel_loop3A_780 : vector<1x1x1x16xf32> to vector<16xf32>
        %parallel_loop3A_782 = arith.mulf %parallel_loop3A_781, %parallel_loop3A_674 : vector<16xf32>
        %parallel_loop3A_783 = arith.addf %parallel_loop3A_644, %parallel_loop3A_782 : vector<16xf32>
        %parallel_loop3A_784 = arith.mulf %parallel_loop3A_781, %parallel_loop3A_682 : vector<16xf32>
        %parallel_loop3A_785 = arith.addf %parallel_loop3A_652, %parallel_loop3A_784 : vector<16xf32>
        %parallel_loop3A_786 = arith.addf %parallel_loop3A_660, %parallel_loop3A_781 : vector<16xf32>
        scf.yield %parallel_loop3A_692, %parallel_loop3A_705, %parallel_loop3A_718, %parallel_loop3A_731, %parallel_loop3A_744, %parallel_loop3A_757, %parallel_loop3A_770, %parallel_loop3A_783, %parallel_loop3A_694, %parallel_loop3A_707, %parallel_loop3A_720, %parallel_loop3A_733, %parallel_loop3A_746, %parallel_loop3A_759, %parallel_loop3A_772, %parallel_loop3A_785, %parallel_loop3A_695, %parallel_loop3A_708, %parallel_loop3A_721, %parallel_loop3A_734, %parallel_loop3A_747, %parallel_loop3A_760, %parallel_loop3A_773, %parallel_loop3A_786 : vector<16xf32>, vector<16xf32>, vector<16xf32>, vector<16xf32>, vector<16xf32>, vector<16xf32>, vector<16xf32>, vector<16xf32>, vector<16xf32>, vector<16xf32>, vector<16xf32>, vector<16xf32>, vector<16xf32>, vector<16xf32>, vector<16xf32>, vector<16xf32>, vector<16xf32>, vector<16xf32>, vector<16xf32>, vector<16xf32>, vector<16xf32>, vector<16xf32>, vector<16xf32>, vector<16xf32>
      } {sc.loop_unroll_factor = 4 : i64, sc.parallel_access}
      %mul3A_286 = arith.constant 8 : i32
      %mul3A_287 = arith.muli %select_n3A_41, %mul3A_286 : i32
      %dma_start3A_288 = arith.constant 1 : i32
      %dma_start3A_289 = arith.constant 0 : i32
      %dma_start3A_290 = arith.constant 0 : i32
      %dma_start3A_291 = arith.constant 0 : i32
      %dma_start3A_292 = tpu.memref_slice %arg8[%dma_start3A_288, %dma_start3A_289, %dma_start3A_290, %dma_start3A_291] : memref<2x8x16x128xf32, #tpu.memory_space<vmem>> -> memref<1x8x16x128xf32, #tpu.memory_space<vmem>>
      %dma_start3A_293 = tpu.memref_squeeze %dma_start3A_292 : memref<1x8x16x128xf32, #tpu.memory_space<vmem>> -> memref<8x16x128xf32, #tpu.memory_space<vmem>>
      %dma_start3A_294 = arith.constant 80 : i32
      %dma_start3A_295 = arith.constant 0 : i32
      %dma_start3A_296 = tpu.memref_slice %arg2[%add3A_27, %mul3A_287, %dma_start3A_294, %dma_start3A_295] : memref<64x64x128x128xf32, #tpu.memory_space<hbm>> -> memref<1x8x16x128xf32, #tpu.memory_space<hbm>>
      %dma_start3A_297 = tpu.memref_squeeze %dma_start3A_296 : memref<1x8x16x128xf32, #tpu.memory_space<hbm>> -> memref<8x16x128xf32, #tpu.memory_space<hbm>>
      %dma_start3A_298 = arith.constant 0 : i32
      %dma_start3A_299 = arith.constant 0 : i32
      %dma_start3A_300 = arith.constant 0 : i32
      %dma_start3A_301 = tpu.memref_slice %arg8[%dma_start3A_288, %dma_start3A_298, %dma_start3A_299, %dma_start3A_300] : memref<2x8x16x128xf32, #tpu.memory_space<vmem>> -> memref<1x8x16x128xf32, #tpu.memory_space<vmem>>
      %dma_start3A_302 = tpu.memref_squeeze %dma_start3A_301 : memref<1x8x16x128xf32, #tpu.memory_space<vmem>> -> memref<8x16x128xf32, #tpu.memory_space<vmem>>
      %dma_start3A_303 = arith.constant 80 : i32
      %dma_start3A_304 = arith.constant 0 : i32
      %dma_start3A_305 = tpu.memref_slice %arg2[%add3A_27, %mul3A_287, %dma_start3A_303, %dma_start3A_304] : memref<64x64x128x128xf32, #tpu.memory_space<hbm>> -> memref<1x8x16x128xf32, #tpu.memory_space<hbm>>
      %dma_start3A_306 = tpu.memref_squeeze %dma_start3A_305 : memref<1x8x16x128xf32, #tpu.memory_space<hbm>> -> memref<8x16x128xf32, #tpu.memory_space<hbm>>
      tpu.enqueue_dma source(%dma_start3A_306 : memref<8x16x128xf32, #tpu.memory_space<hbm>>) target(%dma_start3A_302 : memref<8x16x128xf32, #tpu.memory_space<vmem>>) target_semaphore(%arg11 : memref<!tpu.dma_semaphore, #tpu.memory_space<semaphore_mem>>)
      %dma_wait3A_307 = arith.constant 0 : i32
      %dma_wait3A_308 = arith.constant 0 : i32
      %dma_wait3A_309 = arith.constant 0 : i32
      %dma_wait3A_310 = arith.constant 0 : i32
      %dma_wait3A_311 = tpu.memref_slice %arg8[%dma_wait3A_307, %dma_wait3A_308, %dma_wait3A_309, %dma_wait3A_310] : memref<2x8x16x128xf32, #tpu.memory_space<vmem>> -> memref<1x8x16x128xf32, #tpu.memory_space<vmem>>
      %dma_wait3A_312 = tpu.memref_squeeze %dma_wait3A_311 : memref<1x8x16x128xf32, #tpu.memory_space<vmem>> -> memref<8x16x128xf32, #tpu.memory_space<vmem>>
      %dma_wait3A_313 = arith.constant 64 : i32
      %dma_wait3A_314 = arith.constant 0 : i32
      %dma_wait3A_315 = tpu.memref_slice %arg2[%add3A_27, %mul3A_243, %dma_wait3A_313, %dma_wait3A_314] : memref<64x64x128x128xf32, #tpu.memory_space<hbm>> -> memref<1x8x16x128xf32, #tpu.memory_space<hbm>>
      %dma_wait3A_316 = tpu.memref_squeeze %dma_wait3A_315 : memref<1x8x16x128xf32, #tpu.memory_space<hbm>> -> memref<8x16x128xf32, #tpu.memory_space<hbm>>
      %dma_wait3A_317 = arith.constant 0 : i32
      %dma_wait3A_318 = arith.constant 0 : i32
      %dma_wait3A_319 = arith.constant 0 : i32
      %dma_wait3A_320 = tpu.memref_slice %arg8[%dma_wait3A_307, %dma_wait3A_317, %dma_wait3A_318, %dma_wait3A_319] : memref<2x8x16x128xf32, #tpu.memory_space<vmem>> -> memref<1x8x16x128xf32, #tpu.memory_space<vmem>>
      %dma_wait3A_321 = tpu.memref_squeeze %dma_wait3A_320 : memref<1x8x16x128xf32, #tpu.memory_space<vmem>> -> memref<8x16x128xf32, #tpu.memory_space<vmem>>
      %dma_wait3A_322 = arith.constant 64 : i32
      %dma_wait3A_323 = arith.constant 0 : i32
      %dma_wait3A_324 = tpu.memref_slice %arg2[%add3A_27, %mul3A_243, %dma_wait3A_322, %dma_wait3A_323] : memref<64x64x128x128xf32, #tpu.memory_space<hbm>> -> memref<1x8x16x128xf32, #tpu.memory_space<hbm>>
      %dma_wait3A_325 = tpu.memref_squeeze %dma_wait3A_324 : memref<1x8x16x128xf32, #tpu.memory_space<hbm>> -> memref<8x16x128xf32, #tpu.memory_space<hbm>>
      tpu.wait_dma2 semaphore(%arg10 : memref<!tpu.dma_semaphore, #tpu.memory_space<semaphore_mem>>) src(%dma_wait3A_325 : memref<8x16x128xf32, #tpu.memory_space<hbm>>) dst(%dma_wait3A_321 : memref<8x16x128xf32, #tpu.memory_space<vmem>>)
      %parallel_loop3A_326 = arith.constant 0 : i32
      %parallel_loop3A_327 = arith.constant 128 : i32
      %parallel_loop3A_328 = arith.constant 1 : i32
      %parallel_loop3A_329:24 = scf.for %parallel_loop3A_636 = %parallel_loop3A_326 to %parallel_loop3A_327 step %parallel_loop3A_328 iter_args(%parallel_loop3A_637 = %parallel_loop3A_285#0, %parallel_loop3A_638 = %parallel_loop3A_285#1, %parallel_loop3A_639 = %parallel_loop3A_285#2, %parallel_loop3A_640 = %parallel_loop3A_285#3, %parallel_loop3A_641 = %parallel_loop3A_285#4, %parallel_loop3A_642 = %parallel_loop3A_285#5, %parallel_loop3A_643 = %parallel_loop3A_285#6, %parallel_loop3A_644 = %parallel_loop3A_285#7, %parallel_loop3A_645 = %parallel_loop3A_285#8, %parallel_loop3A_646 = %parallel_loop3A_285#9, %parallel_loop3A_647 = %parallel_loop3A_285#10, %parallel_loop3A_648 = %parallel_loop3A_285#11, %parallel_loop3A_649 = %parallel_loop3A_285#12, %parallel_loop3A_650 = %parallel_loop3A_285#13, %parallel_loop3A_651 = %parallel_loop3A_285#14, %parallel_loop3A_652 = %parallel_loop3A_285#15, %parallel_loop3A_653 = %parallel_loop3A_285#16, %parallel_loop3A_654 = %parallel_loop3A_285#17, %parallel_loop3A_655 = %parallel_loop3A_285#18, %parallel_loop3A_656 = %parallel_loop3A_285#19, %parallel_loop3A_657 = %parallel_loop3A_285#20, %parallel_loop3A_658 = %parallel_loop3A_285#21, %parallel_loop3A_659 = %parallel_loop3A_285#22, %parallel_loop3A_660 = %parallel_loop3A_285#23) -> (vector<16xf32>, vector<16xf32>, vector<16xf32>, vector<16xf32>, vector<16xf32>, vector<16xf32>, vector<16xf32>, vector<16xf32>, vector<16xf32>, vector<16xf32>, vector<16xf32>, vector<16xf32>, vector<16xf32>, vector<16xf32>, vector<16xf32>, vector<16xf32>, vector<16xf32>, vector<16xf32>, vector<16xf32>, vector<16xf32>, vector<16xf32>, vector<16xf32>, vector<16xf32>, vector<16xf32>)  : i32 {
        %parallel_loop3A_661 = arith.constant 3 : i32
        %parallel_loop3A_662 = arith.shrsi %parallel_loop3A_636, %parallel_loop3A_661 : i32
        %parallel_loop3A_663 = arith.constant 7 : i32
        %parallel_loop3A_664 = arith.andi %parallel_loop3A_636, %parallel_loop3A_663 : i32
        %parallel_loop3A_665 = arith.constant 16 : i32
        %parallel_loop3A_666 = arith.muli %parallel_loop3A_664, %parallel_loop3A_665 : i32
        %parallel_loop3A_667 = arith.constant 64 : i32
        %parallel_loop3A_668 = arith.addi %parallel_loop3A_667, %parallel_loop3A_662 : i32
        %parallel_loop3A_669 = arith.constant 0 : i32
        %parallel_loop3A_670 = arith.index_cast %parallel_loop3A_669 : i32 to index
        %parallel_loop3A_671 = arith.index_cast %parallel_loop3A_668 : i32 to index
        %parallel_loop3A_672 = arith.index_cast %parallel_loop3A_666 : i32 to index
        %parallel_loop3A_673 = tpu.vector_load %arg7[%parallel_loop3A_670, %parallel_loop3A_671, %parallel_loop3A_672] {strides = array<i32>} : memref<2x128x128xf32, #tpu.memory_space<vmem>>, vector<1x1x16xf32>,
        %parallel_loop3A_674 = vector.shape_cast %parallel_loop3A_673 : vector<1x1x16xf32> to vector<16xf32>
        %parallel_loop3A_675 = arith.constant 64 : i32
        %parallel_loop3A_676 = arith.addi %parallel_loop3A_675, %parallel_loop3A_662 : i32
        %parallel_loop3A_677 = arith.constant 1 : i32
        %parallel_loop3A_678 = arith.index_cast %parallel_loop3A_677 : i32 to index
        %parallel_loop3A_679 = arith.index_cast %parallel_loop3A_676 : i32 to index
        %parallel_loop3A_680 = arith.index_cast %parallel_loop3A_666 : i32 to index
        %parallel_loop3A_681 = tpu.vector_load %arg7[%parallel_loop3A_678, %parallel_loop3A_679, %parallel_loop3A_680] {strides = array<i32>} : memref<2x128x128xf32, #tpu.memory_space<vmem>>, vector<1x1x16xf32>,
        %parallel_loop3A_682 = vector.shape_cast %parallel_loop3A_681 : vector<1x1x16xf32> to vector<16xf32>
        %parallel_loop3A_683 = arith.constant 0 : i32
        %parallel_loop3A_684 = arith.constant 0 : i32
        %parallel_loop3A_685 = arith.index_cast %parallel_loop3A_683 : i32 to index
        %parallel_loop3A_686 = arith.index_cast %parallel_loop3A_684 : i32 to index
        %parallel_loop3A_687 = arith.index_cast %parallel_loop3A_662 : i32 to index
        %parallel_loop3A_688 = arith.index_cast %parallel_loop3A_666 : i32 to index
        %parallel_loop3A_689 = tpu.vector_load %arg8[%parallel_loop3A_685, %parallel_loop3A_686, %parallel_loop3A_687, %parallel_loop3A_688] {strides = array<i32>} : memref<2x8x16x128xf32, #tpu.memory_space<vmem>>, vector<1x1x1x16xf32>,
        %parallel_loop3A_690 = vector.shape_cast %parallel_loop3A_689 : vector<1x1x1x16xf32> to vector<16xf32>
        %parallel_loop3A_691 = arith.mulf %parallel_loop3A_690, %parallel_loop3A_674 : vector<16xf32>
        %parallel_loop3A_692 = arith.addf %parallel_loop3A_637, %parallel_loop3A_691 : vector<16xf32>
        %parallel_loop3A_693 = arith.mulf %parallel_loop3A_690, %parallel_loop3A_682 : vector<16xf32>
        %parallel_loop3A_694 = arith.addf %parallel_loop3A_645, %parallel_loop3A_693 : vector<16xf32>
        %parallel_loop3A_695 = arith.addf %parallel_loop3A_653, %parallel_loop3A_690 : vector<16xf32>
        %parallel_loop3A_696 = arith.constant 0 : i32
        %parallel_loop3A_697 = arith.constant 1 : i32
        %parallel_loop3A_698 = arith.index_cast %parallel_loop3A_696 : i32 to index
        %parallel_loop3A_699 = arith.index_cast %parallel_loop3A_697 : i32 to index
        %parallel_loop3A_700 = arith.index_cast %parallel_loop3A_662 : i32 to index
        %parallel_loop3A_701 = arith.index_cast %parallel_loop3A_666 : i32 to index
        %parallel_loop3A_702 = tpu.vector_load %arg8[%parallel_loop3A_698, %parallel_loop3A_699, %parallel_loop3A_700, %parallel_loop3A_701] {strides = array<i32>} : memref<2x8x16x128xf32, #tpu.memory_space<vmem>>, vector<1x1x1x16xf32>,
        %parallel_loop3A_703 = vector.shape_cast %parallel_loop3A_702 : vector<1x1x1x16xf32> to vector<16xf32>
        %parallel_loop3A_704 = arith.mulf %parallel_loop3A_703, %parallel_loop3A_674 : vector<16xf32>
        %parallel_loop3A_705 = arith.addf %parallel_loop3A_638, %parallel_loop3A_704 : vector<16xf32>
        %parallel_loop3A_706 = arith.mulf %parallel_loop3A_703, %parallel_loop3A_682 : vector<16xf32>
        %parallel_loop3A_707 = arith.addf %parallel_loop3A_646, %parallel_loop3A_706 : vector<16xf32>
        %parallel_loop3A_708 = arith.addf %parallel_loop3A_654, %parallel_loop3A_703 : vector<16xf32>
        %parallel_loop3A_709 = arith.constant 0 : i32
        %parallel_loop3A_710 = arith.constant 2 : i32
        %parallel_loop3A_711 = arith.index_cast %parallel_loop3A_709 : i32 to index
        %parallel_loop3A_712 = arith.index_cast %parallel_loop3A_710 : i32 to index
        %parallel_loop3A_713 = arith.index_cast %parallel_loop3A_662 : i32 to index
        %parallel_loop3A_714 = arith.index_cast %parallel_loop3A_666 : i32 to index
        %parallel_loop3A_715 = tpu.vector_load %arg8[%parallel_loop3A_711, %parallel_loop3A_712, %parallel_loop3A_713, %parallel_loop3A_714] {strides = array<i32>} : memref<2x8x16x128xf32, #tpu.memory_space<vmem>>, vector<1x1x1x16xf32>,
        %parallel_loop3A_716 = vector.shape_cast %parallel_loop3A_715 : vector<1x1x1x16xf32> to vector<16xf32>
        %parallel_loop3A_717 = arith.mulf %parallel_loop3A_716, %parallel_loop3A_674 : vector<16xf32>
        %parallel_loop3A_718 = arith.addf %parallel_loop3A_639, %parallel_loop3A_717 : vector<16xf32>
        %parallel_loop3A_719 = arith.mulf %parallel_loop3A_716, %parallel_loop3A_682 : vector<16xf32>
        %parallel_loop3A_720 = arith.addf %parallel_loop3A_647, %parallel_loop3A_719 : vector<16xf32>
        %parallel_loop3A_721 = arith.addf %parallel_loop3A_655, %parallel_loop3A_716 : vector<16xf32>
        %parallel_loop3A_722 = arith.constant 0 : i32
        %parallel_loop3A_723 = arith.constant 3 : i32
        %parallel_loop3A_724 = arith.index_cast %parallel_loop3A_722 : i32 to index
        %parallel_loop3A_725 = arith.index_cast %parallel_loop3A_723 : i32 to index
        %parallel_loop3A_726 = arith.index_cast %parallel_loop3A_662 : i32 to index
        %parallel_loop3A_727 = arith.index_cast %parallel_loop3A_666 : i32 to index
        %parallel_loop3A_728 = tpu.vector_load %arg8[%parallel_loop3A_724, %parallel_loop3A_725, %parallel_loop3A_726, %parallel_loop3A_727] {strides = array<i32>} : memref<2x8x16x128xf32, #tpu.memory_space<vmem>>, vector<1x1x1x16xf32>,
        %parallel_loop3A_729 = vector.shape_cast %parallel_loop3A_728 : vector<1x1x1x16xf32> to vector<16xf32>
        %parallel_loop3A_730 = arith.mulf %parallel_loop3A_729, %parallel_loop3A_674 : vector<16xf32>
        %parallel_loop3A_731 = arith.addf %parallel_loop3A_640, %parallel_loop3A_730 : vector<16xf32>
        %parallel_loop3A_732 = arith.mulf %parallel_loop3A_729, %parallel_loop3A_682 : vector<16xf32>
        %parallel_loop3A_733 = arith.addf %parallel_loop3A_648, %parallel_loop3A_732 : vector<16xf32>
        %parallel_loop3A_734 = arith.addf %parallel_loop3A_656, %parallel_loop3A_729 : vector<16xf32>
        %parallel_loop3A_735 = arith.constant 0 : i32
        %parallel_loop3A_736 = arith.constant 4 : i32
        %parallel_loop3A_737 = arith.index_cast %parallel_loop3A_735 : i32 to index
        %parallel_loop3A_738 = arith.index_cast %parallel_loop3A_736 : i32 to index
        %parallel_loop3A_739 = arith.index_cast %parallel_loop3A_662 : i32 to index
        %parallel_loop3A_740 = arith.index_cast %parallel_loop3A_666 : i32 to index
        %parallel_loop3A_741 = tpu.vector_load %arg8[%parallel_loop3A_737, %parallel_loop3A_738, %parallel_loop3A_739, %parallel_loop3A_740] {strides = array<i32>} : memref<2x8x16x128xf32, #tpu.memory_space<vmem>>, vector<1x1x1x16xf32>,
        %parallel_loop3A_742 = vector.shape_cast %parallel_loop3A_741 : vector<1x1x1x16xf32> to vector<16xf32>
        %parallel_loop3A_743 = arith.mulf %parallel_loop3A_742, %parallel_loop3A_674 : vector<16xf32>
        %parallel_loop3A_744 = arith.addf %parallel_loop3A_641, %parallel_loop3A_743 : vector<16xf32>
        %parallel_loop3A_745 = arith.mulf %parallel_loop3A_742, %parallel_loop3A_682 : vector<16xf32>
        %parallel_loop3A_746 = arith.addf %parallel_loop3A_649, %parallel_loop3A_745 : vector<16xf32>
        %parallel_loop3A_747 = arith.addf %parallel_loop3A_657, %parallel_loop3A_742 : vector<16xf32>
        %parallel_loop3A_748 = arith.constant 0 : i32
        %parallel_loop3A_749 = arith.constant 5 : i32
        %parallel_loop3A_750 = arith.index_cast %parallel_loop3A_748 : i32 to index
        %parallel_loop3A_751 = arith.index_cast %parallel_loop3A_749 : i32 to index
        %parallel_loop3A_752 = arith.index_cast %parallel_loop3A_662 : i32 to index
        %parallel_loop3A_753 = arith.index_cast %parallel_loop3A_666 : i32 to index
        %parallel_loop3A_754 = tpu.vector_load %arg8[%parallel_loop3A_750, %parallel_loop3A_751, %parallel_loop3A_752, %parallel_loop3A_753] {strides = array<i32>} : memref<2x8x16x128xf32, #tpu.memory_space<vmem>>, vector<1x1x1x16xf32>,
        %parallel_loop3A_755 = vector.shape_cast %parallel_loop3A_754 : vector<1x1x1x16xf32> to vector<16xf32>
        %parallel_loop3A_756 = arith.mulf %parallel_loop3A_755, %parallel_loop3A_674 : vector<16xf32>
        %parallel_loop3A_757 = arith.addf %parallel_loop3A_642, %parallel_loop3A_756 : vector<16xf32>
        %parallel_loop3A_758 = arith.mulf %parallel_loop3A_755, %parallel_loop3A_682 : vector<16xf32>
        %parallel_loop3A_759 = arith.addf %parallel_loop3A_650, %parallel_loop3A_758 : vector<16xf32>
        %parallel_loop3A_760 = arith.addf %parallel_loop3A_658, %parallel_loop3A_755 : vector<16xf32>
        %parallel_loop3A_761 = arith.constant 0 : i32
        %parallel_loop3A_762 = arith.constant 6 : i32
        %parallel_loop3A_763 = arith.index_cast %parallel_loop3A_761 : i32 to index
        %parallel_loop3A_764 = arith.index_cast %parallel_loop3A_762 : i32 to index
        %parallel_loop3A_765 = arith.index_cast %parallel_loop3A_662 : i32 to index
        %parallel_loop3A_766 = arith.index_cast %parallel_loop3A_666 : i32 to index
        %parallel_loop3A_767 = tpu.vector_load %arg8[%parallel_loop3A_763, %parallel_loop3A_764, %parallel_loop3A_765, %parallel_loop3A_766] {strides = array<i32>} : memref<2x8x16x128xf32, #tpu.memory_space<vmem>>, vector<1x1x1x16xf32>,
        %parallel_loop3A_768 = vector.shape_cast %parallel_loop3A_767 : vector<1x1x1x16xf32> to vector<16xf32>
        %parallel_loop3A_769 = arith.mulf %parallel_loop3A_768, %parallel_loop3A_674 : vector<16xf32>
        %parallel_loop3A_770 = arith.addf %parallel_loop3A_643, %parallel_loop3A_769 : vector<16xf32>
        %parallel_loop3A_771 = arith.mulf %parallel_loop3A_768, %parallel_loop3A_682 : vector<16xf32>
        %parallel_loop3A_772 = arith.addf %parallel_loop3A_651, %parallel_loop3A_771 : vector<16xf32>
        %parallel_loop3A_773 = arith.addf %parallel_loop3A_659, %parallel_loop3A_768 : vector<16xf32>
        %parallel_loop3A_774 = arith.constant 0 : i32
        %parallel_loop3A_775 = arith.constant 7 : i32
        %parallel_loop3A_776 = arith.index_cast %parallel_loop3A_774 : i32 to index
        %parallel_loop3A_777 = arith.index_cast %parallel_loop3A_775 : i32 to index
        %parallel_loop3A_778 = arith.index_cast %parallel_loop3A_662 : i32 to index
        %parallel_loop3A_779 = arith.index_cast %parallel_loop3A_666 : i32 to index
        %parallel_loop3A_780 = tpu.vector_load %arg8[%parallel_loop3A_776, %parallel_loop3A_777, %parallel_loop3A_778, %parallel_loop3A_779] {strides = array<i32>} : memref<2x8x16x128xf32, #tpu.memory_space<vmem>>, vector<1x1x1x16xf32>,
        %parallel_loop3A_781 = vector.shape_cast %parallel_loop3A_780 : vector<1x1x1x16xf32> to vector<16xf32>
        %parallel_loop3A_782 = arith.mulf %parallel_loop3A_781, %parallel_loop3A_674 : vector<16xf32>
        %parallel_loop3A_783 = arith.addf %parallel_loop3A_644, %parallel_loop3A_782 : vector<16xf32>
        %parallel_loop3A_784 = arith.mulf %parallel_loop3A_781, %parallel_loop3A_682 : vector<16xf32>
        %parallel_loop3A_785 = arith.addf %parallel_loop3A_652, %parallel_loop3A_784 : vector<16xf32>
        %parallel_loop3A_786 = arith.addf %parallel_loop3A_660, %parallel_loop3A_781 : vector<16xf32>
        scf.yield %parallel_loop3A_692, %parallel_loop3A_705, %parallel_loop3A_718, %parallel_loop3A_731, %parallel_loop3A_744, %parallel_loop3A_757, %parallel_loop3A_770, %parallel_loop3A_783, %parallel_loop3A_694, %parallel_loop3A_707, %parallel_loop3A_720, %parallel_loop3A_733, %parallel_loop3A_746, %parallel_loop3A_759, %parallel_loop3A_772, %parallel_loop3A_785, %parallel_loop3A_695, %parallel_loop3A_708, %parallel_loop3A_721, %parallel_loop3A_734, %parallel_loop3A_747, %parallel_loop3A_760, %parallel_loop3A_773, %parallel_loop3A_786 : vector<16xf32>, vector<16xf32>, vector<16xf32>, vector<16xf32>, vector<16xf32>, vector<16xf32>, vector<16xf32>, vector<16xf32>, vector<16xf32>, vector<16xf32>, vector<16xf32>, vector<16xf32>, vector<16xf32>, vector<16xf32>, vector<16xf32>, vector<16xf32>, vector<16xf32>, vector<16xf32>, vector<16xf32>, vector<16xf32>, vector<16xf32>, vector<16xf32>, vector<16xf32>, vector<16xf32>
      } {sc.loop_unroll_factor = 4 : i64, sc.parallel_access}
      %mul3A_330 = arith.constant 8 : i32
      %mul3A_331 = arith.muli %select_n3A_41, %mul3A_330 : i32
      %dma_start3A_332 = arith.constant 0 : i32
      %dma_start3A_333 = arith.constant 0 : i32
      %dma_start3A_334 = arith.constant 0 : i32
      %dma_start3A_335 = arith.constant 0 : i32
      %dma_start3A_336 = tpu.memref_slice %arg8[%dma_start3A_332, %dma_start3A_333, %dma_start3A_334, %dma_start3A_335] : memref<2x8x16x128xf32, #tpu.memory_space<vmem>> -> memref<1x8x16x128xf32, #tpu.memory_space<vmem>>
      %dma_start3A_337 = tpu.memref_squeeze %dma_start3A_336 : memref<1x8x16x128xf32, #tpu.memory_space<vmem>> -> memref<8x16x128xf32, #tpu.memory_space<vmem>>
      %dma_start3A_338 = arith.constant 96 : i32
      %dma_start3A_339 = arith.constant 0 : i32
      %dma_start3A_340 = tpu.memref_slice %arg2[%add3A_27, %mul3A_331, %dma_start3A_338, %dma_start3A_339] : memref<64x64x128x128xf32, #tpu.memory_space<hbm>> -> memref<1x8x16x128xf32, #tpu.memory_space<hbm>>
      %dma_start3A_341 = tpu.memref_squeeze %dma_start3A_340 : memref<1x8x16x128xf32, #tpu.memory_space<hbm>> -> memref<8x16x128xf32, #tpu.memory_space<hbm>>
      %dma_start3A_342 = arith.constant 0 : i32
      %dma_start3A_343 = arith.constant 0 : i32
      %dma_start3A_344 = arith.constant 0 : i32
      %dma_start3A_345 = tpu.memref_slice %arg8[%dma_start3A_332, %dma_start3A_342, %dma_start3A_343, %dma_start3A_344] : memref<2x8x16x128xf32, #tpu.memory_space<vmem>> -> memref<1x8x16x128xf32, #tpu.memory_space<vmem>>
      %dma_start3A_346 = tpu.memref_squeeze %dma_start3A_345 : memref<1x8x16x128xf32, #tpu.memory_space<vmem>> -> memref<8x16x128xf32, #tpu.memory_space<vmem>>
      %dma_start3A_347 = arith.constant 96 : i32
      %dma_start3A_348 = arith.constant 0 : i32
      %dma_start3A_349 = tpu.memref_slice %arg2[%add3A_27, %mul3A_331, %dma_start3A_347, %dma_start3A_348] : memref<64x64x128x128xf32, #tpu.memory_space<hbm>> -> memref<1x8x16x128xf32, #tpu.memory_space<hbm>>
      %dma_start3A_350 = tpu.memref_squeeze %dma_start3A_349 : memref<1x8x16x128xf32, #tpu.memory_space<hbm>> -> memref<8x16x128xf32, #tpu.memory_space<hbm>>
      tpu.enqueue_dma source(%dma_start3A_350 : memref<8x16x128xf32, #tpu.memory_space<hbm>>) target(%dma_start3A_346 : memref<8x16x128xf32, #tpu.memory_space<vmem>>) target_semaphore(%arg10 : memref<!tpu.dma_semaphore, #tpu.memory_space<semaphore_mem>>)
      %dma_wait3A_351 = arith.constant 1 : i32
      %dma_wait3A_352 = arith.constant 0 : i32
      %dma_wait3A_353 = arith.constant 0 : i32
      %dma_wait3A_354 = arith.constant 0 : i32
      %dma_wait3A_355 = tpu.memref_slice %arg8[%dma_wait3A_351, %dma_wait3A_352, %dma_wait3A_353, %dma_wait3A_354] : memref<2x8x16x128xf32, #tpu.memory_space<vmem>> -> memref<1x8x16x128xf32, #tpu.memory_space<vmem>>
      %dma_wait3A_356 = tpu.memref_squeeze %dma_wait3A_355 : memref<1x8x16x128xf32, #tpu.memory_space<vmem>> -> memref<8x16x128xf32, #tpu.memory_space<vmem>>
      %dma_wait3A_357 = arith.constant 80 : i32
      %dma_wait3A_358 = arith.constant 0 : i32
      %dma_wait3A_359 = tpu.memref_slice %arg2[%add3A_27, %mul3A_287, %dma_wait3A_357, %dma_wait3A_358] : memref<64x64x128x128xf32, #tpu.memory_space<hbm>> -> memref<1x8x16x128xf32, #tpu.memory_space<hbm>>
      %dma_wait3A_360 = tpu.memref_squeeze %dma_wait3A_359 : memref<1x8x16x128xf32, #tpu.memory_space<hbm>> -> memref<8x16x128xf32, #tpu.memory_space<hbm>>
      %dma_wait3A_361 = arith.constant 0 : i32
      %dma_wait3A_362 = arith.constant 0 : i32
      %dma_wait3A_363 = arith.constant 0 : i32
      %dma_wait3A_364 = tpu.memref_slice %arg8[%dma_wait3A_351, %dma_wait3A_361, %dma_wait3A_362, %dma_wait3A_363] : memref<2x8x16x128xf32, #tpu.memory_space<vmem>> -> memref<1x8x16x128xf32, #tpu.memory_space<vmem>>
      %dma_wait3A_365 = tpu.memref_squeeze %dma_wait3A_364 : memref<1x8x16x128xf32, #tpu.memory_space<vmem>> -> memref<8x16x128xf32, #tpu.memory_space<vmem>>
      %dma_wait3A_366 = arith.constant 80 : i32
      %dma_wait3A_367 = arith.constant 0 : i32
      %dma_wait3A_368 = tpu.memref_slice %arg2[%add3A_27, %mul3A_287, %dma_wait3A_366, %dma_wait3A_367] : memref<64x64x128x128xf32, #tpu.memory_space<hbm>> -> memref<1x8x16x128xf32, #tpu.memory_space<hbm>>
      %dma_wait3A_369 = tpu.memref_squeeze %dma_wait3A_368 : memref<1x8x16x128xf32, #tpu.memory_space<hbm>> -> memref<8x16x128xf32, #tpu.memory_space<hbm>>
      tpu.wait_dma2 semaphore(%arg11 : memref<!tpu.dma_semaphore, #tpu.memory_space<semaphore_mem>>) src(%dma_wait3A_369 : memref<8x16x128xf32, #tpu.memory_space<hbm>>) dst(%dma_wait3A_365 : memref<8x16x128xf32, #tpu.memory_space<vmem>>)
      %parallel_loop3A_370 = arith.constant 0 : i32
      %parallel_loop3A_371 = arith.constant 128 : i32
      %parallel_loop3A_372 = arith.constant 1 : i32
      %parallel_loop3A_373:24 = scf.for %parallel_loop3A_636 = %parallel_loop3A_370 to %parallel_loop3A_371 step %parallel_loop3A_372 iter_args(%parallel_loop3A_637 = %parallel_loop3A_329#0, %parallel_loop3A_638 = %parallel_loop3A_329#1, %parallel_loop3A_639 = %parallel_loop3A_329#2, %parallel_loop3A_640 = %parallel_loop3A_329#3, %parallel_loop3A_641 = %parallel_loop3A_329#4, %parallel_loop3A_642 = %parallel_loop3A_329#5, %parallel_loop3A_643 = %parallel_loop3A_329#6, %parallel_loop3A_644 = %parallel_loop3A_329#7, %parallel_loop3A_645 = %parallel_loop3A_329#8, %parallel_loop3A_646 = %parallel_loop3A_329#9, %parallel_loop3A_647 = %parallel_loop3A_329#10, %parallel_loop3A_648 = %parallel_loop3A_329#11, %parallel_loop3A_649 = %parallel_loop3A_329#12, %parallel_loop3A_650 = %parallel_loop3A_329#13, %parallel_loop3A_651 = %parallel_loop3A_329#14, %parallel_loop3A_652 = %parallel_loop3A_329#15, %parallel_loop3A_653 = %parallel_loop3A_329#16, %parallel_loop3A_654 = %parallel_loop3A_329#17, %parallel_loop3A_655 = %parallel_loop3A_329#18, %parallel_loop3A_656 = %parallel_loop3A_329#19, %parallel_loop3A_657 = %parallel_loop3A_329#20, %parallel_loop3A_658 = %parallel_loop3A_329#21, %parallel_loop3A_659 = %parallel_loop3A_329#22, %parallel_loop3A_660 = %parallel_loop3A_329#23) -> (vector<16xf32>, vector<16xf32>, vector<16xf32>, vector<16xf32>, vector<16xf32>, vector<16xf32>, vector<16xf32>, vector<16xf32>, vector<16xf32>, vector<16xf32>, vector<16xf32>, vector<16xf32>, vector<16xf32>, vector<16xf32>, vector<16xf32>, vector<16xf32>, vector<16xf32>, vector<16xf32>, vector<16xf32>, vector<16xf32>, vector<16xf32>, vector<16xf32>, vector<16xf32>, vector<16xf32>)  : i32 {
        %parallel_loop3A_661 = arith.constant 3 : i32
        %parallel_loop3A_662 = arith.shrsi %parallel_loop3A_636, %parallel_loop3A_661 : i32
        %parallel_loop3A_663 = arith.constant 7 : i32
        %parallel_loop3A_664 = arith.andi %parallel_loop3A_636, %parallel_loop3A_663 : i32
        %parallel_loop3A_665 = arith.constant 16 : i32
        %parallel_loop3A_666 = arith.muli %parallel_loop3A_664, %parallel_loop3A_665 : i32
        %parallel_loop3A_667 = arith.constant 80 : i32
        %parallel_loop3A_668 = arith.addi %parallel_loop3A_667, %parallel_loop3A_662 : i32
        %parallel_loop3A_669 = arith.constant 0 : i32
        %parallel_loop3A_670 = arith.index_cast %parallel_loop3A_669 : i32 to index
        %parallel_loop3A_671 = arith.index_cast %parallel_loop3A_668 : i32 to index
        %parallel_loop3A_672 = arith.index_cast %parallel_loop3A_666 : i32 to index
        %parallel_loop3A_673 = tpu.vector_load %arg7[%parallel_loop3A_670, %parallel_loop3A_671, %parallel_loop3A_672] {strides = array<i32>} : memref<2x128x128xf32, #tpu.memory_space<vmem>>, vector<1x1x16xf32>,
        %parallel_loop3A_674 = vector.shape_cast %parallel_loop3A_673 : vector<1x1x16xf32> to vector<16xf32>
        %parallel_loop3A_675 = arith.constant 80 : i32
        %parallel_loop3A_676 = arith.addi %parallel_loop3A_675, %parallel_loop3A_662 : i32
        %parallel_loop3A_677 = arith.constant 1 : i32
        %parallel_loop3A_678 = arith.index_cast %parallel_loop3A_677 : i32 to index
        %parallel_loop3A_679 = arith.index_cast %parallel_loop3A_676 : i32 to index
        %parallel_loop3A_680 = arith.index_cast %parallel_loop3A_666 : i32 to index
        %parallel_loop3A_681 = tpu.vector_load %arg7[%parallel_loop3A_678, %parallel_loop3A_679, %parallel_loop3A_680] {strides = array<i32>} : memref<2x128x128xf32, #tpu.memory_space<vmem>>, vector<1x1x16xf32>,
        %parallel_loop3A_682 = vector.shape_cast %parallel_loop3A_681 : vector<1x1x16xf32> to vector<16xf32>
        %parallel_loop3A_683 = arith.constant 1 : i32
        %parallel_loop3A_684 = arith.constant 0 : i32
        %parallel_loop3A_685 = arith.index_cast %parallel_loop3A_683 : i32 to index
        %parallel_loop3A_686 = arith.index_cast %parallel_loop3A_684 : i32 to index
        %parallel_loop3A_687 = arith.index_cast %parallel_loop3A_662 : i32 to index
        %parallel_loop3A_688 = arith.index_cast %parallel_loop3A_666 : i32 to index
        %parallel_loop3A_689 = tpu.vector_load %arg8[%parallel_loop3A_685, %parallel_loop3A_686, %parallel_loop3A_687, %parallel_loop3A_688] {strides = array<i32>} : memref<2x8x16x128xf32, #tpu.memory_space<vmem>>, vector<1x1x1x16xf32>,
        %parallel_loop3A_690 = vector.shape_cast %parallel_loop3A_689 : vector<1x1x1x16xf32> to vector<16xf32>
        %parallel_loop3A_691 = arith.mulf %parallel_loop3A_690, %parallel_loop3A_674 : vector<16xf32>
        %parallel_loop3A_692 = arith.addf %parallel_loop3A_637, %parallel_loop3A_691 : vector<16xf32>
        %parallel_loop3A_693 = arith.mulf %parallel_loop3A_690, %parallel_loop3A_682 : vector<16xf32>
        %parallel_loop3A_694 = arith.addf %parallel_loop3A_645, %parallel_loop3A_693 : vector<16xf32>
        %parallel_loop3A_695 = arith.addf %parallel_loop3A_653, %parallel_loop3A_690 : vector<16xf32>
        %parallel_loop3A_696 = arith.constant 1 : i32
        %parallel_loop3A_697 = arith.constant 1 : i32
        %parallel_loop3A_698 = arith.index_cast %parallel_loop3A_696 : i32 to index
        %parallel_loop3A_699 = arith.index_cast %parallel_loop3A_697 : i32 to index
        %parallel_loop3A_700 = arith.index_cast %parallel_loop3A_662 : i32 to index
        %parallel_loop3A_701 = arith.index_cast %parallel_loop3A_666 : i32 to index
        %parallel_loop3A_702 = tpu.vector_load %arg8[%parallel_loop3A_698, %parallel_loop3A_699, %parallel_loop3A_700, %parallel_loop3A_701] {strides = array<i32>} : memref<2x8x16x128xf32, #tpu.memory_space<vmem>>, vector<1x1x1x16xf32>,
        %parallel_loop3A_703 = vector.shape_cast %parallel_loop3A_702 : vector<1x1x1x16xf32> to vector<16xf32>
        %parallel_loop3A_704 = arith.mulf %parallel_loop3A_703, %parallel_loop3A_674 : vector<16xf32>
        %parallel_loop3A_705 = arith.addf %parallel_loop3A_638, %parallel_loop3A_704 : vector<16xf32>
        %parallel_loop3A_706 = arith.mulf %parallel_loop3A_703, %parallel_loop3A_682 : vector<16xf32>
        %parallel_loop3A_707 = arith.addf %parallel_loop3A_646, %parallel_loop3A_706 : vector<16xf32>
        %parallel_loop3A_708 = arith.addf %parallel_loop3A_654, %parallel_loop3A_703 : vector<16xf32>
        %parallel_loop3A_709 = arith.constant 1 : i32
        %parallel_loop3A_710 = arith.constant 2 : i32
        %parallel_loop3A_711 = arith.index_cast %parallel_loop3A_709 : i32 to index
        %parallel_loop3A_712 = arith.index_cast %parallel_loop3A_710 : i32 to index
        %parallel_loop3A_713 = arith.index_cast %parallel_loop3A_662 : i32 to index
        %parallel_loop3A_714 = arith.index_cast %parallel_loop3A_666 : i32 to index
        %parallel_loop3A_715 = tpu.vector_load %arg8[%parallel_loop3A_711, %parallel_loop3A_712, %parallel_loop3A_713, %parallel_loop3A_714] {strides = array<i32>} : memref<2x8x16x128xf32, #tpu.memory_space<vmem>>, vector<1x1x1x16xf32>,
        %parallel_loop3A_716 = vector.shape_cast %parallel_loop3A_715 : vector<1x1x1x16xf32> to vector<16xf32>
        %parallel_loop3A_717 = arith.mulf %parallel_loop3A_716, %parallel_loop3A_674 : vector<16xf32>
        %parallel_loop3A_718 = arith.addf %parallel_loop3A_639, %parallel_loop3A_717 : vector<16xf32>
        %parallel_loop3A_719 = arith.mulf %parallel_loop3A_716, %parallel_loop3A_682 : vector<16xf32>
        %parallel_loop3A_720 = arith.addf %parallel_loop3A_647, %parallel_loop3A_719 : vector<16xf32>
        %parallel_loop3A_721 = arith.addf %parallel_loop3A_655, %parallel_loop3A_716 : vector<16xf32>
        %parallel_loop3A_722 = arith.constant 1 : i32
        %parallel_loop3A_723 = arith.constant 3 : i32
        %parallel_loop3A_724 = arith.index_cast %parallel_loop3A_722 : i32 to index
        %parallel_loop3A_725 = arith.index_cast %parallel_loop3A_723 : i32 to index
        %parallel_loop3A_726 = arith.index_cast %parallel_loop3A_662 : i32 to index
        %parallel_loop3A_727 = arith.index_cast %parallel_loop3A_666 : i32 to index
        %parallel_loop3A_728 = tpu.vector_load %arg8[%parallel_loop3A_724, %parallel_loop3A_725, %parallel_loop3A_726, %parallel_loop3A_727] {strides = array<i32>} : memref<2x8x16x128xf32, #tpu.memory_space<vmem>>, vector<1x1x1x16xf32>,
        %parallel_loop3A_729 = vector.shape_cast %parallel_loop3A_728 : vector<1x1x1x16xf32> to vector<16xf32>
        %parallel_loop3A_730 = arith.mulf %parallel_loop3A_729, %parallel_loop3A_674 : vector<16xf32>
        %parallel_loop3A_731 = arith.addf %parallel_loop3A_640, %parallel_loop3A_730 : vector<16xf32>
        %parallel_loop3A_732 = arith.mulf %parallel_loop3A_729, %parallel_loop3A_682 : vector<16xf32>
        %parallel_loop3A_733 = arith.addf %parallel_loop3A_648, %parallel_loop3A_732 : vector<16xf32>
        %parallel_loop3A_734 = arith.addf %parallel_loop3A_656, %parallel_loop3A_729 : vector<16xf32>
        %parallel_loop3A_735 = arith.constant 1 : i32
        %parallel_loop3A_736 = arith.constant 4 : i32
        %parallel_loop3A_737 = arith.index_cast %parallel_loop3A_735 : i32 to index
        %parallel_loop3A_738 = arith.index_cast %parallel_loop3A_736 : i32 to index
        %parallel_loop3A_739 = arith.index_cast %parallel_loop3A_662 : i32 to index
        %parallel_loop3A_740 = arith.index_cast %parallel_loop3A_666 : i32 to index
        %parallel_loop3A_741 = tpu.vector_load %arg8[%parallel_loop3A_737, %parallel_loop3A_738, %parallel_loop3A_739, %parallel_loop3A_740] {strides = array<i32>} : memref<2x8x16x128xf32, #tpu.memory_space<vmem>>, vector<1x1x1x16xf32>,
        %parallel_loop3A_742 = vector.shape_cast %parallel_loop3A_741 : vector<1x1x1x16xf32> to vector<16xf32>
        %parallel_loop3A_743 = arith.mulf %parallel_loop3A_742, %parallel_loop3A_674 : vector<16xf32>
        %parallel_loop3A_744 = arith.addf %parallel_loop3A_641, %parallel_loop3A_743 : vector<16xf32>
        %parallel_loop3A_745 = arith.mulf %parallel_loop3A_742, %parallel_loop3A_682 : vector<16xf32>
        %parallel_loop3A_746 = arith.addf %parallel_loop3A_649, %parallel_loop3A_745 : vector<16xf32>
        %parallel_loop3A_747 = arith.addf %parallel_loop3A_657, %parallel_loop3A_742 : vector<16xf32>
        %parallel_loop3A_748 = arith.constant 1 : i32
        %parallel_loop3A_749 = arith.constant 5 : i32
        %parallel_loop3A_750 = arith.index_cast %parallel_loop3A_748 : i32 to index
        %parallel_loop3A_751 = arith.index_cast %parallel_loop3A_749 : i32 to index
        %parallel_loop3A_752 = arith.index_cast %parallel_loop3A_662 : i32 to index
        %parallel_loop3A_753 = arith.index_cast %parallel_loop3A_666 : i32 to index
        %parallel_loop3A_754 = tpu.vector_load %arg8[%parallel_loop3A_750, %parallel_loop3A_751, %parallel_loop3A_752, %parallel_loop3A_753] {strides = array<i32>} : memref<2x8x16x128xf32, #tpu.memory_space<vmem>>, vector<1x1x1x16xf32>,
        %parallel_loop3A_755 = vector.shape_cast %parallel_loop3A_754 : vector<1x1x1x16xf32> to vector<16xf32>
        %parallel_loop3A_756 = arith.mulf %parallel_loop3A_755, %parallel_loop3A_674 : vector<16xf32>
        %parallel_loop3A_757 = arith.addf %parallel_loop3A_642, %parallel_loop3A_756 : vector<16xf32>
        %parallel_loop3A_758 = arith.mulf %parallel_loop3A_755, %parallel_loop3A_682 : vector<16xf32>
        %parallel_loop3A_759 = arith.addf %parallel_loop3A_650, %parallel_loop3A_758 : vector<16xf32>
        %parallel_loop3A_760 = arith.addf %parallel_loop3A_658, %parallel_loop3A_755 : vector<16xf32>
        %parallel_loop3A_761 = arith.constant 1 : i32
        %parallel_loop3A_762 = arith.constant 6 : i32
        %parallel_loop3A_763 = arith.index_cast %parallel_loop3A_761 : i32 to index
        %parallel_loop3A_764 = arith.index_cast %parallel_loop3A_762 : i32 to index
        %parallel_loop3A_765 = arith.index_cast %parallel_loop3A_662 : i32 to index
        %parallel_loop3A_766 = arith.index_cast %parallel_loop3A_666 : i32 to index
        %parallel_loop3A_767 = tpu.vector_load %arg8[%parallel_loop3A_763, %parallel_loop3A_764, %parallel_loop3A_765, %parallel_loop3A_766] {strides = array<i32>} : memref<2x8x16x128xf32, #tpu.memory_space<vmem>>, vector<1x1x1x16xf32>,
        %parallel_loop3A_768 = vector.shape_cast %parallel_loop3A_767 : vector<1x1x1x16xf32> to vector<16xf32>
        %parallel_loop3A_769 = arith.mulf %parallel_loop3A_768, %parallel_loop3A_674 : vector<16xf32>
        %parallel_loop3A_770 = arith.addf %parallel_loop3A_643, %parallel_loop3A_769 : vector<16xf32>
        %parallel_loop3A_771 = arith.mulf %parallel_loop3A_768, %parallel_loop3A_682 : vector<16xf32>
        %parallel_loop3A_772 = arith.addf %parallel_loop3A_651, %parallel_loop3A_771 : vector<16xf32>
        %parallel_loop3A_773 = arith.addf %parallel_loop3A_659, %parallel_loop3A_768 : vector<16xf32>
        %parallel_loop3A_774 = arith.constant 1 : i32
        %parallel_loop3A_775 = arith.constant 7 : i32
        %parallel_loop3A_776 = arith.index_cast %parallel_loop3A_774 : i32 to index
        %parallel_loop3A_777 = arith.index_cast %parallel_loop3A_775 : i32 to index
        %parallel_loop3A_778 = arith.index_cast %parallel_loop3A_662 : i32 to index
        %parallel_loop3A_779 = arith.index_cast %parallel_loop3A_666 : i32 to index
        %parallel_loop3A_780 = tpu.vector_load %arg8[%parallel_loop3A_776, %parallel_loop3A_777, %parallel_loop3A_778, %parallel_loop3A_779] {strides = array<i32>} : memref<2x8x16x128xf32, #tpu.memory_space<vmem>>, vector<1x1x1x16xf32>,
        %parallel_loop3A_781 = vector.shape_cast %parallel_loop3A_780 : vector<1x1x1x16xf32> to vector<16xf32>
        %parallel_loop3A_782 = arith.mulf %parallel_loop3A_781, %parallel_loop3A_674 : vector<16xf32>
        %parallel_loop3A_783 = arith.addf %parallel_loop3A_644, %parallel_loop3A_782 : vector<16xf32>
        %parallel_loop3A_784 = arith.mulf %parallel_loop3A_781, %parallel_loop3A_682 : vector<16xf32>
        %parallel_loop3A_785 = arith.addf %parallel_loop3A_652, %parallel_loop3A_784 : vector<16xf32>
        %parallel_loop3A_786 = arith.addf %parallel_loop3A_660, %parallel_loop3A_781 : vector<16xf32>
        scf.yield %parallel_loop3A_692, %parallel_loop3A_705, %parallel_loop3A_718, %parallel_loop3A_731, %parallel_loop3A_744, %parallel_loop3A_757, %parallel_loop3A_770, %parallel_loop3A_783, %parallel_loop3A_694, %parallel_loop3A_707, %parallel_loop3A_720, %parallel_loop3A_733, %parallel_loop3A_746, %parallel_loop3A_759, %parallel_loop3A_772, %parallel_loop3A_785, %parallel_loop3A_695, %parallel_loop3A_708, %parallel_loop3A_721, %parallel_loop3A_734, %parallel_loop3A_747, %parallel_loop3A_760, %parallel_loop3A_773, %parallel_loop3A_786 : vector<16xf32>, vector<16xf32>, vector<16xf32>, vector<16xf32>, vector<16xf32>, vector<16xf32>, vector<16xf32>, vector<16xf32>, vector<16xf32>, vector<16xf32>, vector<16xf32>, vector<16xf32>, vector<16xf32>, vector<16xf32>, vector<16xf32>, vector<16xf32>, vector<16xf32>, vector<16xf32>, vector<16xf32>, vector<16xf32>, vector<16xf32>, vector<16xf32>, vector<16xf32>, vector<16xf32>
      } {sc.loop_unroll_factor = 4 : i64, sc.parallel_access}
      %mul3A_374 = arith.constant 8 : i32
      %mul3A_375 = arith.muli %select_n3A_41, %mul3A_374 : i32
      %dma_start3A_376 = arith.constant 1 : i32
      %dma_start3A_377 = arith.constant 0 : i32
      %dma_start3A_378 = arith.constant 0 : i32
      %dma_start3A_379 = arith.constant 0 : i32
      %dma_start3A_380 = tpu.memref_slice %arg8[%dma_start3A_376, %dma_start3A_377, %dma_start3A_378, %dma_start3A_379] : memref<2x8x16x128xf32, #tpu.memory_space<vmem>> -> memref<1x8x16x128xf32, #tpu.memory_space<vmem>>
      %dma_start3A_381 = tpu.memref_squeeze %dma_start3A_380 : memref<1x8x16x128xf32, #tpu.memory_space<vmem>> -> memref<8x16x128xf32, #tpu.memory_space<vmem>>
      %dma_start3A_382 = arith.constant 112 : i32
      %dma_start3A_383 = arith.constant 0 : i32
      %dma_start3A_384 = tpu.memref_slice %arg2[%add3A_27, %mul3A_375, %dma_start3A_382, %dma_start3A_383] : memref<64x64x128x128xf32, #tpu.memory_space<hbm>> -> memref<1x8x16x128xf32, #tpu.memory_space<hbm>>
      %dma_start3A_385 = tpu.memref_squeeze %dma_start3A_384 : memref<1x8x16x128xf32, #tpu.memory_space<hbm>> -> memref<8x16x128xf32, #tpu.memory_space<hbm>>
      %dma_start3A_386 = arith.constant 0 : i32
      %dma_start3A_387 = arith.constant 0 : i32
      %dma_start3A_388 = arith.constant 0 : i32
      %dma_start3A_389 = tpu.memref_slice %arg8[%dma_start3A_376, %dma_start3A_386, %dma_start3A_387, %dma_start3A_388] : memref<2x8x16x128xf32, #tpu.memory_space<vmem>> -> memref<1x8x16x128xf32, #tpu.memory_space<vmem>>
      %dma_start3A_390 = tpu.memref_squeeze %dma_start3A_389 : memref<1x8x16x128xf32, #tpu.memory_space<vmem>> -> memref<8x16x128xf32, #tpu.memory_space<vmem>>
      %dma_start3A_391 = arith.constant 112 : i32
      %dma_start3A_392 = arith.constant 0 : i32
      %dma_start3A_393 = tpu.memref_slice %arg2[%add3A_27, %mul3A_375, %dma_start3A_391, %dma_start3A_392] : memref<64x64x128x128xf32, #tpu.memory_space<hbm>> -> memref<1x8x16x128xf32, #tpu.memory_space<hbm>>
      %dma_start3A_394 = tpu.memref_squeeze %dma_start3A_393 : memref<1x8x16x128xf32, #tpu.memory_space<hbm>> -> memref<8x16x128xf32, #tpu.memory_space<hbm>>
      tpu.enqueue_dma source(%dma_start3A_394 : memref<8x16x128xf32, #tpu.memory_space<hbm>>) target(%dma_start3A_390 : memref<8x16x128xf32, #tpu.memory_space<vmem>>) target_semaphore(%arg11 : memref<!tpu.dma_semaphore, #tpu.memory_space<semaphore_mem>>)
      %dma_wait3A_395 = arith.constant 0 : i32
      %dma_wait3A_396 = arith.constant 0 : i32
      %dma_wait3A_397 = arith.constant 0 : i32
      %dma_wait3A_398 = arith.constant 0 : i32
      %dma_wait3A_399 = tpu.memref_slice %arg8[%dma_wait3A_395, %dma_wait3A_396, %dma_wait3A_397, %dma_wait3A_398] : memref<2x8x16x128xf32, #tpu.memory_space<vmem>> -> memref<1x8x16x128xf32, #tpu.memory_space<vmem>>
      %dma_wait3A_400 = tpu.memref_squeeze %dma_wait3A_399 : memref<1x8x16x128xf32, #tpu.memory_space<vmem>> -> memref<8x16x128xf32, #tpu.memory_space<vmem>>
      %dma_wait3A_401 = arith.constant 96 : i32
      %dma_wait3A_402 = arith.constant 0 : i32
      %dma_wait3A_403 = tpu.memref_slice %arg2[%add3A_27, %mul3A_331, %dma_wait3A_401, %dma_wait3A_402] : memref<64x64x128x128xf32, #tpu.memory_space<hbm>> -> memref<1x8x16x128xf32, #tpu.memory_space<hbm>>
      %dma_wait3A_404 = tpu.memref_squeeze %dma_wait3A_403 : memref<1x8x16x128xf32, #tpu.memory_space<hbm>> -> memref<8x16x128xf32, #tpu.memory_space<hbm>>
      %dma_wait3A_405 = arith.constant 0 : i32
      %dma_wait3A_406 = arith.constant 0 : i32
      %dma_wait3A_407 = arith.constant 0 : i32
      %dma_wait3A_408 = tpu.memref_slice %arg8[%dma_wait3A_395, %dma_wait3A_405, %dma_wait3A_406, %dma_wait3A_407] : memref<2x8x16x128xf32, #tpu.memory_space<vmem>> -> memref<1x8x16x128xf32, #tpu.memory_space<vmem>>
      %dma_wait3A_409 = tpu.memref_squeeze %dma_wait3A_408 : memref<1x8x16x128xf32, #tpu.memory_space<vmem>> -> memref<8x16x128xf32, #tpu.memory_space<vmem>>
      %dma_wait3A_410 = arith.constant 96 : i32
      %dma_wait3A_411 = arith.constant 0 : i32
      %dma_wait3A_412 = tpu.memref_slice %arg2[%add3A_27, %mul3A_331, %dma_wait3A_410, %dma_wait3A_411] : memref<64x64x128x128xf32, #tpu.memory_space<hbm>> -> memref<1x8x16x128xf32, #tpu.memory_space<hbm>>
      %dma_wait3A_413 = tpu.memref_squeeze %dma_wait3A_412 : memref<1x8x16x128xf32, #tpu.memory_space<hbm>> -> memref<8x16x128xf32, #tpu.memory_space<hbm>>
      tpu.wait_dma2 semaphore(%arg10 : memref<!tpu.dma_semaphore, #tpu.memory_space<semaphore_mem>>) src(%dma_wait3A_413 : memref<8x16x128xf32, #tpu.memory_space<hbm>>) dst(%dma_wait3A_409 : memref<8x16x128xf32, #tpu.memory_space<vmem>>)
      %parallel_loop3A_414 = arith.constant 0 : i32
      %parallel_loop3A_415 = arith.constant 128 : i32
      %parallel_loop3A_416 = arith.constant 1 : i32
      %parallel_loop3A_417:24 = scf.for %parallel_loop3A_636 = %parallel_loop3A_414 to %parallel_loop3A_415 step %parallel_loop3A_416 iter_args(%parallel_loop3A_637 = %parallel_loop3A_373#0, %parallel_loop3A_638 = %parallel_loop3A_373#1, %parallel_loop3A_639 = %parallel_loop3A_373#2, %parallel_loop3A_640 = %parallel_loop3A_373#3, %parallel_loop3A_641 = %parallel_loop3A_373#4, %parallel_loop3A_642 = %parallel_loop3A_373#5, %parallel_loop3A_643 = %parallel_loop3A_373#6, %parallel_loop3A_644 = %parallel_loop3A_373#7, %parallel_loop3A_645 = %parallel_loop3A_373#8, %parallel_loop3A_646 = %parallel_loop3A_373#9, %parallel_loop3A_647 = %parallel_loop3A_373#10, %parallel_loop3A_648 = %parallel_loop3A_373#11, %parallel_loop3A_649 = %parallel_loop3A_373#12, %parallel_loop3A_650 = %parallel_loop3A_373#13, %parallel_loop3A_651 = %parallel_loop3A_373#14, %parallel_loop3A_652 = %parallel_loop3A_373#15, %parallel_loop3A_653 = %parallel_loop3A_373#16, %parallel_loop3A_654 = %parallel_loop3A_373#17, %parallel_loop3A_655 = %parallel_loop3A_373#18, %parallel_loop3A_656 = %parallel_loop3A_373#19, %parallel_loop3A_657 = %parallel_loop3A_373#20, %parallel_loop3A_658 = %parallel_loop3A_373#21, %parallel_loop3A_659 = %parallel_loop3A_373#22, %parallel_loop3A_660 = %parallel_loop3A_373#23) -> (vector<16xf32>, vector<16xf32>, vector<16xf32>, vector<16xf32>, vector<16xf32>, vector<16xf32>, vector<16xf32>, vector<16xf32>, vector<16xf32>, vector<16xf32>, vector<16xf32>, vector<16xf32>, vector<16xf32>, vector<16xf32>, vector<16xf32>, vector<16xf32>, vector<16xf32>, vector<16xf32>, vector<16xf32>, vector<16xf32>, vector<16xf32>, vector<16xf32>, vector<16xf32>, vector<16xf32>)  : i32 {
        %parallel_loop3A_661 = arith.constant 3 : i32
        %parallel_loop3A_662 = arith.shrsi %parallel_loop3A_636, %parallel_loop3A_661 : i32
        %parallel_loop3A_663 = arith.constant 7 : i32
        %parallel_loop3A_664 = arith.andi %parallel_loop3A_636, %parallel_loop3A_663 : i32
        %parallel_loop3A_665 = arith.constant 16 : i32
        %parallel_loop3A_666 = arith.muli %parallel_loop3A_664, %parallel_loop3A_665 : i32
        %parallel_loop3A_667 = arith.constant 96 : i32
        %parallel_loop3A_668 = arith.addi %parallel_loop3A_667, %parallel_loop3A_662 : i32
        %parallel_loop3A_669 = arith.constant 0 : i32
        %parallel_loop3A_670 = arith.index_cast %parallel_loop3A_669 : i32 to index
        %parallel_loop3A_671 = arith.index_cast %parallel_loop3A_668 : i32 to index
        %parallel_loop3A_672 = arith.index_cast %parallel_loop3A_666 : i32 to index
        %parallel_loop3A_673 = tpu.vector_load %arg7[%parallel_loop3A_670, %parallel_loop3A_671, %parallel_loop3A_672] {strides = array<i32>} : memref<2x128x128xf32, #tpu.memory_space<vmem>>, vector<1x1x16xf32>,
        %parallel_loop3A_674 = vector.shape_cast %parallel_loop3A_673 : vector<1x1x16xf32> to vector<16xf32>
        %parallel_loop3A_675 = arith.constant 96 : i32
        %parallel_loop3A_676 = arith.addi %parallel_loop3A_675, %parallel_loop3A_662 : i32
        %parallel_loop3A_677 = arith.constant 1 : i32
        %parallel_loop3A_678 = arith.index_cast %parallel_loop3A_677 : i32 to index
        %parallel_loop3A_679 = arith.index_cast %parallel_loop3A_676 : i32 to index
        %parallel_loop3A_680 = arith.index_cast %parallel_loop3A_666 : i32 to index
        %parallel_loop3A_681 = tpu.vector_load %arg7[%parallel_loop3A_678, %parallel_loop3A_679, %parallel_loop3A_680] {strides = array<i32>} : memref<2x128x128xf32, #tpu.memory_space<vmem>>, vector<1x1x16xf32>,
        %parallel_loop3A_682 = vector.shape_cast %parallel_loop3A_681 : vector<1x1x16xf32> to vector<16xf32>
        %parallel_loop3A_683 = arith.constant 0 : i32
        %parallel_loop3A_684 = arith.constant 0 : i32
        %parallel_loop3A_685 = arith.index_cast %parallel_loop3A_683 : i32 to index
        %parallel_loop3A_686 = arith.index_cast %parallel_loop3A_684 : i32 to index
        %parallel_loop3A_687 = arith.index_cast %parallel_loop3A_662 : i32 to index
        %parallel_loop3A_688 = arith.index_cast %parallel_loop3A_666 : i32 to index
        %parallel_loop3A_689 = tpu.vector_load %arg8[%parallel_loop3A_685, %parallel_loop3A_686, %parallel_loop3A_687, %parallel_loop3A_688] {strides = array<i32>} : memref<2x8x16x128xf32, #tpu.memory_space<vmem>>, vector<1x1x1x16xf32>,
        %parallel_loop3A_690 = vector.shape_cast %parallel_loop3A_689 : vector<1x1x1x16xf32> to vector<16xf32>
        %parallel_loop3A_691 = arith.mulf %parallel_loop3A_690, %parallel_loop3A_674 : vector<16xf32>
        %parallel_loop3A_692 = arith.addf %parallel_loop3A_637, %parallel_loop3A_691 : vector<16xf32>
        %parallel_loop3A_693 = arith.mulf %parallel_loop3A_690, %parallel_loop3A_682 : vector<16xf32>
        %parallel_loop3A_694 = arith.addf %parallel_loop3A_645, %parallel_loop3A_693 : vector<16xf32>
        %parallel_loop3A_695 = arith.addf %parallel_loop3A_653, %parallel_loop3A_690 : vector<16xf32>
        %parallel_loop3A_696 = arith.constant 0 : i32
        %parallel_loop3A_697 = arith.constant 1 : i32
        %parallel_loop3A_698 = arith.index_cast %parallel_loop3A_696 : i32 to index
        %parallel_loop3A_699 = arith.index_cast %parallel_loop3A_697 : i32 to index
        %parallel_loop3A_700 = arith.index_cast %parallel_loop3A_662 : i32 to index
        %parallel_loop3A_701 = arith.index_cast %parallel_loop3A_666 : i32 to index
        %parallel_loop3A_702 = tpu.vector_load %arg8[%parallel_loop3A_698, %parallel_loop3A_699, %parallel_loop3A_700, %parallel_loop3A_701] {strides = array<i32>} : memref<2x8x16x128xf32, #tpu.memory_space<vmem>>, vector<1x1x1x16xf32>,
        %parallel_loop3A_703 = vector.shape_cast %parallel_loop3A_702 : vector<1x1x1x16xf32> to vector<16xf32>
        %parallel_loop3A_704 = arith.mulf %parallel_loop3A_703, %parallel_loop3A_674 : vector<16xf32>
        %parallel_loop3A_705 = arith.addf %parallel_loop3A_638, %parallel_loop3A_704 : vector<16xf32>
        %parallel_loop3A_706 = arith.mulf %parallel_loop3A_703, %parallel_loop3A_682 : vector<16xf32>
        %parallel_loop3A_707 = arith.addf %parallel_loop3A_646, %parallel_loop3A_706 : vector<16xf32>
        %parallel_loop3A_708 = arith.addf %parallel_loop3A_654, %parallel_loop3A_703 : vector<16xf32>
        %parallel_loop3A_709 = arith.constant 0 : i32
        %parallel_loop3A_710 = arith.constant 2 : i32
        %parallel_loop3A_711 = arith.index_cast %parallel_loop3A_709 : i32 to index
        %parallel_loop3A_712 = arith.index_cast %parallel_loop3A_710 : i32 to index
        %parallel_loop3A_713 = arith.index_cast %parallel_loop3A_662 : i32 to index
        %parallel_loop3A_714 = arith.index_cast %parallel_loop3A_666 : i32 to index
        %parallel_loop3A_715 = tpu.vector_load %arg8[%parallel_loop3A_711, %parallel_loop3A_712, %parallel_loop3A_713, %parallel_loop3A_714] {strides = array<i32>} : memref<2x8x16x128xf32, #tpu.memory_space<vmem>>, vector<1x1x1x16xf32>,
        %parallel_loop3A_716 = vector.shape_cast %parallel_loop3A_715 : vector<1x1x1x16xf32> to vector<16xf32>
        %parallel_loop3A_717 = arith.mulf %parallel_loop3A_716, %parallel_loop3A_674 : vector<16xf32>
        %parallel_loop3A_718 = arith.addf %parallel_loop3A_639, %parallel_loop3A_717 : vector<16xf32>
        %parallel_loop3A_719 = arith.mulf %parallel_loop3A_716, %parallel_loop3A_682 : vector<16xf32>
        %parallel_loop3A_720 = arith.addf %parallel_loop3A_647, %parallel_loop3A_719 : vector<16xf32>
        %parallel_loop3A_721 = arith.addf %parallel_loop3A_655, %parallel_loop3A_716 : vector<16xf32>
        %parallel_loop3A_722 = arith.constant 0 : i32
        %parallel_loop3A_723 = arith.constant 3 : i32
        %parallel_loop3A_724 = arith.index_cast %parallel_loop3A_722 : i32 to index
        %parallel_loop3A_725 = arith.index_cast %parallel_loop3A_723 : i32 to index
        %parallel_loop3A_726 = arith.index_cast %parallel_loop3A_662 : i32 to index
        %parallel_loop3A_727 = arith.index_cast %parallel_loop3A_666 : i32 to index
        %parallel_loop3A_728 = tpu.vector_load %arg8[%parallel_loop3A_724, %parallel_loop3A_725, %parallel_loop3A_726, %parallel_loop3A_727] {strides = array<i32>} : memref<2x8x16x128xf32, #tpu.memory_space<vmem>>, vector<1x1x1x16xf32>,
        %parallel_loop3A_729 = vector.shape_cast %parallel_loop3A_728 : vector<1x1x1x16xf32> to vector<16xf32>
        %parallel_loop3A_730 = arith.mulf %parallel_loop3A_729, %parallel_loop3A_674 : vector<16xf32>
        %parallel_loop3A_731 = arith.addf %parallel_loop3A_640, %parallel_loop3A_730 : vector<16xf32>
        %parallel_loop3A_732 = arith.mulf %parallel_loop3A_729, %parallel_loop3A_682 : vector<16xf32>
        %parallel_loop3A_733 = arith.addf %parallel_loop3A_648, %parallel_loop3A_732 : vector<16xf32>
        %parallel_loop3A_734 = arith.addf %parallel_loop3A_656, %parallel_loop3A_729 : vector<16xf32>
        %parallel_loop3A_735 = arith.constant 0 : i32
        %parallel_loop3A_736 = arith.constant 4 : i32
        %parallel_loop3A_737 = arith.index_cast %parallel_loop3A_735 : i32 to index
        %parallel_loop3A_738 = arith.index_cast %parallel_loop3A_736 : i32 to index
        %parallel_loop3A_739 = arith.index_cast %parallel_loop3A_662 : i32 to index
        %parallel_loop3A_740 = arith.index_cast %parallel_loop3A_666 : i32 to index
        %parallel_loop3A_741 = tpu.vector_load %arg8[%parallel_loop3A_737, %parallel_loop3A_738, %parallel_loop3A_739, %parallel_loop3A_740] {strides = array<i32>} : memref<2x8x16x128xf32, #tpu.memory_space<vmem>>, vector<1x1x1x16xf32>,
        %parallel_loop3A_742 = vector.shape_cast %parallel_loop3A_741 : vector<1x1x1x16xf32> to vector<16xf32>
        %parallel_loop3A_743 = arith.mulf %parallel_loop3A_742, %parallel_loop3A_674 : vector<16xf32>
        %parallel_loop3A_744 = arith.addf %parallel_loop3A_641, %parallel_loop3A_743 : vector<16xf32>
        %parallel_loop3A_745 = arith.mulf %parallel_loop3A_742, %parallel_loop3A_682 : vector<16xf32>
        %parallel_loop3A_746 = arith.addf %parallel_loop3A_649, %parallel_loop3A_745 : vector<16xf32>
        %parallel_loop3A_747 = arith.addf %parallel_loop3A_657, %parallel_loop3A_742 : vector<16xf32>
        %parallel_loop3A_748 = arith.constant 0 : i32
        %parallel_loop3A_749 = arith.constant 5 : i32
        %parallel_loop3A_750 = arith.index_cast %parallel_loop3A_748 : i32 to index
        %parallel_loop3A_751 = arith.index_cast %parallel_loop3A_749 : i32 to index
        %parallel_loop3A_752 = arith.index_cast %parallel_loop3A_662 : i32 to index
        %parallel_loop3A_753 = arith.index_cast %parallel_loop3A_666 : i32 to index
        %parallel_loop3A_754 = tpu.vector_load %arg8[%parallel_loop3A_750, %parallel_loop3A_751, %parallel_loop3A_752, %parallel_loop3A_753] {strides = array<i32>} : memref<2x8x16x128xf32, #tpu.memory_space<vmem>>, vector<1x1x1x16xf32>,
        %parallel_loop3A_755 = vector.shape_cast %parallel_loop3A_754 : vector<1x1x1x16xf32> to vector<16xf32>
        %parallel_loop3A_756 = arith.mulf %parallel_loop3A_755, %parallel_loop3A_674 : vector<16xf32>
        %parallel_loop3A_757 = arith.addf %parallel_loop3A_642, %parallel_loop3A_756 : vector<16xf32>
        %parallel_loop3A_758 = arith.mulf %parallel_loop3A_755, %parallel_loop3A_682 : vector<16xf32>
        %parallel_loop3A_759 = arith.addf %parallel_loop3A_650, %parallel_loop3A_758 : vector<16xf32>
        %parallel_loop3A_760 = arith.addf %parallel_loop3A_658, %parallel_loop3A_755 : vector<16xf32>
        %parallel_loop3A_761 = arith.constant 0 : i32
        %parallel_loop3A_762 = arith.constant 6 : i32
        %parallel_loop3A_763 = arith.index_cast %parallel_loop3A_761 : i32 to index
        %parallel_loop3A_764 = arith.index_cast %parallel_loop3A_762 : i32 to index
        %parallel_loop3A_765 = arith.index_cast %parallel_loop3A_662 : i32 to index
        %parallel_loop3A_766 = arith.index_cast %parallel_loop3A_666 : i32 to index
        %parallel_loop3A_767 = tpu.vector_load %arg8[%parallel_loop3A_763, %parallel_loop3A_764, %parallel_loop3A_765, %parallel_loop3A_766] {strides = array<i32>} : memref<2x8x16x128xf32, #tpu.memory_space<vmem>>, vector<1x1x1x16xf32>,
        %parallel_loop3A_768 = vector.shape_cast %parallel_loop3A_767 : vector<1x1x1x16xf32> to vector<16xf32>
        %parallel_loop3A_769 = arith.mulf %parallel_loop3A_768, %parallel_loop3A_674 : vector<16xf32>
        %parallel_loop3A_770 = arith.addf %parallel_loop3A_643, %parallel_loop3A_769 : vector<16xf32>
        %parallel_loop3A_771 = arith.mulf %parallel_loop3A_768, %parallel_loop3A_682 : vector<16xf32>
        %parallel_loop3A_772 = arith.addf %parallel_loop3A_651, %parallel_loop3A_771 : vector<16xf32>
        %parallel_loop3A_773 = arith.addf %parallel_loop3A_659, %parallel_loop3A_768 : vector<16xf32>
        %parallel_loop3A_774 = arith.constant 0 : i32
        %parallel_loop3A_775 = arith.constant 7 : i32
        %parallel_loop3A_776 = arith.index_cast %parallel_loop3A_774 : i32 to index
        %parallel_loop3A_777 = arith.index_cast %parallel_loop3A_775 : i32 to index
        %parallel_loop3A_778 = arith.index_cast %parallel_loop3A_662 : i32 to index
        %parallel_loop3A_779 = arith.index_cast %parallel_loop3A_666 : i32 to index
        %parallel_loop3A_780 = tpu.vector_load %arg8[%parallel_loop3A_776, %parallel_loop3A_777, %parallel_loop3A_778, %parallel_loop3A_779] {strides = array<i32>} : memref<2x8x16x128xf32, #tpu.memory_space<vmem>>, vector<1x1x1x16xf32>,
        %parallel_loop3A_781 = vector.shape_cast %parallel_loop3A_780 : vector<1x1x1x16xf32> to vector<16xf32>
        %parallel_loop3A_782 = arith.mulf %parallel_loop3A_781, %parallel_loop3A_674 : vector<16xf32>
        %parallel_loop3A_783 = arith.addf %parallel_loop3A_644, %parallel_loop3A_782 : vector<16xf32>
        %parallel_loop3A_784 = arith.mulf %parallel_loop3A_781, %parallel_loop3A_682 : vector<16xf32>
        %parallel_loop3A_785 = arith.addf %parallel_loop3A_652, %parallel_loop3A_784 : vector<16xf32>
        %parallel_loop3A_786 = arith.addf %parallel_loop3A_660, %parallel_loop3A_781 : vector<16xf32>
        scf.yield %parallel_loop3A_692, %parallel_loop3A_705, %parallel_loop3A_718, %parallel_loop3A_731, %parallel_loop3A_744, %parallel_loop3A_757, %parallel_loop3A_770, %parallel_loop3A_783, %parallel_loop3A_694, %parallel_loop3A_707, %parallel_loop3A_720, %parallel_loop3A_733, %parallel_loop3A_746, %parallel_loop3A_759, %parallel_loop3A_772, %parallel_loop3A_785, %parallel_loop3A_695, %parallel_loop3A_708, %parallel_loop3A_721, %parallel_loop3A_734, %parallel_loop3A_747, %parallel_loop3A_760, %parallel_loop3A_773, %parallel_loop3A_786 : vector<16xf32>, vector<16xf32>, vector<16xf32>, vector<16xf32>, vector<16xf32>, vector<16xf32>, vector<16xf32>, vector<16xf32>, vector<16xf32>, vector<16xf32>, vector<16xf32>, vector<16xf32>, vector<16xf32>, vector<16xf32>, vector<16xf32>, vector<16xf32>, vector<16xf32>, vector<16xf32>, vector<16xf32>, vector<16xf32>, vector<16xf32>, vector<16xf32>, vector<16xf32>, vector<16xf32>
      } {sc.loop_unroll_factor = 4 : i64, sc.parallel_access}
      %dma_wait3A_418 = arith.constant 1 : i32
      %dma_wait3A_419 = arith.constant 0 : i32
      %dma_wait3A_420 = arith.constant 0 : i32
      %dma_wait3A_421 = arith.constant 0 : i32
      %dma_wait3A_422 = tpu.memref_slice %arg8[%dma_wait3A_418, %dma_wait3A_419, %dma_wait3A_420, %dma_wait3A_421] : memref<2x8x16x128xf32, #tpu.memory_space<vmem>> -> memref<1x8x16x128xf32, #tpu.memory_space<vmem>>
      %dma_wait3A_423 = tpu.memref_squeeze %dma_wait3A_422 : memref<1x8x16x128xf32, #tpu.memory_space<vmem>> -> memref<8x16x128xf32, #tpu.memory_space<vmem>>
      %dma_wait3A_424 = arith.constant 112 : i32
      %dma_wait3A_425 = arith.constant 0 : i32
      %dma_wait3A_426 = tpu.memref_slice %arg2[%add3A_27, %mul3A_375, %dma_wait3A_424, %dma_wait3A_425] : memref<64x64x128x128xf32, #tpu.memory_space<hbm>> -> memref<1x8x16x128xf32, #tpu.memory_space<hbm>>
      %dma_wait3A_427 = tpu.memref_squeeze %dma_wait3A_426 : memref<1x8x16x128xf32, #tpu.memory_space<hbm>> -> memref<8x16x128xf32, #tpu.memory_space<hbm>>
      %dma_wait3A_428 = arith.constant 0 : i32
      %dma_wait3A_429 = arith.constant 0 : i32
      %dma_wait3A_430 = arith.constant 0 : i32
      %dma_wait3A_431 = tpu.memref_slice %arg8[%dma_wait3A_418, %dma_wait3A_428, %dma_wait3A_429, %dma_wait3A_430] : memref<2x8x16x128xf32, #tpu.memory_space<vmem>> -> memref<1x8x16x128xf32, #tpu.memory_space<vmem>>
      %dma_wait3A_432 = tpu.memref_squeeze %dma_wait3A_431 : memref<1x8x16x128xf32, #tpu.memory_space<vmem>> -> memref<8x16x128xf32, #tpu.memory_space<vmem>>
      %dma_wait3A_433 = arith.constant 112 : i32
      %dma_wait3A_434 = arith.constant 0 : i32
      %dma_wait3A_435 = tpu.memref_slice %arg2[%add3A_27, %mul3A_375, %dma_wait3A_433, %dma_wait3A_434] : memref<64x64x128x128xf32, #tpu.memory_space<hbm>> -> memref<1x8x16x128xf32, #tpu.memory_space<hbm>>
      %dma_wait3A_436 = tpu.memref_squeeze %dma_wait3A_435 : memref<1x8x16x128xf32, #tpu.memory_space<hbm>> -> memref<8x16x128xf32, #tpu.memory_space<hbm>>
      tpu.wait_dma2 semaphore(%arg11 : memref<!tpu.dma_semaphore, #tpu.memory_space<semaphore_mem>>) src(%dma_wait3A_436 : memref<8x16x128xf32, #tpu.memory_space<hbm>>) dst(%dma_wait3A_432 : memref<8x16x128xf32, #tpu.memory_space<vmem>>)
      %parallel_loop3A_437 = arith.constant 0 : i32
      %parallel_loop3A_438 = arith.constant 128 : i32
      %parallel_loop3A_439 = arith.constant 1 : i32
      %parallel_loop3A_440:24 = scf.for %parallel_loop3A_636 = %parallel_loop3A_437 to %parallel_loop3A_438 step %parallel_loop3A_439 iter_args(%parallel_loop3A_637 = %parallel_loop3A_417#0, %parallel_loop3A_638 = %parallel_loop3A_417#1, %parallel_loop3A_639 = %parallel_loop3A_417#2, %parallel_loop3A_640 = %parallel_loop3A_417#3, %parallel_loop3A_641 = %parallel_loop3A_417#4, %parallel_loop3A_642 = %parallel_loop3A_417#5, %parallel_loop3A_643 = %parallel_loop3A_417#6, %parallel_loop3A_644 = %parallel_loop3A_417#7, %parallel_loop3A_645 = %parallel_loop3A_417#8, %parallel_loop3A_646 = %parallel_loop3A_417#9, %parallel_loop3A_647 = %parallel_loop3A_417#10, %parallel_loop3A_648 = %parallel_loop3A_417#11, %parallel_loop3A_649 = %parallel_loop3A_417#12, %parallel_loop3A_650 = %parallel_loop3A_417#13, %parallel_loop3A_651 = %parallel_loop3A_417#14, %parallel_loop3A_652 = %parallel_loop3A_417#15, %parallel_loop3A_653 = %parallel_loop3A_417#16, %parallel_loop3A_654 = %parallel_loop3A_417#17, %parallel_loop3A_655 = %parallel_loop3A_417#18, %parallel_loop3A_656 = %parallel_loop3A_417#19, %parallel_loop3A_657 = %parallel_loop3A_417#20, %parallel_loop3A_658 = %parallel_loop3A_417#21, %parallel_loop3A_659 = %parallel_loop3A_417#22, %parallel_loop3A_660 = %parallel_loop3A_417#23) -> (vector<16xf32>, vector<16xf32>, vector<16xf32>, vector<16xf32>, vector<16xf32>, vector<16xf32>, vector<16xf32>, vector<16xf32>, vector<16xf32>, vector<16xf32>, vector<16xf32>, vector<16xf32>, vector<16xf32>, vector<16xf32>, vector<16xf32>, vector<16xf32>, vector<16xf32>, vector<16xf32>, vector<16xf32>, vector<16xf32>, vector<16xf32>, vector<16xf32>, vector<16xf32>, vector<16xf32>)  : i32 {
        %parallel_loop3A_661 = arith.constant 3 : i32
        %parallel_loop3A_662 = arith.shrsi %parallel_loop3A_636, %parallel_loop3A_661 : i32
        %parallel_loop3A_663 = arith.constant 7 : i32
        %parallel_loop3A_664 = arith.andi %parallel_loop3A_636, %parallel_loop3A_663 : i32
        %parallel_loop3A_665 = arith.constant 16 : i32
        %parallel_loop3A_666 = arith.muli %parallel_loop3A_664, %parallel_loop3A_665 : i32
        %parallel_loop3A_667 = arith.constant 112 : i32
        %parallel_loop3A_668 = arith.addi %parallel_loop3A_667, %parallel_loop3A_662 : i32
        %parallel_loop3A_669 = arith.constant 0 : i32
        %parallel_loop3A_670 = arith.index_cast %parallel_loop3A_669 : i32 to index
        %parallel_loop3A_671 = arith.index_cast %parallel_loop3A_668 : i32 to index
        %parallel_loop3A_672 = arith.index_cast %parallel_loop3A_666 : i32 to index
        %parallel_loop3A_673 = tpu.vector_load %arg7[%parallel_loop3A_670, %parallel_loop3A_671, %parallel_loop3A_672] {strides = array<i32>} : memref<2x128x128xf32, #tpu.memory_space<vmem>>, vector<1x1x16xf32>,
        %parallel_loop3A_674 = vector.shape_cast %parallel_loop3A_673 : vector<1x1x16xf32> to vector<16xf32>
        %parallel_loop3A_675 = arith.constant 112 : i32
        %parallel_loop3A_676 = arith.addi %parallel_loop3A_675, %parallel_loop3A_662 : i32
        %parallel_loop3A_677 = arith.constant 1 : i32
        %parallel_loop3A_678 = arith.index_cast %parallel_loop3A_677 : i32 to index
        %parallel_loop3A_679 = arith.index_cast %parallel_loop3A_676 : i32 to index
        %parallel_loop3A_680 = arith.index_cast %parallel_loop3A_666 : i32 to index
        %parallel_loop3A_681 = tpu.vector_load %arg7[%parallel_loop3A_678, %parallel_loop3A_679, %parallel_loop3A_680] {strides = array<i32>} : memref<2x128x128xf32, #tpu.memory_space<vmem>>, vector<1x1x16xf32>,
        %parallel_loop3A_682 = vector.shape_cast %parallel_loop3A_681 : vector<1x1x16xf32> to vector<16xf32>
        %parallel_loop3A_683 = arith.constant 1 : i32
        %parallel_loop3A_684 = arith.constant 0 : i32
        %parallel_loop3A_685 = arith.index_cast %parallel_loop3A_683 : i32 to index
        %parallel_loop3A_686 = arith.index_cast %parallel_loop3A_684 : i32 to index
        %parallel_loop3A_687 = arith.index_cast %parallel_loop3A_662 : i32 to index
        %parallel_loop3A_688 = arith.index_cast %parallel_loop3A_666 : i32 to index
        %parallel_loop3A_689 = tpu.vector_load %arg8[%parallel_loop3A_685, %parallel_loop3A_686, %parallel_loop3A_687, %parallel_loop3A_688] {strides = array<i32>} : memref<2x8x16x128xf32, #tpu.memory_space<vmem>>, vector<1x1x1x16xf32>,
        %parallel_loop3A_690 = vector.shape_cast %parallel_loop3A_689 : vector<1x1x1x16xf32> to vector<16xf32>
        %parallel_loop3A_691 = arith.mulf %parallel_loop3A_690, %parallel_loop3A_674 : vector<16xf32>
        %parallel_loop3A_692 = arith.addf %parallel_loop3A_637, %parallel_loop3A_691 : vector<16xf32>
        %parallel_loop3A_693 = arith.mulf %parallel_loop3A_690, %parallel_loop3A_682 : vector<16xf32>
        %parallel_loop3A_694 = arith.addf %parallel_loop3A_645, %parallel_loop3A_693 : vector<16xf32>
        %parallel_loop3A_695 = arith.addf %parallel_loop3A_653, %parallel_loop3A_690 : vector<16xf32>
        %parallel_loop3A_696 = arith.constant 1 : i32
        %parallel_loop3A_697 = arith.constant 1 : i32
        %parallel_loop3A_698 = arith.index_cast %parallel_loop3A_696 : i32 to index
        %parallel_loop3A_699 = arith.index_cast %parallel_loop3A_697 : i32 to index
        %parallel_loop3A_700 = arith.index_cast %parallel_loop3A_662 : i32 to index
        %parallel_loop3A_701 = arith.index_cast %parallel_loop3A_666 : i32 to index
        %parallel_loop3A_702 = tpu.vector_load %arg8[%parallel_loop3A_698, %parallel_loop3A_699, %parallel_loop3A_700, %parallel_loop3A_701] {strides = array<i32>} : memref<2x8x16x128xf32, #tpu.memory_space<vmem>>, vector<1x1x1x16xf32>,
        %parallel_loop3A_703 = vector.shape_cast %parallel_loop3A_702 : vector<1x1x1x16xf32> to vector<16xf32>
        %parallel_loop3A_704 = arith.mulf %parallel_loop3A_703, %parallel_loop3A_674 : vector<16xf32>
        %parallel_loop3A_705 = arith.addf %parallel_loop3A_638, %parallel_loop3A_704 : vector<16xf32>
        %parallel_loop3A_706 = arith.mulf %parallel_loop3A_703, %parallel_loop3A_682 : vector<16xf32>
        %parallel_loop3A_707 = arith.addf %parallel_loop3A_646, %parallel_loop3A_706 : vector<16xf32>
        %parallel_loop3A_708 = arith.addf %parallel_loop3A_654, %parallel_loop3A_703 : vector<16xf32>
        %parallel_loop3A_709 = arith.constant 1 : i32
        %parallel_loop3A_710 = arith.constant 2 : i32
        %parallel_loop3A_711 = arith.index_cast %parallel_loop3A_709 : i32 to index
        %parallel_loop3A_712 = arith.index_cast %parallel_loop3A_710 : i32 to index
        %parallel_loop3A_713 = arith.index_cast %parallel_loop3A_662 : i32 to index
        %parallel_loop3A_714 = arith.index_cast %parallel_loop3A_666 : i32 to index
        %parallel_loop3A_715 = tpu.vector_load %arg8[%parallel_loop3A_711, %parallel_loop3A_712, %parallel_loop3A_713, %parallel_loop3A_714] {strides = array<i32>} : memref<2x8x16x128xf32, #tpu.memory_space<vmem>>, vector<1x1x1x16xf32>,
        %parallel_loop3A_716 = vector.shape_cast %parallel_loop3A_715 : vector<1x1x1x16xf32> to vector<16xf32>
        %parallel_loop3A_717 = arith.mulf %parallel_loop3A_716, %parallel_loop3A_674 : vector<16xf32>
        %parallel_loop3A_718 = arith.addf %parallel_loop3A_639, %parallel_loop3A_717 : vector<16xf32>
        %parallel_loop3A_719 = arith.mulf %parallel_loop3A_716, %parallel_loop3A_682 : vector<16xf32>
        %parallel_loop3A_720 = arith.addf %parallel_loop3A_647, %parallel_loop3A_719 : vector<16xf32>
        %parallel_loop3A_721 = arith.addf %parallel_loop3A_655, %parallel_loop3A_716 : vector<16xf32>
        %parallel_loop3A_722 = arith.constant 1 : i32
        %parallel_loop3A_723 = arith.constant 3 : i32
        %parallel_loop3A_724 = arith.index_cast %parallel_loop3A_722 : i32 to index
        %parallel_loop3A_725 = arith.index_cast %parallel_loop3A_723 : i32 to index
        %parallel_loop3A_726 = arith.index_cast %parallel_loop3A_662 : i32 to index
        %parallel_loop3A_727 = arith.index_cast %parallel_loop3A_666 : i32 to index
        %parallel_loop3A_728 = tpu.vector_load %arg8[%parallel_loop3A_724, %parallel_loop3A_725, %parallel_loop3A_726, %parallel_loop3A_727] {strides = array<i32>} : memref<2x8x16x128xf32, #tpu.memory_space<vmem>>, vector<1x1x1x16xf32>,
        %parallel_loop3A_729 = vector.shape_cast %parallel_loop3A_728 : vector<1x1x1x16xf32> to vector<16xf32>
        %parallel_loop3A_730 = arith.mulf %parallel_loop3A_729, %parallel_loop3A_674 : vector<16xf32>
        %parallel_loop3A_731 = arith.addf %parallel_loop3A_640, %parallel_loop3A_730 : vector<16xf32>
        %parallel_loop3A_732 = arith.mulf %parallel_loop3A_729, %parallel_loop3A_682 : vector<16xf32>
        %parallel_loop3A_733 = arith.addf %parallel_loop3A_648, %parallel_loop3A_732 : vector<16xf32>
        %parallel_loop3A_734 = arith.addf %parallel_loop3A_656, %parallel_loop3A_729 : vector<16xf32>
        %parallel_loop3A_735 = arith.constant 1 : i32
        %parallel_loop3A_736 = arith.constant 4 : i32
        %parallel_loop3A_737 = arith.index_cast %parallel_loop3A_735 : i32 to index
        %parallel_loop3A_738 = arith.index_cast %parallel_loop3A_736 : i32 to index
        %parallel_loop3A_739 = arith.index_cast %parallel_loop3A_662 : i32 to index
        %parallel_loop3A_740 = arith.index_cast %parallel_loop3A_666 : i32 to index
        %parallel_loop3A_741 = tpu.vector_load %arg8[%parallel_loop3A_737, %parallel_loop3A_738, %parallel_loop3A_739, %parallel_loop3A_740] {strides = array<i32>} : memref<2x8x16x128xf32, #tpu.memory_space<vmem>>, vector<1x1x1x16xf32>,
        %parallel_loop3A_742 = vector.shape_cast %parallel_loop3A_741 : vector<1x1x1x16xf32> to vector<16xf32>
        %parallel_loop3A_743 = arith.mulf %parallel_loop3A_742, %parallel_loop3A_674 : vector<16xf32>
        %parallel_loop3A_744 = arith.addf %parallel_loop3A_641, %parallel_loop3A_743 : vector<16xf32>
        %parallel_loop3A_745 = arith.mulf %parallel_loop3A_742, %parallel_loop3A_682 : vector<16xf32>
        %parallel_loop3A_746 = arith.addf %parallel_loop3A_649, %parallel_loop3A_745 : vector<16xf32>
        %parallel_loop3A_747 = arith.addf %parallel_loop3A_657, %parallel_loop3A_742 : vector<16xf32>
        %parallel_loop3A_748 = arith.constant 1 : i32
        %parallel_loop3A_749 = arith.constant 5 : i32
        %parallel_loop3A_750 = arith.index_cast %parallel_loop3A_748 : i32 to index
        %parallel_loop3A_751 = arith.index_cast %parallel_loop3A_749 : i32 to index
        %parallel_loop3A_752 = arith.index_cast %parallel_loop3A_662 : i32 to index
        %parallel_loop3A_753 = arith.index_cast %parallel_loop3A_666 : i32 to index
        %parallel_loop3A_754 = tpu.vector_load %arg8[%parallel_loop3A_750, %parallel_loop3A_751, %parallel_loop3A_752, %parallel_loop3A_753] {strides = array<i32>} : memref<2x8x16x128xf32, #tpu.memory_space<vmem>>, vector<1x1x1x16xf32>,
        %parallel_loop3A_755 = vector.shape_cast %parallel_loop3A_754 : vector<1x1x1x16xf32> to vector<16xf32>
        %parallel_loop3A_756 = arith.mulf %parallel_loop3A_755, %parallel_loop3A_674 : vector<16xf32>
        %parallel_loop3A_757 = arith.addf %parallel_loop3A_642, %parallel_loop3A_756 : vector<16xf32>
        %parallel_loop3A_758 = arith.mulf %parallel_loop3A_755, %parallel_loop3A_682 : vector<16xf32>
        %parallel_loop3A_759 = arith.addf %parallel_loop3A_650, %parallel_loop3A_758 : vector<16xf32>
        %parallel_loop3A_760 = arith.addf %parallel_loop3A_658, %parallel_loop3A_755 : vector<16xf32>
        %parallel_loop3A_761 = arith.constant 1 : i32
        %parallel_loop3A_762 = arith.constant 6 : i32
        %parallel_loop3A_763 = arith.index_cast %parallel_loop3A_761 : i32 to index
        %parallel_loop3A_764 = arith.index_cast %parallel_loop3A_762 : i32 to index
        %parallel_loop3A_765 = arith.index_cast %parallel_loop3A_662 : i32 to index
        %parallel_loop3A_766 = arith.index_cast %parallel_loop3A_666 : i32 to index
        %parallel_loop3A_767 = tpu.vector_load %arg8[%parallel_loop3A_763, %parallel_loop3A_764, %parallel_loop3A_765, %parallel_loop3A_766] {strides = array<i32>} : memref<2x8x16x128xf32, #tpu.memory_space<vmem>>, vector<1x1x1x16xf32>,
        %parallel_loop3A_768 = vector.shape_cast %parallel_loop3A_767 : vector<1x1x1x16xf32> to vector<16xf32>
        %parallel_loop3A_769 = arith.mulf %parallel_loop3A_768, %parallel_loop3A_674 : vector<16xf32>
        %parallel_loop3A_770 = arith.addf %parallel_loop3A_643, %parallel_loop3A_769 : vector<16xf32>
        %parallel_loop3A_771 = arith.mulf %parallel_loop3A_768, %parallel_loop3A_682 : vector<16xf32>
        %parallel_loop3A_772 = arith.addf %parallel_loop3A_651, %parallel_loop3A_771 : vector<16xf32>
        %parallel_loop3A_773 = arith.addf %parallel_loop3A_659, %parallel_loop3A_768 : vector<16xf32>
        %parallel_loop3A_774 = arith.constant 1 : i32
        %parallel_loop3A_775 = arith.constant 7 : i32
        %parallel_loop3A_776 = arith.index_cast %parallel_loop3A_774 : i32 to index
        %parallel_loop3A_777 = arith.index_cast %parallel_loop3A_775 : i32 to index
        %parallel_loop3A_778 = arith.index_cast %parallel_loop3A_662 : i32 to index
        %parallel_loop3A_779 = arith.index_cast %parallel_loop3A_666 : i32 to index
        %parallel_loop3A_780 = tpu.vector_load %arg8[%parallel_loop3A_776, %parallel_loop3A_777, %parallel_loop3A_778, %parallel_loop3A_779] {strides = array<i32>} : memref<2x8x16x128xf32, #tpu.memory_space<vmem>>, vector<1x1x1x16xf32>,
        %parallel_loop3A_781 = vector.shape_cast %parallel_loop3A_780 : vector<1x1x1x16xf32> to vector<16xf32>
        %parallel_loop3A_782 = arith.mulf %parallel_loop3A_781, %parallel_loop3A_674 : vector<16xf32>
        %parallel_loop3A_783 = arith.addf %parallel_loop3A_644, %parallel_loop3A_782 : vector<16xf32>
        %parallel_loop3A_784 = arith.mulf %parallel_loop3A_781, %parallel_loop3A_682 : vector<16xf32>
        %parallel_loop3A_785 = arith.addf %parallel_loop3A_652, %parallel_loop3A_784 : vector<16xf32>
        %parallel_loop3A_786 = arith.addf %parallel_loop3A_660, %parallel_loop3A_781 : vector<16xf32>
        scf.yield %parallel_loop3A_692, %parallel_loop3A_705, %parallel_loop3A_718, %parallel_loop3A_731, %parallel_loop3A_744, %parallel_loop3A_757, %parallel_loop3A_770, %parallel_loop3A_783, %parallel_loop3A_694, %parallel_loop3A_707, %parallel_loop3A_720, %parallel_loop3A_733, %parallel_loop3A_746, %parallel_loop3A_759, %parallel_loop3A_772, %parallel_loop3A_785, %parallel_loop3A_695, %parallel_loop3A_708, %parallel_loop3A_721, %parallel_loop3A_734, %parallel_loop3A_747, %parallel_loop3A_760, %parallel_loop3A_773, %parallel_loop3A_786 : vector<16xf32>, vector<16xf32>, vector<16xf32>, vector<16xf32>, vector<16xf32>, vector<16xf32>, vector<16xf32>, vector<16xf32>, vector<16xf32>, vector<16xf32>, vector<16xf32>, vector<16xf32>, vector<16xf32>, vector<16xf32>, vector<16xf32>, vector<16xf32>, vector<16xf32>, vector<16xf32>, vector<16xf32>, vector<16xf32>, vector<16xf32>, vector<16xf32>, vector<16xf32>, vector<16xf32>
      } {sc.loop_unroll_factor = 4 : i64, sc.parallel_access}
      %swap3A = arith.constant 0 : index
      %swap3A_441 = tpu.vector_load %arg9[%swap3A] {strides = array<i32>} : memref<1056xf32, #tpu.memory_space<vmem>>, vector<16xf32>,
      %swap3A_442 = vector.shape_cast %swap3A_441 : vector<16xf32> to vector<16xf32>
      %swap3A_443 = vector.shape_cast %parallel_loop3A_440#0 : vector<16xf32> to vector<16xf32>
      tpu.vector_store %arg9[%swap3A], %swap3A_443 {strides = array<i32>} : memref<1056xf32, #tpu.memory_space<vmem>>, vector<16xf32>,
      %swap3A_444 = arith.constant 128 : index
      %swap3A_445 = tpu.vector_load %arg9[%swap3A_444] {strides = array<i32>} : memref<1056xf32, #tpu.memory_space<vmem>>, vector<16xf32>,
      %swap3A_446 = vector.shape_cast %swap3A_445 : vector<16xf32> to vector<16xf32>
      %swap3A_447 = vector.shape_cast %parallel_loop3A_440#8 : vector<16xf32> to vector<16xf32>
      tpu.vector_store %arg9[%swap3A_444], %swap3A_447 {strides = array<i32>} : memref<1056xf32, #tpu.memory_space<vmem>>, vector<16xf32>,
      %sub3A_448 = arith.subf %parallel_loop3A_440#16, %parallel_loop3A_440#0 : vector<16xf32>
      %swap3A_449 = arith.constant 256 : index
      %swap3A_450 = tpu.vector_load %arg9[%swap3A_449] {strides = array<i32>} : memref<1056xf32, #tpu.memory_space<vmem>>, vector<16xf32>,
      %swap3A_451 = vector.shape_cast %swap3A_450 : vector<16xf32> to vector<16xf32>
      %swap3A_452 = vector.shape_cast %sub3A_448 : vector<16xf32> to vector<16xf32>
      tpu.vector_store %arg9[%swap3A_449], %swap3A_452 {strides = array<i32>} : memref<1056xf32, #tpu.memory_space<vmem>>, vector<16xf32>,
      %sub3A_453 = arith.subf %parallel_loop3A_440#16, %parallel_loop3A_440#8 : vector<16xf32>
      %swap3A_454 = arith.constant 384 : index
      %swap3A_455 = tpu.vector_load %arg9[%swap3A_454] {strides = array<i32>} : memref<1056xf32, #tpu.memory_space<vmem>>, vector<16xf32>,
      %swap3A_456 = vector.shape_cast %swap3A_455 : vector<16xf32> to vector<16xf32>
      %swap3A_457 = vector.shape_cast %sub3A_453 : vector<16xf32> to vector<16xf32>
      tpu.vector_store %arg9[%swap3A_454], %swap3A_457 {strides = array<i32>} : memref<1056xf32, #tpu.memory_space<vmem>>, vector<16xf32>,
      %swap3A_458 = arith.constant 16 : index
      %swap3A_459 = tpu.vector_load %arg9[%swap3A_458] {strides = array<i32>} : memref<1056xf32, #tpu.memory_space<vmem>>, vector<16xf32>,
      %swap3A_460 = vector.shape_cast %swap3A_459 : vector<16xf32> to vector<16xf32>
      %swap3A_461 = vector.shape_cast %parallel_loop3A_440#1 : vector<16xf32> to vector<16xf32>
      tpu.vector_store %arg9[%swap3A_458], %swap3A_461 {strides = array<i32>} : memref<1056xf32, #tpu.memory_space<vmem>>, vector<16xf32>,
      %swap3A_462 = arith.constant 144 : index
      %swap3A_463 = tpu.vector_load %arg9[%swap3A_462] {strides = array<i32>} : memref<1056xf32, #tpu.memory_space<vmem>>, vector<16xf32>,
      %swap3A_464 = vector.shape_cast %swap3A_463 : vector<16xf32> to vector<16xf32>
      %swap3A_465 = vector.shape_cast %parallel_loop3A_440#9 : vector<16xf32> to vector<16xf32>
      tpu.vector_store %arg9[%swap3A_462], %swap3A_465 {strides = array<i32>} : memref<1056xf32, #tpu.memory_space<vmem>>, vector<16xf32>,
      %sub3A_466 = arith.subf %parallel_loop3A_440#17, %parallel_loop3A_440#1 : vector<16xf32>
      %swap3A_467 = arith.constant 272 : index
      %swap3A_468 = tpu.vector_load %arg9[%swap3A_467] {strides = array<i32>} : memref<1056xf32, #tpu.memory_space<vmem>>, vector<16xf32>,
      %swap3A_469 = vector.shape_cast %swap3A_468 : vector<16xf32> to vector<16xf32>
      %swap3A_470 = vector.shape_cast %sub3A_466 : vector<16xf32> to vector<16xf32>
      tpu.vector_store %arg9[%swap3A_467], %swap3A_470 {strides = array<i32>} : memref<1056xf32, #tpu.memory_space<vmem>>, vector<16xf32>,
      %sub3A_471 = arith.subf %parallel_loop3A_440#17, %parallel_loop3A_440#9 : vector<16xf32>
      %swap3A_472 = arith.constant 400 : index
      %swap3A_473 = tpu.vector_load %arg9[%swap3A_472] {strides = array<i32>} : memref<1056xf32, #tpu.memory_space<vmem>>, vector<16xf32>,
      %swap3A_474 = vector.shape_cast %swap3A_473 : vector<16xf32> to vector<16xf32>
      %swap3A_475 = vector.shape_cast %sub3A_471 : vector<16xf32> to vector<16xf32>
      tpu.vector_store %arg9[%swap3A_472], %swap3A_475 {strides = array<i32>} : memref<1056xf32, #tpu.memory_space<vmem>>, vector<16xf32>,
      %swap3A_476 = arith.constant 32 : index
      %swap3A_477 = tpu.vector_load %arg9[%swap3A_476] {strides = array<i32>} : memref<1056xf32, #tpu.memory_space<vmem>>, vector<16xf32>,
      %swap3A_478 = vector.shape_cast %swap3A_477 : vector<16xf32> to vector<16xf32>
      %swap3A_479 = vector.shape_cast %parallel_loop3A_440#2 : vector<16xf32> to vector<16xf32>
      tpu.vector_store %arg9[%swap3A_476], %swap3A_479 {strides = array<i32>} : memref<1056xf32, #tpu.memory_space<vmem>>, vector<16xf32>,
      %swap3A_480 = arith.constant 160 : index
      %swap3A_481 = tpu.vector_load %arg9[%swap3A_480] {strides = array<i32>} : memref<1056xf32, #tpu.memory_space<vmem>>, vector<16xf32>,
      %swap3A_482 = vector.shape_cast %swap3A_481 : vector<16xf32> to vector<16xf32>
      %swap3A_483 = vector.shape_cast %parallel_loop3A_440#10 : vector<16xf32> to vector<16xf32>
      tpu.vector_store %arg9[%swap3A_480], %swap3A_483 {strides = array<i32>} : memref<1056xf32, #tpu.memory_space<vmem>>, vector<16xf32>,
      %sub3A_484 = arith.subf %parallel_loop3A_440#18, %parallel_loop3A_440#2 : vector<16xf32>
      %swap3A_485 = arith.constant 288 : index
      %swap3A_486 = tpu.vector_load %arg9[%swap3A_485] {strides = array<i32>} : memref<1056xf32, #tpu.memory_space<vmem>>, vector<16xf32>,
      %swap3A_487 = vector.shape_cast %swap3A_486 : vector<16xf32> to vector<16xf32>
      %swap3A_488 = vector.shape_cast %sub3A_484 : vector<16xf32> to vector<16xf32>
      tpu.vector_store %arg9[%swap3A_485], %swap3A_488 {strides = array<i32>} : memref<1056xf32, #tpu.memory_space<vmem>>, vector<16xf32>,
      %sub3A_489 = arith.subf %parallel_loop3A_440#18, %parallel_loop3A_440#10 : vector<16xf32>
      %swap3A_490 = arith.constant 416 : index
      %swap3A_491 = tpu.vector_load %arg9[%swap3A_490] {strides = array<i32>} : memref<1056xf32, #tpu.memory_space<vmem>>, vector<16xf32>,
      %swap3A_492 = vector.shape_cast %swap3A_491 : vector<16xf32> to vector<16xf32>
      %swap3A_493 = vector.shape_cast %sub3A_489 : vector<16xf32> to vector<16xf32>
      tpu.vector_store %arg9[%swap3A_490], %swap3A_493 {strides = array<i32>} : memref<1056xf32, #tpu.memory_space<vmem>>, vector<16xf32>,
      %swap3A_494 = arith.constant 48 : index
      %swap3A_495 = tpu.vector_load %arg9[%swap3A_494] {strides = array<i32>} : memref<1056xf32, #tpu.memory_space<vmem>>, vector<16xf32>,
      %swap3A_496 = vector.shape_cast %swap3A_495 : vector<16xf32> to vector<16xf32>
      %swap3A_497 = vector.shape_cast %parallel_loop3A_440#3 : vector<16xf32> to vector<16xf32>
      tpu.vector_store %arg9[%swap3A_494], %swap3A_497 {strides = array<i32>} : memref<1056xf32, #tpu.memory_space<vmem>>, vector<16xf32>,
      %swap3A_498 = arith.constant 176 : index
      %swap3A_499 = tpu.vector_load %arg9[%swap3A_498] {strides = array<i32>} : memref<1056xf32, #tpu.memory_space<vmem>>, vector<16xf32>,
      %swap3A_500 = vector.shape_cast %swap3A_499 : vector<16xf32> to vector<16xf32>
      %swap3A_501 = vector.shape_cast %parallel_loop3A_440#11 : vector<16xf32> to vector<16xf32>
      tpu.vector_store %arg9[%swap3A_498], %swap3A_501 {strides = array<i32>} : memref<1056xf32, #tpu.memory_space<vmem>>, vector<16xf32>,
      %sub3A_502 = arith.subf %parallel_loop3A_440#19, %parallel_loop3A_440#3 : vector<16xf32>
      %swap3A_503 = arith.constant 304 : index
      %swap3A_504 = tpu.vector_load %arg9[%swap3A_503] {strides = array<i32>} : memref<1056xf32, #tpu.memory_space<vmem>>, vector<16xf32>,
      %swap3A_505 = vector.shape_cast %swap3A_504 : vector<16xf32> to vector<16xf32>
      %swap3A_506 = vector.shape_cast %sub3A_502 : vector<16xf32> to vector<16xf32>
      tpu.vector_store %arg9[%swap3A_503], %swap3A_506 {strides = array<i32>} : memref<1056xf32, #tpu.memory_space<vmem>>, vector<16xf32>,
      %sub3A_507 = arith.subf %parallel_loop3A_440#19, %parallel_loop3A_440#11 : vector<16xf32>
      %swap3A_508 = arith.constant 432 : index
      %swap3A_509 = tpu.vector_load %arg9[%swap3A_508] {strides = array<i32>} : memref<1056xf32, #tpu.memory_space<vmem>>, vector<16xf32>,
      %swap3A_510 = vector.shape_cast %swap3A_509 : vector<16xf32> to vector<16xf32>
      %swap3A_511 = vector.shape_cast %sub3A_507 : vector<16xf32> to vector<16xf32>
      tpu.vector_store %arg9[%swap3A_508], %swap3A_511 {strides = array<i32>} : memref<1056xf32, #tpu.memory_space<vmem>>, vector<16xf32>,
      %swap3A_512 = arith.constant 64 : index
      %swap3A_513 = tpu.vector_load %arg9[%swap3A_512] {strides = array<i32>} : memref<1056xf32, #tpu.memory_space<vmem>>, vector<16xf32>,
      %swap3A_514 = vector.shape_cast %swap3A_513 : vector<16xf32> to vector<16xf32>
      %swap3A_515 = vector.shape_cast %parallel_loop3A_440#4 : vector<16xf32> to vector<16xf32>
      tpu.vector_store %arg9[%swap3A_512], %swap3A_515 {strides = array<i32>} : memref<1056xf32, #tpu.memory_space<vmem>>, vector<16xf32>,
      %swap3A_516 = arith.constant 192 : index
      %swap3A_517 = tpu.vector_load %arg9[%swap3A_516] {strides = array<i32>} : memref<1056xf32, #tpu.memory_space<vmem>>, vector<16xf32>,
      %swap3A_518 = vector.shape_cast %swap3A_517 : vector<16xf32> to vector<16xf32>
      %swap3A_519 = vector.shape_cast %parallel_loop3A_440#12 : vector<16xf32> to vector<16xf32>
      tpu.vector_store %arg9[%swap3A_516], %swap3A_519 {strides = array<i32>} : memref<1056xf32, #tpu.memory_space<vmem>>, vector<16xf32>,
      %sub3A_520 = arith.subf %parallel_loop3A_440#20, %parallel_loop3A_440#4 : vector<16xf32>
      %swap3A_521 = arith.constant 320 : index
      %swap3A_522 = tpu.vector_load %arg9[%swap3A_521] {strides = array<i32>} : memref<1056xf32, #tpu.memory_space<vmem>>, vector<16xf32>,
      %swap3A_523 = vector.shape_cast %swap3A_522 : vector<16xf32> to vector<16xf32>
      %swap3A_524 = vector.shape_cast %sub3A_520 : vector<16xf32> to vector<16xf32>
      tpu.vector_store %arg9[%swap3A_521], %swap3A_524 {strides = array<i32>} : memref<1056xf32, #tpu.memory_space<vmem>>, vector<16xf32>,
      %sub3A_525 = arith.subf %parallel_loop3A_440#20, %parallel_loop3A_440#12 : vector<16xf32>
      %swap3A_526 = arith.constant 448 : index
      %swap3A_527 = tpu.vector_load %arg9[%swap3A_526] {strides = array<i32>} : memref<1056xf32, #tpu.memory_space<vmem>>, vector<16xf32>,
      %swap3A_528 = vector.shape_cast %swap3A_527 : vector<16xf32> to vector<16xf32>
      %swap3A_529 = vector.shape_cast %sub3A_525 : vector<16xf32> to vector<16xf32>
      tpu.vector_store %arg9[%swap3A_526], %swap3A_529 {strides = array<i32>} : memref<1056xf32, #tpu.memory_space<vmem>>, vector<16xf32>,
      %swap3A_530 = arith.constant 80 : index
      %swap3A_531 = tpu.vector_load %arg9[%swap3A_530] {strides = array<i32>} : memref<1056xf32, #tpu.memory_space<vmem>>, vector<16xf32>,
      %swap3A_532 = vector.shape_cast %swap3A_531 : vector<16xf32> to vector<16xf32>
      %swap3A_533 = vector.shape_cast %parallel_loop3A_440#5 : vector<16xf32> to vector<16xf32>
      tpu.vector_store %arg9[%swap3A_530], %swap3A_533 {strides = array<i32>} : memref<1056xf32, #tpu.memory_space<vmem>>, vector<16xf32>,
      %swap3A_534 = arith.constant 208 : index
      %swap3A_535 = tpu.vector_load %arg9[%swap3A_534] {strides = array<i32>} : memref<1056xf32, #tpu.memory_space<vmem>>, vector<16xf32>,
      %swap3A_536 = vector.shape_cast %swap3A_535 : vector<16xf32> to vector<16xf32>
      %swap3A_537 = vector.shape_cast %parallel_loop3A_440#13 : vector<16xf32> to vector<16xf32>
      tpu.vector_store %arg9[%swap3A_534], %swap3A_537 {strides = array<i32>} : memref<1056xf32, #tpu.memory_space<vmem>>, vector<16xf32>,
      %sub3A_538 = arith.subf %parallel_loop3A_440#21, %parallel_loop3A_440#5 : vector<16xf32>
      %swap3A_539 = arith.constant 336 : index
      %swap3A_540 = tpu.vector_load %arg9[%swap3A_539] {strides = array<i32>} : memref<1056xf32, #tpu.memory_space<vmem>>, vector<16xf32>,
      %swap3A_541 = vector.shape_cast %swap3A_540 : vector<16xf32> to vector<16xf32>
      %swap3A_542 = vector.shape_cast %sub3A_538 : vector<16xf32> to vector<16xf32>
      tpu.vector_store %arg9[%swap3A_539], %swap3A_542 {strides = array<i32>} : memref<1056xf32, #tpu.memory_space<vmem>>, vector<16xf32>,
      %sub3A_543 = arith.subf %parallel_loop3A_440#21, %parallel_loop3A_440#13 : vector<16xf32>
      %swap3A_544 = arith.constant 464 : index
      %swap3A_545 = tpu.vector_load %arg9[%swap3A_544] {strides = array<i32>} : memref<1056xf32, #tpu.memory_space<vmem>>, vector<16xf32>,
      %swap3A_546 = vector.shape_cast %swap3A_545 : vector<16xf32> to vector<16xf32>
      %swap3A_547 = vector.shape_cast %sub3A_543 : vector<16xf32> to vector<16xf32>
      tpu.vector_store %arg9[%swap3A_544], %swap3A_547 {strides = array<i32>} : memref<1056xf32, #tpu.memory_space<vmem>>, vector<16xf32>,
      %swap3A_548 = arith.constant 96 : index
      %swap3A_549 = tpu.vector_load %arg9[%swap3A_548] {strides = array<i32>} : memref<1056xf32, #tpu.memory_space<vmem>>, vector<16xf32>,
      %swap3A_550 = vector.shape_cast %swap3A_549 : vector<16xf32> to vector<16xf32>
      %swap3A_551 = vector.shape_cast %parallel_loop3A_440#6 : vector<16xf32> to vector<16xf32>
      tpu.vector_store %arg9[%swap3A_548], %swap3A_551 {strides = array<i32>} : memref<1056xf32, #tpu.memory_space<vmem>>, vector<16xf32>,
      %swap3A_552 = arith.constant 224 : index
      %swap3A_553 = tpu.vector_load %arg9[%swap3A_552] {strides = array<i32>} : memref<1056xf32, #tpu.memory_space<vmem>>, vector<16xf32>,
      %swap3A_554 = vector.shape_cast %swap3A_553 : vector<16xf32> to vector<16xf32>
      %swap3A_555 = vector.shape_cast %parallel_loop3A_440#14 : vector<16xf32> to vector<16xf32>
      tpu.vector_store %arg9[%swap3A_552], %swap3A_555 {strides = array<i32>} : memref<1056xf32, #tpu.memory_space<vmem>>, vector<16xf32>,
      %sub3A_556 = arith.subf %parallel_loop3A_440#22, %parallel_loop3A_440#6 : vector<16xf32>
      %swap3A_557 = arith.constant 352 : index
      %swap3A_558 = tpu.vector_load %arg9[%swap3A_557] {strides = array<i32>} : memref<1056xf32, #tpu.memory_space<vmem>>, vector<16xf32>,
      %swap3A_559 = vector.shape_cast %swap3A_558 : vector<16xf32> to vector<16xf32>
      %swap3A_560 = vector.shape_cast %sub3A_556 : vector<16xf32> to vector<16xf32>
      tpu.vector_store %arg9[%swap3A_557], %swap3A_560 {strides = array<i32>} : memref<1056xf32, #tpu.memory_space<vmem>>, vector<16xf32>,
      %sub3A_561 = arith.subf %parallel_loop3A_440#22, %parallel_loop3A_440#14 : vector<16xf32>
      %swap3A_562 = arith.constant 480 : index
      %swap3A_563 = tpu.vector_load %arg9[%swap3A_562] {strides = array<i32>} : memref<1056xf32, #tpu.memory_space<vmem>>, vector<16xf32>,
      %swap3A_564 = vector.shape_cast %swap3A_563 : vector<16xf32> to vector<16xf32>
      %swap3A_565 = vector.shape_cast %sub3A_561 : vector<16xf32> to vector<16xf32>
      tpu.vector_store %arg9[%swap3A_562], %swap3A_565 {strides = array<i32>} : memref<1056xf32, #tpu.memory_space<vmem>>, vector<16xf32>,
      %swap3A_566 = arith.constant 112 : index
      %swap3A_567 = tpu.vector_load %arg9[%swap3A_566] {strides = array<i32>} : memref<1056xf32, #tpu.memory_space<vmem>>, vector<16xf32>,
      %swap3A_568 = vector.shape_cast %swap3A_567 : vector<16xf32> to vector<16xf32>
      %swap3A_569 = vector.shape_cast %parallel_loop3A_440#7 : vector<16xf32> to vector<16xf32>
      tpu.vector_store %arg9[%swap3A_566], %swap3A_569 {strides = array<i32>} : memref<1056xf32, #tpu.memory_space<vmem>>, vector<16xf32>,
      %swap3A_570 = arith.constant 240 : index
      %swap3A_571 = tpu.vector_load %arg9[%swap3A_570] {strides = array<i32>} : memref<1056xf32, #tpu.memory_space<vmem>>, vector<16xf32>,
      %swap3A_572 = vector.shape_cast %swap3A_571 : vector<16xf32> to vector<16xf32>
      %swap3A_573 = vector.shape_cast %parallel_loop3A_440#15 : vector<16xf32> to vector<16xf32>
      tpu.vector_store %arg9[%swap3A_570], %swap3A_573 {strides = array<i32>} : memref<1056xf32, #tpu.memory_space<vmem>>, vector<16xf32>,
      %sub3A_574 = arith.subf %parallel_loop3A_440#23, %parallel_loop3A_440#7 : vector<16xf32>
      %swap3A_575 = arith.constant 368 : index
      %swap3A_576 = tpu.vector_load %arg9[%swap3A_575] {strides = array<i32>} : memref<1056xf32, #tpu.memory_space<vmem>>, vector<16xf32>,
      %swap3A_577 = vector.shape_cast %swap3A_576 : vector<16xf32> to vector<16xf32>
      %swap3A_578 = vector.shape_cast %sub3A_574 : vector<16xf32> to vector<16xf32>
      tpu.vector_store %arg9[%swap3A_575], %swap3A_578 {strides = array<i32>} : memref<1056xf32, #tpu.memory_space<vmem>>, vector<16xf32>,
      %sub3A_579 = arith.subf %parallel_loop3A_440#23, %parallel_loop3A_440#15 : vector<16xf32>
      %swap3A_580 = arith.constant 496 : index
      %swap3A_581 = tpu.vector_load %arg9[%swap3A_580] {strides = array<i32>} : memref<1056xf32, #tpu.memory_space<vmem>>, vector<16xf32>,
      %swap3A_582 = vector.shape_cast %swap3A_581 : vector<16xf32> to vector<16xf32>
      %swap3A_583 = vector.shape_cast %sub3A_579 : vector<16xf32> to vector<16xf32>
      tpu.vector_store %arg9[%swap3A_580], %swap3A_583 {strides = array<i32>} : memref<1056xf32, #tpu.memory_space<vmem>>, vector<16xf32>,
      %mul3A_584 = arith.constant 2 : i32
      %mul3A_585 = arith.muli %mul3A_584, %select_n3A : i32
      %add3A_586 = arith.constant 0 : i32
      %add3A_587 = arith.addi %mul3A_585, %add3A_586 : i32
      %mul3A_588 = arith.constant 64 : i32
      %mul3A_589 = arith.muli %add3A_587, %mul3A_588 : i32
      %mul3A_590 = arith.constant 16 : i32
      %mul3A_591 = arith.muli %mul3A_589, %mul3A_590 : i32
      %mul3A_592 = arith.constant 8 : i32
      %mul3A_593 = arith.muli %select_n3A_41, %mul3A_592 : i32
      %mul3A_594 = arith.constant 16 : i32
      %mul3A_595 = arith.muli %mul3A_593, %mul3A_594 : i32
      %add3A_596 = arith.addi %mul3A_591, %mul3A_595 : i32
      "tpu.region"() ({
        %run_scoped3A = tpu.sem_alloc : memref<!tpu.dma_semaphore, #tpu.memory_space<semaphore_mem>>
        %dma_start3A_636 = arith.constant 0 : i32
        %dma_start3A_637 = tpu.memref_slice %arg9[%dma_start3A_636] : memref<1056xf32, #tpu.memory_space<vmem>> -> memref<128xf32, #tpu.memory_space<vmem>>
        %dma_start3A_638 = tpu.memref_slice %arg4[%add3A_596] : memref<32768xf32, #tpu.memory_space<hbm>> -> memref<128xf32, #tpu.memory_space<hbm>>
        %dma_start3A_639 = tpu.memref_slice %arg4[%add3A_596] : memref<32768xf32, #tpu.memory_space<hbm>> -> memref<128xf32, #tpu.memory_space<hbm>>
        %dma_start3A_640 = arith.constant 0 : i32
        %dma_start3A_641 = tpu.memref_slice %arg9[%dma_start3A_640] : memref<1056xf32, #tpu.memory_space<vmem>> -> memref<128xf32, #tpu.memory_space<vmem>>
        tpu.enqueue_dma source(%dma_start3A_641 : memref<128xf32, #tpu.memory_space<vmem>>) target(%dma_start3A_639 : memref<128xf32, #tpu.memory_space<hbm>>) target_semaphore(%run_scoped3A : memref<!tpu.dma_semaphore, #tpu.memory_space<semaphore_mem>>)
        %dma_wait3A_642 = arith.constant 0 : i32
        %dma_wait3A_643 = tpu.memref_slice %arg9[%dma_wait3A_642] : memref<1056xf32, #tpu.memory_space<vmem>> -> memref<128xf32, #tpu.memory_space<vmem>>
        %dma_wait3A_644 = tpu.memref_slice %arg4[%add3A_596] : memref<32768xf32, #tpu.memory_space<hbm>> -> memref<128xf32, #tpu.memory_space<hbm>>
        %dma_wait3A_645 = tpu.memref_slice %arg4[%add3A_596] : memref<32768xf32, #tpu.memory_space<hbm>> -> memref<128xf32, #tpu.memory_space<hbm>>
        %dma_wait3A_646 = arith.constant 0 : i32
        %dma_wait3A_647 = tpu.memref_slice %arg9[%dma_wait3A_646] : memref<1056xf32, #tpu.memory_space<vmem>> -> memref<128xf32, #tpu.memory_space<vmem>>
        tpu.wait_dma2 semaphore(%run_scoped3A : memref<!tpu.dma_semaphore, #tpu.memory_space<semaphore_mem>>) src(%dma_wait3A_647 : memref<128xf32, #tpu.memory_space<vmem>>) dst(%dma_wait3A_645 : memref<128xf32, #tpu.memory_space<hbm>>)
        tpu.yield
      }) : () -> ()
      %mul3A_597 = arith.constant 2 : i32
      %mul3A_598 = arith.muli %mul3A_597, %select_n3A : i32
      %add3A_599 = arith.constant 1 : i32
      %add3A_600 = arith.addi %mul3A_598, %add3A_599 : i32
      %mul3A_601 = arith.constant 64 : i32
      %mul3A_602 = arith.muli %add3A_600, %mul3A_601 : i32
      %mul3A_603 = arith.constant 16 : i32
      %mul3A_604 = arith.muli %mul3A_602, %mul3A_603 : i32
      %mul3A_605 = arith.constant 8 : i32
      %mul3A_606 = arith.muli %select_n3A_41, %mul3A_605 : i32
      %mul3A_607 = arith.constant 16 : i32
      %mul3A_608 = arith.muli %mul3A_606, %mul3A_607 : i32
      %add3A_609 = arith.addi %mul3A_604, %mul3A_608 : i32
      "tpu.region"() ({
        %run_scoped3A = tpu.sem_alloc : memref<!tpu.dma_semaphore, #tpu.memory_space<semaphore_mem>>
        %dma_start3A_636 = arith.constant 128 : i32
        %dma_start3A_637 = tpu.memref_slice %arg9[%dma_start3A_636] : memref<1056xf32, #tpu.memory_space<vmem>> -> memref<128xf32, #tpu.memory_space<vmem>>
        %dma_start3A_638 = tpu.memref_slice %arg4[%add3A_609] : memref<32768xf32, #tpu.memory_space<hbm>> -> memref<128xf32, #tpu.memory_space<hbm>>
        %dma_start3A_639 = tpu.memref_slice %arg4[%add3A_609] : memref<32768xf32, #tpu.memory_space<hbm>> -> memref<128xf32, #tpu.memory_space<hbm>>
        %dma_start3A_640 = arith.constant 128 : i32
        %dma_start3A_641 = tpu.memref_slice %arg9[%dma_start3A_640] : memref<1056xf32, #tpu.memory_space<vmem>> -> memref<128xf32, #tpu.memory_space<vmem>>
        tpu.enqueue_dma source(%dma_start3A_641 : memref<128xf32, #tpu.memory_space<vmem>>) target(%dma_start3A_639 : memref<128xf32, #tpu.memory_space<hbm>>) target_semaphore(%run_scoped3A : memref<!tpu.dma_semaphore, #tpu.memory_space<semaphore_mem>>)
        %dma_wait3A_642 = arith.constant 128 : i32
        %dma_wait3A_643 = tpu.memref_slice %arg9[%dma_wait3A_642] : memref<1056xf32, #tpu.memory_space<vmem>> -> memref<128xf32, #tpu.memory_space<vmem>>
        %dma_wait3A_644 = tpu.memref_slice %arg4[%add3A_609] : memref<32768xf32, #tpu.memory_space<hbm>> -> memref<128xf32, #tpu.memory_space<hbm>>
        %dma_wait3A_645 = tpu.memref_slice %arg4[%add3A_609] : memref<32768xf32, #tpu.memory_space<hbm>> -> memref<128xf32, #tpu.memory_space<hbm>>
        %dma_wait3A_646 = arith.constant 128 : i32
        %dma_wait3A_647 = tpu.memref_slice %arg9[%dma_wait3A_646] : memref<1056xf32, #tpu.memory_space<vmem>> -> memref<128xf32, #tpu.memory_space<vmem>>
        tpu.wait_dma2 semaphore(%run_scoped3A : memref<!tpu.dma_semaphore, #tpu.memory_space<semaphore_mem>>) src(%dma_wait3A_647 : memref<128xf32, #tpu.memory_space<vmem>>) dst(%dma_wait3A_645 : memref<128xf32, #tpu.memory_space<hbm>>)
        tpu.yield
      }) : () -> ()
      %mul3A_610 = arith.constant 2 : i32
      %mul3A_611 = arith.muli %mul3A_610, %select_n3A : i32
      %add3A_612 = arith.constant 0 : i32
      %add3A_613 = arith.addi %mul3A_611, %add3A_612 : i32
      %mul3A_614 = arith.constant 64 : i32
      %mul3A_615 = arith.muli %add3A_613, %mul3A_614 : i32
      %mul3A_616 = arith.constant 16 : i32
      %mul3A_617 = arith.muli %mul3A_615, %mul3A_616 : i32
      %mul3A_618 = arith.constant 8 : i32
      %mul3A_619 = arith.muli %select_n3A_41, %mul3A_618 : i32
      %mul3A_620 = arith.constant 16 : i32
      %mul3A_621 = arith.muli %mul3A_619, %mul3A_620 : i32
      %add3A_622 = arith.addi %mul3A_617, %mul3A_621 : i32
      "tpu.region"() ({
        %run_scoped3A = tpu.sem_alloc : memref<!tpu.dma_semaphore, #tpu.memory_space<semaphore_mem>>
        %dma_start3A_636 = arith.constant 256 : i32
        %dma_start3A_637 = tpu.memref_slice %arg9[%dma_start3A_636] : memref<1056xf32, #tpu.memory_space<vmem>> -> memref<128xf32, #tpu.memory_space<vmem>>
        %dma_start3A_638 = tpu.memref_slice %arg5[%add3A_622] : memref<32768xf32, #tpu.memory_space<hbm>> -> memref<128xf32, #tpu.memory_space<hbm>>
        %dma_start3A_639 = tpu.memref_slice %arg5[%add3A_622] : memref<32768xf32, #tpu.memory_space<hbm>> -> memref<128xf32, #tpu.memory_space<hbm>>
        %dma_start3A_640 = arith.constant 256 : i32
        %dma_start3A_641 = tpu.memref_slice %arg9[%dma_start3A_640] : memref<1056xf32, #tpu.memory_space<vmem>> -> memref<128xf32, #tpu.memory_space<vmem>>
        tpu.enqueue_dma source(%dma_start3A_641 : memref<128xf32, #tpu.memory_space<vmem>>) target(%dma_start3A_639 : memref<128xf32, #tpu.memory_space<hbm>>) target_semaphore(%run_scoped3A : memref<!tpu.dma_semaphore, #tpu.memory_space<semaphore_mem>>)
        %dma_wait3A_642 = arith.constant 256 : i32
        %dma_wait3A_643 = tpu.memref_slice %arg9[%dma_wait3A_642] : memref<1056xf32, #tpu.memory_space<vmem>> -> memref<128xf32, #tpu.memory_space<vmem>>
        %dma_wait3A_644 = tpu.memref_slice %arg5[%add3A_622] : memref<32768xf32, #tpu.memory_space<hbm>> -> memref<128xf32, #tpu.memory_space<hbm>>
        %dma_wait3A_645 = tpu.memref_slice %arg5[%add3A_622] : memref<32768xf32, #tpu.memory_space<hbm>> -> memref<128xf32, #tpu.memory_space<hbm>>
        %dma_wait3A_646 = arith.constant 256 : i32
        %dma_wait3A_647 = tpu.memref_slice %arg9[%dma_wait3A_646] : memref<1056xf32, #tpu.memory_space<vmem>> -> memref<128xf32, #tpu.memory_space<vmem>>
        tpu.wait_dma2 semaphore(%run_scoped3A : memref<!tpu.dma_semaphore, #tpu.memory_space<semaphore_mem>>) src(%dma_wait3A_647 : memref<128xf32, #tpu.memory_space<vmem>>) dst(%dma_wait3A_645 : memref<128xf32, #tpu.memory_space<hbm>>)
        tpu.yield
      }) : () -> ()
      %mul3A_623 = arith.constant 2 : i32
      %mul3A_624 = arith.muli %mul3A_623, %select_n3A : i32
      %add3A_625 = arith.constant 1 : i32
      %add3A_626 = arith.addi %mul3A_624, %add3A_625 : i32
      %mul3A_627 = arith.constant 64 : i32
      %mul3A_628 = arith.muli %add3A_626, %mul3A_627 : i32
      %mul3A_629 = arith.constant 16 : i32
      %mul3A_630 = arith.muli %mul3A_628, %mul3A_629 : i32
      %mul3A_631 = arith.constant 8 : i32
      %mul3A_632 = arith.muli %select_n3A_41, %mul3A_631 : i32
      %mul3A_633 = arith.constant 16 : i32
      %mul3A_634 = arith.muli %mul3A_632, %mul3A_633 : i32
      %add3A_635 = arith.addi %mul3A_630, %mul3A_634 : i32
      "tpu.region"() ({
        %run_scoped3A = tpu.sem_alloc : memref<!tpu.dma_semaphore, #tpu.memory_space<semaphore_mem>>
        %dma_start3A_636 = arith.constant 384 : i32
        %dma_start3A_637 = tpu.memref_slice %arg9[%dma_start3A_636] : memref<1056xf32, #tpu.memory_space<vmem>> -> memref<128xf32, #tpu.memory_space<vmem>>
        %dma_start3A_638 = tpu.memref_slice %arg5[%add3A_635] : memref<32768xf32, #tpu.memory_space<hbm>> -> memref<128xf32, #tpu.memory_space<hbm>>
        %dma_start3A_639 = tpu.memref_slice %arg5[%add3A_635] : memref<32768xf32, #tpu.memory_space<hbm>> -> memref<128xf32, #tpu.memory_space<hbm>>
        %dma_start3A_640 = arith.constant 384 : i32
        %dma_start3A_641 = tpu.memref_slice %arg9[%dma_start3A_640] : memref<1056xf32, #tpu.memory_space<vmem>> -> memref<128xf32, #tpu.memory_space<vmem>>
        tpu.enqueue_dma source(%dma_start3A_641 : memref<128xf32, #tpu.memory_space<vmem>>) target(%dma_start3A_639 : memref<128xf32, #tpu.memory_space<hbm>>) target_semaphore(%run_scoped3A : memref<!tpu.dma_semaphore, #tpu.memory_space<semaphore_mem>>)
        %dma_wait3A_642 = arith.constant 384 : i32
        %dma_wait3A_643 = tpu.memref_slice %arg9[%dma_wait3A_642] : memref<1056xf32, #tpu.memory_space<vmem>> -> memref<128xf32, #tpu.memory_space<vmem>>
        %dma_wait3A_644 = tpu.memref_slice %arg5[%add3A_635] : memref<32768xf32, #tpu.memory_space<hbm>> -> memref<128xf32, #tpu.memory_space<hbm>>
        %dma_wait3A_645 = tpu.memref_slice %arg5[%add3A_635] : memref<32768xf32, #tpu.memory_space<hbm>> -> memref<128xf32, #tpu.memory_space<hbm>>
        %dma_wait3A_646 = arith.constant 384 : i32
        %dma_wait3A_647 = tpu.memref_slice %arg9[%dma_wait3A_646] : memref<1056xf32, #tpu.memory_space<vmem>> -> memref<128xf32, #tpu.memory_space<vmem>>
        tpu.wait_dma2 semaphore(%run_scoped3A : memref<!tpu.dma_semaphore, #tpu.memory_space<semaphore_mem>>) src(%dma_wait3A_647 : memref<128xf32, #tpu.memory_space<vmem>>) dst(%dma_wait3A_645 : memref<128xf32, #tpu.memory_space<hbm>>)
        tpu.yield
      }) : () -> ()
    }
    %scan3A_5 = arith.constant 4 : i32
    return
  }
}

module attributes {stable_mosaic.version = 14 : i64} {
  func.func @_pool_body(%arg0: i32, %arg1: memref<1x64x128x128xf32, #tpu.memory_space<vmem>>, %arg2: memref<1x2x128x128xf32, #tpu.memory_space<vmem>>, %arg3: memref<1x2x64xf32, #tpu.memory_space<vmem>>, %arg4: memref<1x2x64xf32, #tpu.memory_space<vmem>>, %arg5: memref<1x2x64xf32, #tpu.memory_space<vmem>>) attributes {dimension_semantics = [#tpu.dimension_semantics<arbitrary>], iteration_bounds = array<i64: 48>, scalar_prefetch = 0 : i64, scratch_operands = 0 : i64, tpu.core_type = #tpu.core_type<tc>, window_params = [{transform_indices = @transform_0, window_bounds = array<i64: 1, 64, 128, 128>}, {transform_indices = @transform_1, window_bounds = array<i64: 1, 2, 128, 128>}, {transform_indices = @transform_2, window_bounds = array<i64: 1, 2, 64>}, {transform_indices = @transform_3, window_bounds = array<i64: 1, 2, 64>}, {transform_indices = @transform_4, window_bounds = array<i64: 1, 2, 64>}]} {
    %get3A = arith.constant 0 : index
    %get3A_0 = arith.constant 0 : index
    %get3A_1 = arith.constant 0 : index
    %get3A_2 = arith.constant 0 : index
    %get3A_3 = vector.load %arg1[%get3A, %get3A_0, %get3A_1, %get3A_2] : memref<1x64x128x128xf32, #tpu.memory_space<vmem>>, vector<1x64x128x128xf32>
    %get3A_4 = vector.shape_cast %get3A_3 : vector<1x64x128x128xf32> to vector<64x128x128xf32>
    %get3A_5 = arith.constant 0 : index
    %get3A_6 = arith.constant 0 : index
    %get3A_7 = arith.constant 0 : index
    %get3A_8 = arith.constant 0 : index
    %get3A_9 = vector.load %arg2[%get3A_5, %get3A_6, %get3A_7, %get3A_8] : memref<1x2x128x128xf32, #tpu.memory_space<vmem>>, vector<1x1x128x128xf32>
    %get3A_10 = vector.shape_cast %get3A_9 : vector<1x1x128x128xf32> to vector<128x128xf32>
    %get3A_11 = arith.constant 0 : index
    %get3A_12 = arith.constant 1 : index
    %get3A_13 = arith.constant 0 : index
    %get3A_14 = arith.constant 0 : index
    %get3A_15 = vector.load %arg2[%get3A_11, %get3A_12, %get3A_13, %get3A_14] : memref<1x2x128x128xf32, #tpu.memory_space<vmem>>, vector<1x1x128x128xf32>
    %get3A_16 = vector.shape_cast %get3A_15 : vector<1x1x128x128xf32> to vector<128x128xf32>
    %broadcast_in_dim3A = vector.shape_cast %get3A_10 : vector<128x128xf32> to vector<1x128x128xf32>
    %mul3A = vector.broadcast %broadcast_in_dim3A : vector<1x128x128xf32> to vector<64x128x128xf32>
    %mul3A_17 = arith.mulf %get3A_4, %mul3A : vector<64x128x128xf32>
    %reduce_sum3A = arith.constant dense<0.000000e+00> : vector<64x128xf32>
    %reduce_sum3A_18 = vector.multi_reduction <add>, %mul3A_17, %reduce_sum3A [1] : vector<64x128x128xf32> to vector<64x128xf32>
    %broadcast_in_dim3A_19 = vector.shape_cast %get3A_16 : vector<128x128xf32> to vector<1x128x128xf32>
    %mul3A_20 = vector.broadcast %broadcast_in_dim3A_19 : vector<1x128x128xf32> to vector<64x128x128xf32>
    %mul3A_21 = arith.mulf %get3A_4, %mul3A_20 : vector<64x128x128xf32>
    %reduce_sum3A_22 = arith.constant dense<0.000000e+00> : vector<64x128xf32>
    %reduce_sum3A_23 = vector.multi_reduction <add>, %mul3A_21, %reduce_sum3A_22 [1] : vector<64x128x128xf32> to vector<64x128xf32>
    %reduce_sum3A_24 = arith.constant dense<0.000000e+00> : vector<64x128xf32>
    %reduce_sum3A_25 = vector.multi_reduction <add>, %get3A_4, %reduce_sum3A_24 [1] : vector<64x128x128xf32> to vector<64x128xf32>
    %reduce_sum3A_26 = arith.constant dense<0.000000e+00> : vector<64xf32>
    %reduce_sum3A_27 = vector.multi_reduction <add>, %reduce_sum3A_18, %reduce_sum3A_26 [1] : vector<64x128xf32> to vector<64xf32>
    %reduce_sum3A_28 = arith.constant dense<0.000000e+00> : vector<64xf32>
    %reduce_sum3A_29 = vector.multi_reduction <add>, %reduce_sum3A_23, %reduce_sum3A_28 [1] : vector<64x128xf32> to vector<64xf32>
    %reduce_sum3A_30 = arith.constant dense<0.000000e+00> : vector<64xf32>
    %reduce_sum3A_31 = vector.multi_reduction <add>, %reduce_sum3A_25, %reduce_sum3A_30 [1] : vector<64x128xf32> to vector<64xf32>
    %swap3A = arith.constant 0 : index
    %swap3A_32 = arith.constant 0 : index
    %swap3A_33 = arith.constant 0 : index
    %swap3A_34 = vector.load %arg3[%swap3A, %swap3A_32, %swap3A_33] : memref<1x2x64xf32, #tpu.memory_space<vmem>>, vector<1x1x64xf32>
    %swap3A_35 = vector.shape_cast %swap3A_34 : vector<1x1x64xf32> to vector<64xf32>
    %swap3A_36 = vector.shape_cast %reduce_sum3A_27 : vector<64xf32> to vector<1x1x64xf32>
    tpu.vector_store %arg3[%swap3A, %swap3A_32, %swap3A_33], %swap3A_36 {strides = array<i32>} : memref<1x2x64xf32, #tpu.memory_space<vmem>>, vector<1x1x64xf32>,
    %swap3A_37 = arith.constant 0 : index
    %swap3A_38 = arith.constant 1 : index
    %swap3A_39 = arith.constant 0 : index
    %swap3A_40 = vector.load %arg3[%swap3A_37, %swap3A_38, %swap3A_39] : memref<1x2x64xf32, #tpu.memory_space<vmem>>, vector<1x1x64xf32>
    %swap3A_41 = vector.shape_cast %swap3A_40 : vector<1x1x64xf32> to vector<64xf32>
    %swap3A_42 = vector.shape_cast %reduce_sum3A_29 : vector<64xf32> to vector<1x1x64xf32>
    tpu.vector_store %arg3[%swap3A_37, %swap3A_38, %swap3A_39], %swap3A_42 {strides = array<i32>} : memref<1x2x64xf32, #tpu.memory_space<vmem>>, vector<1x1x64xf32>,
    %sub3A = arith.subf %reduce_sum3A_31, %reduce_sum3A_27 : vector<64xf32>
    %swap3A_43 = arith.constant 0 : index
    %swap3A_44 = arith.constant 0 : index
    %swap3A_45 = arith.constant 0 : index
    %swap3A_46 = vector.load %arg4[%swap3A_43, %swap3A_44, %swap3A_45] : memref<1x2x64xf32, #tpu.memory_space<vmem>>, vector<1x1x64xf32>
    %swap3A_47 = vector.shape_cast %swap3A_46 : vector<1x1x64xf32> to vector<64xf32>
    %swap3A_48 = vector.shape_cast %sub3A : vector<64xf32> to vector<1x1x64xf32>
    tpu.vector_store %arg4[%swap3A_43, %swap3A_44, %swap3A_45], %swap3A_48 {strides = array<i32>} : memref<1x2x64xf32, #tpu.memory_space<vmem>>, vector<1x1x64xf32>,
    %sub3A_49 = arith.subf %reduce_sum3A_31, %reduce_sum3A_29 : vector<64xf32>
    %swap3A_50 = arith.constant 0 : index
    %swap3A_51 = arith.constant 1 : index
    %swap3A_52 = arith.constant 0 : index
    %swap3A_53 = vector.load %arg4[%swap3A_50, %swap3A_51, %swap3A_52] : memref<1x2x64xf32, #tpu.memory_space<vmem>>, vector<1x1x64xf32>
    %swap3A_54 = vector.shape_cast %swap3A_53 : vector<1x1x64xf32> to vector<64xf32>
    %swap3A_55 = vector.shape_cast %sub3A_49 : vector<64xf32> to vector<1x1x64xf32>
    tpu.vector_store %arg4[%swap3A_50, %swap3A_51, %swap3A_52], %swap3A_55 {strides = array<i32>} : memref<1x2x64xf32, #tpu.memory_space<vmem>>, vector<1x1x64xf32>,
    %reduce_sum3A_56 = vector.shape_cast %get3A_10 : vector<128x128xf32> to vector<1x128x128xf32>
    %reduce_sum3A_57 = arith.constant dense<0.000000e+00> : vector<1xf32>
    %reduce_sum3A_58 = vector.multi_reduction <add>, %reduce_sum3A_56, %reduce_sum3A_57 [1, 2] : vector<1x128x128xf32> to vector<1xf32>
    %reduce_sum3A_59 = vector.shape_cast %reduce_sum3A_58 : vector<1xf32> to vector<1x1x1xf32>
    %reduce_sum3A_60 = vector.extract %reduce_sum3A_59[0, 0, 0] : f32 from vector<1x1x1xf32>
    %broadcast_in_dim3A_61 = vector.broadcast %reduce_sum3A_60 : f32 to vector<64xf32>
    %swap3A_62 = arith.constant 0 : index
    %swap3A_63 = arith.constant 0 : index
    %swap3A_64 = arith.constant 0 : index
    %swap3A_65 = vector.load %arg5[%swap3A_62, %swap3A_63, %swap3A_64] : memref<1x2x64xf32, #tpu.memory_space<vmem>>, vector<1x1x64xf32>
    %swap3A_66 = vector.shape_cast %swap3A_65 : vector<1x1x64xf32> to vector<64xf32>
    %swap3A_67 = vector.shape_cast %broadcast_in_dim3A_61 : vector<64xf32> to vector<1x1x64xf32>
    tpu.vector_store %arg5[%swap3A_62, %swap3A_63, %swap3A_64], %swap3A_67 {strides = array<i32>} : memref<1x2x64xf32, #tpu.memory_space<vmem>>, vector<1x1x64xf32>,
    %reduce_sum3A_68 = vector.shape_cast %get3A_16 : vector<128x128xf32> to vector<1x128x128xf32>
    %reduce_sum3A_69 = arith.constant dense<0.000000e+00> : vector<1xf32>
    %reduce_sum3A_70 = vector.multi_reduction <add>, %reduce_sum3A_68, %reduce_sum3A_69 [1, 2] : vector<1x128x128xf32> to vector<1xf32>
    %reduce_sum3A_71 = vector.shape_cast %reduce_sum3A_70 : vector<1xf32> to vector<1x1x1xf32>
    %reduce_sum3A_72 = vector.extract %reduce_sum3A_71[0, 0, 0] : f32 from vector<1x1x1xf32>
    %broadcast_in_dim3A_73 = vector.broadcast %reduce_sum3A_72 : f32 to vector<64xf32>
    %swap3A_74 = arith.constant 0 : index
    %swap3A_75 = arith.constant 1 : index
    %swap3A_76 = arith.constant 0 : index
    %swap3A_77 = vector.load %arg5[%swap3A_74, %swap3A_75, %swap3A_76] : memref<1x2x64xf32, #tpu.memory_space<vmem>>, vector<1x1x64xf32>
    %swap3A_78 = vector.shape_cast %swap3A_77 : vector<1x1x64xf32> to vector<64xf32>
    %swap3A_79 = vector.shape_cast %broadcast_in_dim3A_73 : vector<64xf32> to vector<1x1x64xf32>
    tpu.vector_store %arg5[%swap3A_74, %swap3A_75, %swap3A_76], %swap3A_79 {strides = array<i32>} : memref<1x2x64xf32, #tpu.memory_space<vmem>>, vector<1x1x64xf32>,
    return
  }
  func.func @transform_0(%arg0: i32) -> (i32, i32, i32, i32) {
    %c0_i32 = arith.constant 0 : i32
    %c0_i32_0 = arith.constant 0 : i32
    %c0_i32_1 = arith.constant 0 : i32
    %c0_i32_2 = arith.constant 0 : i32
    return %arg0, %c0_i32, %c0_i32_0, %c0_i32_1 : i32, i32, i32, i32
  }
  func.func @transform_1(%arg0: i32) -> (i32, i32, i32, i32) {
    %c0_i32 = arith.constant 0 : i32
    %c0_i32_0 = arith.constant 0 : i32
    %c0_i32_1 = arith.constant 0 : i32
    %c0_i32_2 = arith.constant 0 : i32
    return %arg0, %c0_i32, %c0_i32_0, %c0_i32_1 : i32, i32, i32, i32
  }
  func.func @transform_2(%arg0: i32) -> (i32, i32, i32) {
    %c0_i32 = arith.constant 0 : i32
    %c0_i32_0 = arith.constant 0 : i32
    %c0_i32_1 = arith.constant 0 : i32
    return %arg0, %c0_i32, %c0_i32_0 : i32, i32, i32
  }
  func.func @transform_3(%arg0: i32) -> (i32, i32, i32) {
    %c0_i32 = arith.constant 0 : i32
    %c0_i32_0 = arith.constant 0 : i32
    %c0_i32_1 = arith.constant 0 : i32
    return %arg0, %c0_i32, %c0_i32_0 : i32, i32, i32
  }
  func.func @transform_4(%arg0: i32) -> (i32, i32, i32) {
    %c0_i32 = arith.constant 0 : i32
    %c0_i32_0 = arith.constant 0 : i32
    %c0_i32_1 = arith.constant 0 : i32
    return %arg0, %c0_i32, %c0_i32_0 : i32, i32, i32
  }
}

module attributes {stable_mosaic.version = 14 : i64} {
  func.func @_finale_mix_body(%arg0: memref<96x64xf32, #tpu.memory_space<vmem>>, %arg1: memref<96x64xf32, #tpu.memory_space<vmem>>, %arg2: memref<96x1xf32, #tpu.memory_space<vmem>>, %arg3: memref<1x96xf32, #tpu.memory_space<vmem>>, %arg4: memref<32x1024xf32, #tpu.memory_space<vmem>>, %arg5: memref<32x1024xf32, #tpu.memory_space<vmem>>, %arg6: memref<32x16xf32, #tpu.memory_space<vmem>>, %arg7: memref<16x32xf32, #tpu.memory_space<vmem>>, %arg8: memref<128x1xi32, #tpu.memory_space<vmem>>, %arg9: memref<1x128xi32, #tpu.memory_space<vmem>>, %arg10: memref<128x32xi32, #tpu.memory_space<vmem>>, %arg11: memref<1x1xf32, #tpu.memory_space<vmem>>) attributes {dimension_semantics = [], scalar_prefetch = 0 : i64, scratch_operands = 0 : i64, tpu.core_type = #tpu.core_type<tc>} {
    %iota3A = tpu.iota {dimensions = array<i32: 0>} : vector<1024x64xi32>
    %iota3A_0 = tpu.iota {dimensions = array<i32: 1>} : vector<1024x64xi32>
    %shift_right_arithmetic3A = arith.constant 4 : i32
    %shift_right_arithmetic3A_1 = vector.broadcast %shift_right_arithmetic3A : i32 to vector<1024x64xi32>
    %shift_right_arithmetic3A_2 = arith.shrsi %iota3A, %shift_right_arithmetic3A_1 : vector<1024x64xi32>
    %eq3A = arith.cmpi eq, %shift_right_arithmetic3A_2, %iota3A_0 : vector<1024x64xi32>
    %convert_element_type3A = arith.extui %eq3A : vector<1024x64xi1> to vector<1024x64xi32>
    %convert_element_type3A_3 = arith.sitofp %convert_element_type3A : vector<1024x64xi32> to vector<1024x64xf32>
    %get3A = arith.constant 0 : index
    %get3A_4 = arith.constant 0 : index
    %get3A_5 = vector.load %arg4[%get3A, %get3A_4] : memref<32x1024xf32, #tpu.memory_space<vmem>>, vector<32x1024xf32>
    %dot_general3A = arith.constant dense<0.000000e+00> : vector<32x64xf32>
    %dot_general3A_6 = tpu.matmul %get3A_5, %convert_element_type3A_3, %dot_general3A {dimension_numbers = #tpu.dot_dimension_numbers<[1], [0], [0], [1], [0, 0, 1, 1], [], []>, transpose_lhs_hint = false} : vector<32x1024xf32>, vector<1024x64xf32>, vector<32x64xf32> -> vector<32x64xf32>
    %get3A_7 = arith.constant 0 : index
    %get3A_8 = arith.constant 0 : index
    %get3A_9 = vector.load %arg5[%get3A_7, %get3A_8] : memref<32x1024xf32, #tpu.memory_space<vmem>>, vector<32x1024xf32>
    %dot_general3A_10 = arith.constant dense<0.000000e+00> : vector<32x64xf32>
    %dot_general3A_11 = tpu.matmul %get3A_9, %convert_element_type3A_3, %dot_general3A_10 {dimension_numbers = #tpu.dot_dimension_numbers<[1], [0], [0], [1], [0, 0, 1, 1], [], []>, transpose_lhs_hint = false} : vector<32x1024xf32>, vector<1024x64xf32>, vector<32x64xf32> -> vector<32x64xf32>
    %get3A_12 = arith.constant 0 : index
    %get3A_13 = arith.constant 0 : index
    %get3A_14 = vector.load %arg0[%get3A_12, %get3A_13] : memref<96x64xf32, #tpu.memory_space<vmem>>, vector<96x64xf32>
    %concatenate3A = tpu.concatenate %get3A_14, %dot_general3A_6 in 0 : vector<96x64xf32>, vector<32x64xf32> -> vector<128x64xf32>
    %get3A_15 = arith.constant 0 : index
    %get3A_16 = arith.constant 0 : index
    %get3A_17 = vector.load %arg1[%get3A_15, %get3A_16] : memref<96x64xf32, #tpu.memory_space<vmem>>, vector<96x64xf32>
    %concatenate3A_18 = tpu.concatenate %get3A_17, %dot_general3A_11 in 0 : vector<96x64xf32>, vector<32x64xf32> -> vector<128x64xf32>
    %get3A_19 = arith.constant 0 : index
    %get3A_20 = arith.constant 0 : index
    %get3A_21 = vector.load %arg2[%get3A_19, %get3A_20] : memref<96x1xf32, #tpu.memory_space<vmem>>, vector<96x1xf32>
    %get3A_22 = arith.constant 0 : index
    %get3A_23 = arith.constant 0 : index
    %get3A_24 = vector.load %arg6[%get3A_22, %get3A_23] : memref<32x16xf32, #tpu.memory_space<vmem>>, vector<32x16xf32>
    %reduce_sum3A = arith.constant dense<0.000000e+00> : vector<32xf32>
    %reduce_sum3A_25 = vector.multi_reduction <add>, %get3A_24, %reduce_sum3A [1] : vector<32x16xf32> to vector<32xf32>
    %broadcast_in_dim3A = vector.shape_cast %reduce_sum3A_25 : vector<32xf32> to vector<32x1xf32>
    %concatenate3A_26 = tpu.concatenate %get3A_21, %broadcast_in_dim3A in 0 : vector<96x1xf32>, vector<32x1xf32> -> vector<128x1xf32>
    %get3A_27 = arith.constant 0 : index
    %get3A_28 = arith.constant 0 : index
    %get3A_29 = vector.load %arg3[%get3A_27, %get3A_28] : memref<1x96xf32, #tpu.memory_space<vmem>>, vector<1x96xf32>
    %get3A_30 = arith.constant 0 : index
    %get3A_31 = arith.constant 0 : index
    %get3A_32 = vector.load %arg7[%get3A_30, %get3A_31] : memref<16x32xf32, #tpu.memory_space<vmem>>, vector<16x32xf32>
    %reduce_sum3A_33 = arith.constant dense<0.000000e+00> : vector<32xf32>
    %reduce_sum3A_34 = vector.multi_reduction <add>, %get3A_32, %reduce_sum3A_33 [0] : vector<16x32xf32> to vector<32xf32>
    %broadcast_in_dim3A_35 = vector.shape_cast %reduce_sum3A_34 : vector<32xf32> to vector<1x32xf32>
    %concatenate3A_36 = tpu.concatenate %get3A_29, %broadcast_in_dim3A_35 in 1 : vector<1x96xf32>, vector<1x32xf32> -> vector<1x128xf32>
    %get3A_37 = arith.constant 0 : index
    %get3A_38 = arith.constant 0 : index
    %get3A_39 = vector.load %arg8[%get3A_37, %get3A_38] : memref<128x1xi32, #tpu.memory_space<vmem>>, vector<128x1xi32>
    %get3A_40 = arith.constant 0 : index
    %get3A_41 = arith.constant 0 : index
    %get3A_42 = vector.load %arg9[%get3A_40, %get3A_41] : memref<1x128xi32, #tpu.memory_space<vmem>>, vector<1x128xi32>
    %get3A_43 = arith.constant 0 : index
    %get3A_44 = arith.constant 0 : index
    %get3A_45 = vector.load %arg10[%get3A_43, %get3A_44] : memref<128x32xi32, #tpu.memory_space<vmem>>, vector<128x32xi32>
    %max3A = arith.constant 1.000000e+00 : f32
    %max3A_46 = vector.broadcast %max3A : f32 to vector<128x1xf32>
    %max3A_47 = arith.maximumf %concatenate3A_26, %max3A_46 : vector<128x1xf32>
    %div3A = vector.broadcast %max3A_47 : vector<128x1xf32> to vector<128x64xf32>
    %div3A_48 = arith.divf %concatenate3A, %div3A : vector<128x64xf32>
    %mul3A = arith.mulf %div3A_48, %div3A_48 : vector<128x64xf32>
    %reduce_sum3A_49 = arith.constant dense<0.000000e+00> : vector<128xf32>
    %reduce_sum3A_50 = vector.multi_reduction <add>, %mul3A, %reduce_sum3A_49 [1] : vector<128x64xf32> to vector<128xf32>
    %broadcast_in_dim3A_51 = vector.shape_cast %reduce_sum3A_50 : vector<128xf32> to vector<128x1xf32>
    %sqrt3A = math.sqrt %broadcast_in_dim3A_51 : vector<128x1xf32>
    %max3A_52 = arith.constant 9.99999996E-13 : f32
    %max3A_53 = vector.broadcast %max3A_52 : f32 to vector<128x1xf32>
    %max3A_54 = arith.maximumf %sqrt3A, %max3A_53 : vector<128x1xf32>
    %div3A_55 = vector.broadcast %max3A_54 : vector<128x1xf32> to vector<128x64xf32>
    %div3A_56 = arith.divf %div3A_48, %div3A_55 : vector<128x64xf32>
    %sub3A = arith.constant 1.638400e+04 : f32
    %sub3A_57 = vector.broadcast %sub3A : f32 to vector<128x1xf32>
    %sub3A_58 = arith.subf %sub3A_57, %concatenate3A_26 : vector<128x1xf32>
    %max3A_59 = arith.constant 1.000000e+00 : f32
    %max3A_60 = vector.broadcast %max3A_59 : f32 to vector<128x1xf32>
    %max3A_61 = arith.maximumf %sub3A_58, %max3A_60 : vector<128x1xf32>
    %div3A_62 = vector.broadcast %max3A_61 : vector<128x1xf32> to vector<128x64xf32>
    %div3A_63 = arith.divf %concatenate3A_18, %div3A_62 : vector<128x64xf32>
    %mul3A_64 = arith.mulf %div3A_63, %div3A_63 : vector<128x64xf32>
    %reduce_sum3A_65 = arith.constant dense<0.000000e+00> : vector<128xf32>
    %reduce_sum3A_66 = vector.multi_reduction <add>, %mul3A_64, %reduce_sum3A_65 [1] : vector<128x64xf32> to vector<128xf32>
    %broadcast_in_dim3A_67 = vector.shape_cast %reduce_sum3A_66 : vector<128xf32> to vector<128x1xf32>
    %sqrt3A_68 = math.sqrt %broadcast_in_dim3A_67 : vector<128x1xf32>
    %max3A_69 = arith.constant 9.99999996E-13 : f32
    %max3A_70 = vector.broadcast %max3A_69 : f32 to vector<128x1xf32>
    %max3A_71 = arith.maximumf %sqrt3A_68, %max3A_70 : vector<128x1xf32>
    %div3A_72 = vector.broadcast %max3A_71 : vector<128x1xf32> to vector<128x64xf32>
    %div3A_73 = arith.divf %div3A_63, %div3A_72 : vector<128x64xf32>
    %dot_general3A_74 = arith.constant dense<0.000000e+00> : vector<128x128xf32>
    %dot_general3A_75 = tpu.matmul %div3A_56, %div3A_56, %dot_general3A_74 {dimension_numbers = #tpu.dot_dimension_numbers<[1], [1], [0], [0], [0, 0, 1, 0], [], []>, transpose_lhs_hint = false} : vector<128x64xf32>, vector<128x64xf32>, vector<128x128xf32> -> vector<128x128xf32>
    %dot_general3A_76 = arith.constant dense<0.000000e+00> : vector<128x128xf32>
    %dot_general3A_77 = tpu.matmul %div3A_56, %div3A_73, %dot_general3A_76 {dimension_numbers = #tpu.dot_dimension_numbers<[1], [1], [0], [0], [0, 0, 1, 0], [], []>, transpose_lhs_hint = false} : vector<128x64xf32>, vector<128x64xf32>, vector<128x128xf32> -> vector<128x128xf32>
    %iota3A_78 = tpu.iota {dimensions = array<i32: 0>} : vector<128x128xi32>
    %iota3A_79 = tpu.iota {dimensions = array<i32: 1>} : vector<128x128xi32>
    %le3A = arith.cmpi sle, %iota3A_78, %iota3A_79 : vector<128x128xi32>
    %convert_element_type3A_80 = arith.extui %le3A : vector<128x128xi1> to vector<128x128xi32>
    %convert_element_type3A_81 = arith.sitofp %convert_element_type3A_80 : vector<128x128xi32> to vector<128x128xf32>
    %ne3A = vector.broadcast %get3A_39 : vector<128x1xi32> to vector<128x128xi32>
    %ne3A_82 = vector.broadcast %get3A_42 : vector<1x128xi32> to vector<128x128xi32>
    %ne3A_83 = arith.cmpi ne, %ne3A, %ne3A_82 : vector<128x128xi32>
    %ne3A_84 = arith.constant 0.000000e+00 : f32
    %ne3A_85 = vector.broadcast %ne3A_84 : f32 to vector<1x128xf32>
    %ne3A_86 = arith.cmpf one, %concatenate3A_36, %ne3A_85 : vector<1x128xf32>
    %and3A = vector.broadcast %ne3A_86 : vector<1x128xi1> to vector<128x128xi1>
    %and3A_87 = arith.andi %ne3A_83, %and3A : vector<128x128xi1>
    %convert_element_type3A_88 = arith.extui %and3A_87 : vector<128x128xi1> to vector<128x128xi32>
    %convert_element_type3A_89 = arith.sitofp %convert_element_type3A_88 : vector<128x128xi32> to vector<128x128xf32>
    %dot_general3A_90 = arith.constant dense<0.000000e+00> : vector<128x128xf32>
    %dot_general3A_91 = tpu.matmul %convert_element_type3A_89, %convert_element_type3A_81, %dot_general3A_90 {dimension_numbers = #tpu.dot_dimension_numbers<[1], [0], [0], [1], [0, 0, 1, 1], [], []>, transpose_lhs_hint = false} : vector<128x128xf32>, vector<128x128xf32>, vector<128x128xf32> -> vector<128x128xf32>
    %slice3A = vector.extract_strided_slice %dot_general3A_91 {offsets = [0, 127], sizes = [128, 1], strides = [1, 1]} : vector<128x128xf32> to vector<128x1xf32>
    %convert_element_type3A_92 = arith.sitofp %iota3A_79 : vector<128x128xi32> to vector<128x128xf32>
    %sub3A_93 = arith.constant 1.000000e+00 : f32
    %sub3A_94 = vector.broadcast %sub3A_93 : f32 to vector<128x128xf32>
    %sub3A_95 = arith.subf %dot_general3A_91, %sub3A_94 : vector<128x128xf32>
    %add3A = vector.broadcast %slice3A : vector<128x1xf32> to vector<128x128xf32>
    %add3A_96 = arith.addf %add3A, %convert_element_type3A_92 : vector<128x128xf32>
    %sub3A_97 = arith.subf %add3A_96, %dot_general3A_91 : vector<128x128xf32>
    %select_n3A = arith.select %and3A_87, %sub3A_95, %sub3A_97 : vector<128x128xi1>, vector<128x128xf32>
    %eq3A_98 = vector.broadcast %get3A_39 : vector<128x1xi32> to vector<128x128xi32>
    %eq3A_99 = vector.broadcast %get3A_42 : vector<1x128xi32> to vector<128x128xi32>
    %eq3A_100 = arith.cmpi eq, %eq3A_98, %eq3A_99 : vector<128x128xi32>
    %ne3A_101 = vector.broadcast %get3A_39 : vector<128x1xi32> to vector<128x128xi32>
    %ne3A_102 = arith.cmpi ne, %iota3A_79, %ne3A_101 : vector<128x128xi32>
    %and3A_103 = arith.andi %eq3A_100, %ne3A_102 : vector<128x128xi1>
    %convert_element_type3A_104 = arith.extui %and3A_103 : vector<128x128xi1> to vector<128x128xi32>
    %convert_element_type3A_105 = arith.sitofp %convert_element_type3A_104 : vector<128x128xi32> to vector<128x128xf32>
    %dot_general3A_106 = arith.constant dense<0.000000e+00> : vector<128x128xf32>
    %dot_general3A_107 = tpu.matmul %convert_element_type3A_105, %convert_element_type3A_81, %dot_general3A_106 {dimension_numbers = #tpu.dot_dimension_numbers<[1], [0], [0], [1], [0, 0, 1, 1], [], []>, transpose_lhs_hint = false} : vector<128x128xf32>, vector<128x128xf32>, vector<128x128xf32> -> vector<128x128xf32>
    %eq3A_108 = arith.constant 1.000000e+00 : f32
    %eq3A_109 = vector.broadcast %eq3A_108 : f32 to vector<128x128xf32>
    %eq3A_110 = arith.cmpf oeq, %dot_general3A_107, %eq3A_109 : vector<128x128xf32>
    %convert_element_type3A_111 = arith.extui %eq3A_110 : vector<128x128xi1> to vector<128x128xi32>
    %convert_element_type3A_112 = arith.sitofp %convert_element_type3A_111 : vector<128x128xi32> to vector<128x128xf32>
    %mul3A_113 = arith.mulf %convert_element_type3A_105, %convert_element_type3A_112 : vector<128x128xf32>
    %slice3A_114 = vector.extract_strided_slice %dot_general3A_107 {offsets = [0, 127], sizes = [128, 1], strides = [1, 1]} : vector<128x128xf32> to vector<128x1xf32>
    %gt3A = arith.constant 0.000000e+00 : f32
    %gt3A_115 = vector.broadcast %gt3A : f32 to vector<128x1xf32>
    %gt3A_116 = arith.cmpf ogt, %slice3A_114, %gt3A_115 : vector<128x1xf32>
    %eq3A_117 = arith.constant 0 : i32
    %eq3A_118 = vector.broadcast %eq3A_117 : i32 to vector<128x128xi32>
    %eq3A_119 = arith.cmpi eq, %iota3A_79, %eq3A_118 : vector<128x128xi32>
    %convert_element_type3A_120 = arith.extui %eq3A_119 : vector<128x128xi1> to vector<128x128xi32>
    %convert_element_type3A_121 = arith.sitofp %convert_element_type3A_120 : vector<128x128xi32> to vector<128x128xf32>
    %broadcast_in_dim3A_122 = vector.shape_cast %gt3A_116 : vector<128x1xi1> to vector<128x1xi1>
    %broadcast_in_dim3A_123 = vector.broadcast %broadcast_in_dim3A_122 : vector<128x1xi1> to vector<128x128xi1>
    %select_n3A_124 = arith.select %broadcast_in_dim3A_123, %mul3A_113, %convert_element_type3A_121 : vector<128x128xi1>, vector<128x128xf32>
    %mul3A_125 = arith.mulf %select_n3A_124, %dot_general3A_75 : vector<128x128xf32>
    %reduce_sum3A_126 = arith.constant dense<0.000000e+00> : vector<128xf32>
    %reduce_sum3A_127 = vector.multi_reduction <add>, %mul3A_125, %reduce_sum3A_126 [1] : vector<128x128xf32> to vector<128xf32>
    %broadcast_in_dim3A_128 = vector.shape_cast %reduce_sum3A_127 : vector<128xf32> to vector<128x1xf32>
    %iota3A_129 = tpu.iota {dimensions = array<i32: 0>} : vector<32x4096xi32>
    %iota3A_130 = tpu.iota {dimensions = array<i32: 1>} : vector<32x4096xi32>
    %jit3A = arith.constant 128 : i32
    %div3A_131 = vector.broadcast %jit3A : i32 to vector<32x4096xi32>
    %div3A_132 = arith.divsi %iota3A_130, %div3A_131 : vector<32x4096xi32>
    %sign3A = arith.constant 0 : i32
    %sign3A_133 = vector.broadcast %sign3A : i32 to vector<32x4096xi32>
    %sign3A_134 = arith.cmpi sgt, %iota3A_130, %sign3A_133 : vector<32x4096xi32>
    %sign3A_135 = arith.extui %sign3A_134 : vector<32x4096xi1> to vector<32x4096xi32>
    %sign3A_136 = arith.constant 0 : i32
    %sign3A_137 = vector.broadcast %sign3A_136 : i32 to vector<32x4096xi32>
    %sign3A_138 = arith.cmpi slt, %iota3A_130, %sign3A_137 : vector<32x4096xi32>
    %sign3A_139 = arith.extui %sign3A_138 : vector<32x4096xi1> to vector<32x4096xi32>
    %sign3A_140 = arith.subi %sign3A_135, %sign3A_139 : vector<32x4096xi32>
    %sign3A_141 = arith.constant 0 : i32
    %sign3A_142 = arith.cmpi sgt, %jit3A, %sign3A_141 : i32
    %sign3A_143 = arith.extui %sign3A_142 : i1 to i32
    %sign3A_144 = arith.constant 0 : i32
    %sign3A_145 = arith.cmpi slt, %jit3A, %sign3A_144 : i32
    %sign3A_146 = arith.extui %sign3A_145 : i1 to i32
    %sign3A_147 = arith.subi %sign3A_143, %sign3A_146 : i32
    %ne3A_148 = vector.broadcast %sign3A_147 : i32 to vector<32x4096xi32>
    %ne3A_149 = arith.cmpi ne, %sign3A_140, %ne3A_148 : vector<32x4096xi32>
    %rem3A = vector.broadcast %jit3A : i32 to vector<32x4096xi32>
    %rem3A_150 = arith.remsi %iota3A_130, %rem3A : vector<32x4096xi32>
    %ne3A_151 = arith.constant 0 : i32
    %ne3A_152 = vector.broadcast %ne3A_151 : i32 to vector<32x4096xi32>
    %ne3A_153 = arith.cmpi ne, %rem3A_150, %ne3A_152 : vector<32x4096xi32>
    %and3A_154 = arith.andi %ne3A_149, %ne3A_153 : vector<32x4096xi1>
    %sub3A_155 = arith.constant 1 : i32
    %sub3A_156 = vector.broadcast %sub3A_155 : i32 to vector<32x4096xi32>
    %sub3A_157 = arith.subi %div3A_132, %sub3A_156 : vector<32x4096xi32>
    %select_n3A_158 = arith.select %and3A_154, %sub3A_157, %div3A_132 : vector<32x4096xi1>, vector<32x4096xi32>
    %eq3A_159 = arith.cmpi eq, %iota3A_129, %select_n3A_158 : vector<32x4096xi32>
    %convert_element_type3A_160 = arith.extui %eq3A_159 : vector<32x4096xi1> to vector<32x4096xi32>
    %convert_element_type3A_161 = arith.sitofp %convert_element_type3A_160 : vector<32x4096xi32> to vector<32x4096xf32>
    %iota3A_162 = tpu.iota {dimensions = array<i32: 0>} : vector<128x4096xi32>
    %iota3A_163 = tpu.iota {dimensions = array<i32: 1>} : vector<128x4096xi32>
    %jit3A_164 = arith.constant 128 : i32
    %eq3A_165 = arith.constant 0 : i32
    %eq3A_166 = arith.cmpi eq, %jit3A_164, %eq3A_165 : i32
    %jit3A_167 = arith.constant 1 : i32
    %select_n3A_168 = arith.select %eq3A_166, %jit3A_167, %jit3A_164 : i32
    %rem3A_169 = vector.broadcast %select_n3A_168 : i32 to vector<128x4096xi32>
    %rem3A_170 = arith.remsi %iota3A_163, %rem3A_169 : vector<128x4096xi32>
    %ne3A_171 = arith.constant 0 : i32
    %ne3A_172 = vector.broadcast %ne3A_171 : i32 to vector<128x4096xi32>
    %ne3A_173 = arith.cmpi ne, %rem3A_170, %ne3A_172 : vector<128x4096xi32>
    %lt3A = arith.constant 0 : i32
    %lt3A_174 = vector.broadcast %lt3A : i32 to vector<128x4096xi32>
    %lt3A_175 = arith.cmpi slt, %rem3A_170, %lt3A_174 : vector<128x4096xi32>
    %lt3A_176 = arith.constant 0 : i32
    %lt3A_177 = arith.cmpi slt, %select_n3A_168, %lt3A_176 : i32
    %ne3A_178 = vector.broadcast %lt3A_177 : i1 to vector<128x4096xi1>
    %ne3A_179 = vector.broadcast %ne3A_178 : vector<128x4096xi1> to vector<128x4096xi1>
    %ne3A_180 = arith.xori %lt3A_175, %ne3A_179 : vector<128x4096xi1>
    %and3A_181 = arith.andi %ne3A_180, %ne3A_173 : vector<128x4096xi1>
    %add3A_182 = vector.broadcast %select_n3A_168 : i32 to vector<128x4096xi32>
    %add3A_183 = arith.addi %rem3A_170, %add3A_182 : vector<128x4096xi32>
    %select_n3A_184 = arith.select %and3A_181, %add3A_183, %rem3A_170 : vector<128x4096xi1>, vector<128x4096xi32>
    %eq3A_185 = arith.cmpi eq, %iota3A_162, %select_n3A_184 : vector<128x4096xi32>
    %convert_element_type3A_186 = arith.extui %eq3A_185 : vector<128x4096xi1> to vector<128x4096xi32>
    %convert_element_type3A_187 = arith.sitofp %convert_element_type3A_186 : vector<128x4096xi32> to vector<128x4096xf32>
    %convert_element_type3A_188 = arith.sitofp %get3A_45 : vector<128x32xi32> to vector<128x32xf32>
    %lt3A_189 = vector.broadcast %slice3A : vector<128x1xf32> to vector<128x32xf32>
    %lt3A_190 = arith.cmpf olt, %convert_element_type3A_188, %lt3A_189 : vector<128x32xf32>
    %convert_element_type3A_191 = arith.extui %lt3A_190 : vector<128x32xi1> to vector<128x32xi32>
    %convert_element_type3A_192 = arith.sitofp %convert_element_type3A_191 : vector<128x32xi32> to vector<128x32xf32>
    %dot_general3A_193 = arith.constant dense<0.000000e+00> : vector<128x4096xf32>
    %dot_general3A_194 = tpu.matmul %convert_element_type3A_188, %convert_element_type3A_161, %dot_general3A_193 {dimension_numbers = #tpu.dot_dimension_numbers<[1], [0], [0], [1], [0, 0, 1, 1], [], []>, transpose_lhs_hint = false} : vector<128x32xf32>, vector<32x4096xf32>, vector<128x4096xf32> -> vector<128x4096xf32>
    %dot_general3A_195 = arith.constant dense<0.000000e+00> : vector<128x4096xf32>
    %dot_general3A_196 = tpu.matmul %convert_element_type3A_192, %convert_element_type3A_161, %dot_general3A_195 {dimension_numbers = #tpu.dot_dimension_numbers<[1], [0], [0], [1], [0, 0, 1, 1], [], []>, transpose_lhs_hint = false} : vector<128x32xf32>, vector<32x4096xf32>, vector<128x4096xf32> -> vector<128x4096xf32>
    %dot_general3A_197 = arith.constant dense<0.000000e+00> : vector<128x4096xf32>
    %dot_general3A_198 = tpu.matmul %select_n3A, %convert_element_type3A_187, %dot_general3A_197 {dimension_numbers = #tpu.dot_dimension_numbers<[1], [0], [0], [1], [0, 0, 1, 1], [], []>, transpose_lhs_hint = false} : vector<128x128xf32>, vector<128x4096xf32>, vector<128x4096xf32> -> vector<128x4096xf32>
    %dot_general3A_199 = arith.constant dense<0.000000e+00> : vector<128x4096xf32>
    %dot_general3A_200 = tpu.matmul %dot_general3A_75, %convert_element_type3A_187, %dot_general3A_199 {dimension_numbers = #tpu.dot_dimension_numbers<[1], [0], [0], [1], [0, 0, 1, 1], [], []>, transpose_lhs_hint = false} : vector<128x128xf32>, vector<128x4096xf32>, vector<128x4096xf32> -> vector<128x4096xf32>
    %dot_general3A_201 = arith.constant dense<0.000000e+00> : vector<128x4096xf32>
    %dot_general3A_202 = tpu.matmul %dot_general3A_77, %convert_element_type3A_187, %dot_general3A_201 {dimension_numbers = #tpu.dot_dimension_numbers<[1], [0], [0], [1], [0, 0, 1, 1], [], []>, transpose_lhs_hint = false} : vector<128x128xf32>, vector<128x4096xf32>, vector<128x4096xf32> -> vector<128x4096xf32>
    %eq3A_203 = arith.cmpf oeq, %dot_general3A_198, %dot_general3A_194 : vector<128x4096xf32>
    %gt3A_204 = arith.constant 5.000000e-01 : f32
    %gt3A_205 = vector.broadcast %gt3A_204 : f32 to vector<128x4096xf32>
    %gt3A_206 = arith.cmpf ogt, %dot_general3A_196, %gt3A_205 : vector<128x4096xf32>
    %select_n3A_207 = arith.select %gt3A_206, %dot_general3A_200, %dot_general3A_202 : vector<128x4096xi1>, vector<128x4096xf32>
    %jit3A_208 = arith.constant 0.000000e+00 : f32
    %broadcast_in_dim3A_209 = vector.broadcast %jit3A_208 : f32 to vector<128x4096xf32>
    %select_n3A_210 = arith.select %eq3A_203, %select_n3A_207, %broadcast_in_dim3A_209 : vector<128x4096xi1>, vector<128x4096xf32>
    %iota3A_211 = tpu.iota {dimensions = array<i32: 0>} : vector<4096x32xi32>
    %iota3A_212 = tpu.iota {dimensions = array<i32: 1>} : vector<4096x32xi32>
    %jit3A_213 = arith.constant 128 : i32
    %div3A_214 = vector.broadcast %jit3A_213 : i32 to vector<4096x32xi32>
    %div3A_215 = arith.divsi %iota3A_211, %div3A_214 : vector<4096x32xi32>
    %sign3A_216 = arith.constant 0 : i32
    %sign3A_217 = vector.broadcast %sign3A_216 : i32 to vector<4096x32xi32>
    %sign3A_218 = arith.cmpi sgt, %iota3A_211, %sign3A_217 : vector<4096x32xi32>
    %sign3A_219 = arith.extui %sign3A_218 : vector<4096x32xi1> to vector<4096x32xi32>
    %sign3A_220 = arith.constant 0 : i32
    %sign3A_221 = vector.broadcast %sign3A_220 : i32 to vector<4096x32xi32>
    %sign3A_222 = arith.cmpi slt, %iota3A_211, %sign3A_221 : vector<4096x32xi32>
    %sign3A_223 = arith.extui %sign3A_222 : vector<4096x32xi1> to vector<4096x32xi32>
    %sign3A_224 = arith.subi %sign3A_219, %sign3A_223 : vector<4096x32xi32>
    %sign3A_225 = arith.constant 0 : i32
    %sign3A_226 = arith.cmpi sgt, %jit3A_213, %sign3A_225 : i32
    %sign3A_227 = arith.extui %sign3A_226 : i1 to i32
    %sign3A_228 = arith.constant 0 : i32
    %sign3A_229 = arith.cmpi slt, %jit3A_213, %sign3A_228 : i32
    %sign3A_230 = arith.extui %sign3A_229 : i1 to i32
    %sign3A_231 = arith.subi %sign3A_227, %sign3A_230 : i32
    %ne3A_232 = vector.broadcast %sign3A_231 : i32 to vector<4096x32xi32>
    %ne3A_233 = arith.cmpi ne, %sign3A_224, %ne3A_232 : vector<4096x32xi32>
    %rem3A_234 = vector.broadcast %jit3A_213 : i32 to vector<4096x32xi32>
    %rem3A_235 = arith.remsi %iota3A_211, %rem3A_234 : vector<4096x32xi32>
    %ne3A_236 = arith.constant 0 : i32
    %ne3A_237 = vector.broadcast %ne3A_236 : i32 to vector<4096x32xi32>
    %ne3A_238 = arith.cmpi ne, %rem3A_235, %ne3A_237 : vector<4096x32xi32>
    %and3A_239 = arith.andi %ne3A_233, %ne3A_238 : vector<4096x32xi1>
    %sub3A_240 = arith.constant 1 : i32
    %sub3A_241 = vector.broadcast %sub3A_240 : i32 to vector<4096x32xi32>
    %sub3A_242 = arith.subi %div3A_215, %sub3A_241 : vector<4096x32xi32>
    %select_n3A_243 = arith.select %and3A_239, %sub3A_242, %div3A_215 : vector<4096x32xi1>, vector<4096x32xi32>
    %eq3A_244 = arith.cmpi eq, %select_n3A_243, %iota3A_212 : vector<4096x32xi32>
    %convert_element_type3A_245 = arith.extui %eq3A_244 : vector<4096x32xi1> to vector<4096x32xi32>
    %convert_element_type3A_246 = arith.sitofp %convert_element_type3A_245 : vector<4096x32xi32> to vector<4096x32xf32>
    %dot_general3A_247 = arith.constant dense<0.000000e+00> : vector<128x32xf32>
    %dot_general3A_248 = tpu.matmul %select_n3A_210, %convert_element_type3A_246, %dot_general3A_247 {dimension_numbers = #tpu.dot_dimension_numbers<[1], [0], [0], [1], [0, 0, 1, 1], [], []>, transpose_lhs_hint = false} : vector<128x4096xf32>, vector<4096x32xf32>, vector<128x32xf32> -> vector<128x32xf32>
    %div3A_249 = arith.constant 7.000000e-02 : f32
    %div3A_250 = vector.broadcast %div3A_249 : f32 to vector<128x32xf32>
    %div3A_251 = arith.divf %dot_general3A_248, %div3A_250 : vector<128x32xf32>
    %div3A_252 = arith.constant 7.000000e-02 : f32
    %div3A_253 = vector.broadcast %div3A_252 : f32 to vector<128x1xf32>
    %div3A_254 = arith.divf %broadcast_in_dim3A_128, %div3A_253 : vector<128x1xf32>
    %reduce_max3A = arith.constant dense<0xFF800000> : vector<128xf32>
    %reduce_max3A_255 = vector.multi_reduction <maximumf>, %div3A_251, %reduce_max3A [1] : vector<128x32xf32> to vector<128xf32>
    %broadcast_in_dim3A_256 = vector.shape_cast %reduce_max3A_255 : vector<128xf32> to vector<128x1xf32>
    %sub3A_257 = vector.broadcast %broadcast_in_dim3A_256 : vector<128x1xf32> to vector<128x32xf32>
    %sub3A_258 = arith.subf %div3A_251, %sub3A_257 : vector<128x32xf32>
    %exp3A = math.exp %sub3A_258 : vector<128x32xf32>
    %reduce_sum3A_259 = arith.constant dense<0.000000e+00> : vector<128xf32>
    %reduce_sum3A_260 = vector.multi_reduction <add>, %exp3A, %reduce_sum3A_259 [1] : vector<128x32xf32> to vector<128xf32>
    %broadcast_in_dim3A_261 = vector.shape_cast %reduce_sum3A_260 : vector<128xf32> to vector<128x1xf32>
    %log3A = math.log %broadcast_in_dim3A_261 : vector<128x1xf32>
    %sub3A_262 = arith.subf %div3A_254, %broadcast_in_dim3A_256 : vector<128x1xf32>
    %sub3A_263 = arith.subf %log3A, %sub3A_262 : vector<128x1xf32>
    %reduce_sum3A_264 = arith.constant dense<0.000000e+00> : vector<1xf32>
    %reduce_sum3A_265 = vector.multi_reduction <add>, %sub3A_263, %reduce_sum3A_264 [0] : vector<128x1xf32> to vector<1xf32>
    %broadcast_in_dim3A_266 = vector.shape_cast %reduce_sum3A_265 : vector<1xf32> to vector<1x1xf32>
    %div3A_267 = arith.constant 1.280000e+02 : f32
    %div3A_268 = vector.broadcast %div3A_267 : f32 to vector<1x1xf32>
    %div3A_269 = arith.divf %broadcast_in_dim3A_266, %div3A_268 : vector<1x1xf32>
    %swap3A = arith.constant 0 : index
    %swap3A_270 = arith.constant 0 : index
    %swap3A_271 = vector.load %arg11[%swap3A, %swap3A_270] : memref<1x1xf32, #tpu.memory_space<vmem>>, vector<1x1xf32>
    tpu.vector_store %arg11[%swap3A, %swap3A_270], %div3A_269 {strides = array<i32>} : memref<1x1xf32, #tpu.memory_space<vmem>>, vector<1x1xf32>,
    return
  }
}

</mosaic_0001>

<sc_bundles>
// kernel: _run_mix.5.cloned.1.call-start
scs
__scs_entry_jumppad:
0x0: {  	(pc) =	sbr.rel $0x88, $3  }
0x1: {  	(tag) =	ssettag $0x0;
	lr =	simm.s32 $0x1  }
0x2: {  	[smem:$0x3F9D] =	sst lr;
	_ =	strace $0xD0000000  }
0x3: {  	_ = 	snop  }
0x4: {  	_ = 	snop  }
0x5: {  	_ = 	snop  }
0x6: {  	_ = 	snop  }
0x7: {  	_ = 	snop  }
__scs_overlays_trampoline_lowered:
0x8: {  	[smem:$0x3FAC] =	sst s0  }
0x9: {  	[smem:$0x3FAD] =	sst s1  }
0xa: {  	[smem:$0x3FAE] =	sst s2  }
0xb: {  	[smem:$0x3FAF] =	sst s3  }
0xc: {  	[smem:$0x3FB0] =	sst s4  }
0xd: {  	[smem:$0x3FB1] =	sst s5  }
0xe: {  	[smem:$0x3FB2] =	sst s6  }
0xf: {  	[smem:$0x3FB3] =	sst s7  }
0x10: {  	[smem:$0x3FB4] =	sst s8  }
0x11: {  	[smem:$0x3FB5] =	sst s9;
	s0 =	simm.s32 @!p0 $0x0  }
0x12: {  	s1 =	sld [smem:$0x3F9B];
	s0 =	simm.s32 @p0 $0x1  }
0x13: {  	[smem:$0x3FB6] =	sst s0;
	s0 =	simm.s32 @!p1 $0x0  }
0x14: {  	s2 =	sld [smem:$0x3F9A];
	s0 =	simm.s32 @p1 $0x1  }
0x15: {  	[smem:$0x3FB7] =	sst s0;
	s0 =	simm.s32 @!p2 $0x0  }
0x16: {  	s3 =	sld [smem:$0x3FDB];
	s0 =	simm.s32 @p2 $0x1  }
0x17: {  	s4 =	simm.s32 $0x1BF5;
	[smem:$0x3FB9] =	sst s0  }
0x18: {  	s0 =	sld [smem:$0x3F9C];
	_ =	swait.ge [sflag:s4], $0x0  }
0x19: {  	s7 =	sld [smem:$0x3F9D]  }
0x1a: {  	s8 =	sadd.s32 $0xFFFFE003, lr  }
0x1b: {  	s9 =	sadd.s32 $0xFFFFFEF7, lr;
	s5 =	simm.s32 $0xFFFFFFFF;
	p2 =	slt.u32 s8, $0xFFFFF086  }
0x1c: {  	p1 =	slt.u32 s9, $0xF7A;
	s5 =	simm.s32 @!p2 $0x0  }
0x1d: {  	s5 =	simm.s32 @p1 $0x1;
	p0 =	seq.s32 s7, s2  }
0x1e: {  	s7 =	smul.u32 @!p0 $0xF7A, s2;
	p2 =	seq.s32 @!p0 s5, $0x0  }
0x1f: {  	s9 =	smul.u32 $0xF7A, s1;
	s8 =	simm.s32 @!p0 $0x1BF5;
	p2 =	por !p2, p0  }
0x20: {  	[sflag:s8] =	ssyncset.s32 @!p0 $0xFFFFF086;
	s6 =	sadd.s32 @!p0 s3, s7;
	s7 =	simm.s32 @!p0 $0x108  }
0x21: {  	s3 =	sadd.s32 s3, s9;
	s6 =	sadd.s32 @!p0 $0x88, s6;
	s7 =	simm.s32 @p2 $0x1082  }
0x22: {  	[simem:s7], [sflag:s8] =	dma.local @!p0 [hbm:s6], $0xF7A  }
0x23: {  	s9 =	sor.u32 $0xD0000000, s2;
	s6 =	simm.s32 $0x108;
	_ =	swait.ge @!p0 [sflag:s8], $0x0  }
0x24: {  	s3 =	sadd.s32 $0x88, s3;
	s6 =	simm.s32 @!p1 $0x1082;
	[sflag:s4] =	ssyncset.s32 $0xFFFFF086  }
0x25: {  	[simem:s6], [sflag:s4] =	dma.local [hbm:s3], $0xF7A  }
0x26: {  	[smem:$0x3F9D] =	sst s1;
	(tag) =	ssettag s2;
	_ =	strace s9  }
0x27: {  	s1 =	sld [smem:$0x3FAD]  }
0x28: {  	s2 =	sld [smem:$0x3FAE]  }
0x29: {  	s4 =	sld [smem:$0x3FB0]  }
0x2a: {  	p0 =	seq.s32 s5, $0x0;
	s5 =	sld [smem:$0x3FB1]  }
0x2b: {  	s6 =	sld [smem:$0x3FB2]  }
0x2c: {  	s7 =	sld [smem:$0x3FB3]  }
0x2d: {  	s3 =	simm.s32 $0x108;
	s8 =	sld [smem:$0x3FB4]  }
0x2e: {  	s3 =	simm.s32 @!p0 $0x1082;
	s9 =	sld [smem:$0x3FB5]  }
0x2f: {  	lr =	sadd.s32 s0, s3;
	s0 =	sld [smem:$0x3FAC]  }
0x30: {  	s3 =	sld [smem:$0x3FAF]  }
0x31: {  	[smem:$0x3FB8] =	sst s10  }
0x32: {  	s10 =	sld [smem:$0x3FB6];
	_ =	sdelay $0x3  }
0x33: {  	p0 =	seq.s32 s10, $0x1;
	s10 =	sld [smem:$0x3FB8];
	_ =	sdelay $0x3  }
0x34: {  	[smem:$0x3FB8] =	sst s10  }
0x35: {  	s10 =	sld [smem:$0x3FB7];
	_ =	sdelay $0x3  }
0x36: {  	p1 =	seq.s32 s10, $0x1;
	s10 =	sld [smem:$0x3FB8];
	_ =	sdelay $0x3  }
0x37: {  	[smem:$0x3FB8] =	sst s10  }
0x38: {  	s10 =	sld [smem:$0x3FB9]  }
0x39: {  	_ = 	snop;
	(pc) =	sbr.ind lr, $3  }
0x3a: {  	_ = 	snop  }
0x3b: {  	_ = 	snop  }
0x3c: {  	p2 =	seq.s32 s10, $0x1;
	s10 =	sld [smem:$0x3FB8]  }
0x3d: {  	_ =	shalt  }
0x3e: {  	_ =	shalt  }
0x3f: {  	_ =	shalt  }
0x40: {  	_ =	shalt  }
0x41: {  	_ =	shalt  }
0x42: {  	_ =	shalt  }
0x43: {  	_ =	shalt  }
0x44: {  	_ =	shalt  }
0x45: {  	_ =	shalt  }
0x46: {  	_ =	shalt  }
0x47: {  	_ =	shalt  }
0x48: {  	_ =	shalt  }
0x49: {  	_ =	shalt  }
0x4a: {  	_ =	shalt  }
0x4b: {  	_ =	shalt  }
0x4c: {  	_ =	shalt  }
0x4d: {  	_ =	shalt  }
0x4e: {  	_ =	shalt  }
0x4f: {  	_ =	shalt  }
0x50: {  	_ =	shalt  }
0x51: {  	_ =	shalt  }
0x52: {  	_ =	shalt  }
0x53: {  	_ =	shalt  }
0x54: {  	_ =	shalt  }
0x55: {  	_ =	shalt  }
0x56: {  	_ =	shalt  }
0x57: {  	_ =	shalt  }
0x58: {  	_ =	shalt  }
0x59: {  	_ =	shalt  }
0x5a: {  	_ =	shalt  }
0x5b: {  	_ =	shalt  }
0x5c: {  	_ =	shalt  }
0x5d: {  	_ =	shalt  }
0x5e: {  	_ =	shalt  }
0x5f: {  	_ =	shalt  }
0x60: {  	_ =	shalt  }
0x61: {  	_ =	shalt  }
0x62: {  	_ =	shalt  }
0x63: {  	_ =	shalt  }
0x64: {  	_ =	shalt  }
0x65: {  	_ =	shalt  }
0x66: {  	_ =	shalt  }
0x67: {  	_ =	shalt  }
0x68: {  	_ =	shalt  }
0x69: {  	_ =	shalt  }
0x6a: {  	_ =	shalt  }
0x6b: {  	_ =	shalt  }
0x6c: {  	_ =	shalt  }
0x6d: {  	_ =	shalt  }
0x6e: {  	_ =	shalt  }
0x6f: {  	_ =	shalt  }
0x70: {  	_ =	shalt  }
0x71: {  	_ =	shalt  }
0x72: {  	_ =	shalt  }
0x73: {  	_ =	shalt  }
0x74: {  	_ =	shalt  }
0x75: {  	_ =	shalt  }
0x76: {  	_ =	shalt  }
0x77: {  	_ =	shalt  }
0x78: {  	_ =	shalt  }
0x79: {  	_ =	shalt  }
0x7a: {  	_ =	shalt  }
0x7b: {  	_ =	shalt  }
0x7c: {  	_ =	shalt  }
0x7d: {  	_ =	shalt  }
0x7e: {  	_ =	shalt  }
0x7f: {  	_ =	shalt  }
0x80: {  	_ =	shalt  }
0x81: {  	_ =	shalt  }
0x82: {  	_ =	shalt  }
0x83: {  	_ =	shalt  }
0x84: {  	_ =	shalt  }
0x85: {  	_ =	shalt  }
0x86: {  	_ =	shalt  }
0x87: {  	_ =	shalt  }
.Lfunc_end0:
.L_simem_size_0:
called_computation_lowered:
.L_overlay_start_0:
0x88: {  	s2 =	sld [smem:$0x3FD9]  }
0x89: {  	s3 =	sld [smem:$0x3FFE];
	_ =	sdelay $0x1  }
0x8a: {  	s1 =	srdreg.scid  }
0x8b: {  	s0 =	sand.u32 $0x1, s1  }
0x8c: {  	s17 =	sshll.u32 s0, $0xA;
	s2 =	sadd.s32 s3, s2  }
0x8d: {  	s2 =	sadd.s32 s2, s17  }
0x8e: {  	[smem:$0x3FC4] =	sst s2  }
0x8f: {  	_ = 	snop  }
0x90: {  	s2 =	sld [smem:$0x3FC9]  }
0x91: {  	s18 =	sld [smem:$0x3FC8];
	(tm) =	ssettm $0x1  }
0x92: {  	s4 =	sld [smem:$0x3FFB];
	_ =	sdelay $0x3  }
0x93: {  	_ =	strace s4  }
0x94: {  	s4 =	sld [smem:$0x3FFC];
	_ =	sdelay $0x3  }
0x95: {  	_ =	strace s4  }
0x96: {  	s4 =	sld [smem:$0x3FFD];
	_ =	sdelay $0x3  }
0x97: {  	_ =	strace s4  }
0x98: {  	_ =	strace $0x8FFFFFFF  }
0x99: {  	s19 =	sld [smem:$0x3FDB];
	_ =	sdelay $0x1  }
0x9a: {  	s5 =	simm.s32 $_scs_section_size  }
0x9b: {  	s6 =	simm.s32 $_size__tile_overlayer_lowered;
	s7 =	simm.s32 $_tile_overlayer_lowered  }
0x9c: {  	s22 =	simm.s32 $0x1BFF;
	s21 =	sshll.u32 s7, $0x1;
	s4 =	sadd.s32 s5, s19  }
0x9d: {  	s8 =	simm.s32 $0x0;
	s20 =	sshll.u32 s6, $0x1;
	s6 =	sadd.s32 s21, s4  }
0x9e: {  	[timem:s8], [sflag:s22] =	dma.local [hbm:s6], s20  }
0x9f: {  	_ =	swait.ge [sflag:s22], s20  }
0xa0: {  	s5 =	ssub.s32 $0x0, s20;
	[sflag:s22] =	ssyncset.done $0x0  }
0xa1: {  	[sflag:s22] =	ssyncadd.s32 s5;
	_ =	sdelay $0x1  }
0xa2: {  	s23 =	simm.s32 $0x1B8B  }
0xa3: {  	_ =	swait.ge [sflag:s23], $0x1  }
0xa4: {  	[sflag:s23] =	ssyncset.done $0x0  }
0xa5: {  	s25 =	simm.s32 $0x1B8E;
	s24 =	sld [smem:$0x3FFE];
	[sflag:s23] =	ssyncadd.s32 $0xFFFFFFFF  }
0xa6: {  	s26 =	simm.s32 $execute0_lowered;
	[smem:$0x3FD2] =	sst s25  }
0xa7: {  	s6 =	sshll.u32 s26, $0x1;
	_ =	strace $0x80000046;
	[dreg:$0x1] =	wrdreg $0xFFFFFFFF  }
0xa8: {  	s28 =	simm.s32 $_size_execute0_lowered;
	s4 =	sadd.s32 s4, s6;
	[dreg:$0x0] =	wrdreg $0x0  }
0xa9: {  	s6 =	sshll.u32 s28, $0x1;
	[dreg:$0x2] =	wrdreg s4  }
0xaa: {  	[dreg:$0x3] =	wrdreg s6  }
0xab: {  	[dreg:$0x4] =	wrdreg $0xC0  }
0xac: {  	_ =	task [dreg:s8], $0x5FFFF  }
0xad: {  	[dreg:$0x1] =	wrdreg $0xFFFFFFFF  }
0xae: {  	[dreg:$0x0] =	wrdreg $0x60  }
0xaf: {  	[dreg:$0x2] =	wrdreg s2  }
0xb0: {  	[dreg:$0x3] =	wrdreg s18  }
0xb1: {  	[dreg:$0x4] =	wrdreg s24  }
0xb2: {  	[dreg:$0x5] =	wrdreg $0x9  }
0xb3: {  	_ =	task.clear_ibuf [dreg:s8], $0x6FFFF;
	_ =	strace $0x90000046  }
0xb4: {  	s29 =	simm.s32 $0x9;
	_ =	strace $0x80000048  }
0xb5: {  	_ =	swait.ge [sflag:s29], $0x1  }
0xb6: {  	[sflag:s29] =	ssyncadd.s32 $0xFFFFFFFF  }
0xb7: {  	_ =	strace $0x90000048  }
0xb8: {  	_ =	sfence  }
0xb9: {  	s30 =	sld [smem:$0x0];
	_ =	sdelay $0x2  }
0xba: {  	s31 =	sshll.u32 s1, $0xD;
	s1 =	sshrl.u32 s1, $0x2  }
0xbb: {  	s3 =	sand.u32 $0x4000, s31;
	s1 =	sadd.s32 s1, s30  }
0xbc: {  	s0 =	sor.u32 s3, s0;
	s1 =	sshll.u32 s1, $0x11  }
0xbd: {  	s0 =	sor.u32 s1, s0  }
0xbe: {  	s0 =	sadd.s32 $0x8F2B, s0  }
0xbf: {  	[sflag:s0] =	ssyncadd.remote.s32 $0x1  }
0xc0: {  	_ =	sfence.sel $0xFFFF  }
0xc1: {  	[dreg:$0x0] =	wrdreg $0xFFFFFFFF;
	(pc) =	sbr.abs _section_cstart, $3  }
0xc2: {  	[dreg:$0x1] =	wrdreg $0xFFFFFFFF  }
0xc3: {  	_ =	task.clear_ibuf [dreg:s8], $0x2FFFF;
	_ =	strace $0x9FFFFFFF  }
0xc4: {  	(tm) =	ssettm $0x7FFFFFFF  }
0xc5: {  	_ =	shalt  }
tec
execute0_lowered:
.L_overlay_start_1:
0x0: {  	(tag) =	ssettag $0x1  }
0x1: {  	s17 =	rddreg [dreg:$0x0]  }
0x2: {  	s0 =	rddreg [dreg:$0x1]  }
0x3: {  	s1 =	rddreg [dreg:$0x2];
	s2 =	simm.s32 $0x0  }
0x4: {  	s3 =	srdreg.scid;
	s18 =	stileid.u32;
	s20 =	simm.s32 $0x3  }
0x5: {  	s28 =	simm.s32 $0x8000;
	s29 =	simm.s32 $0x2;
	[smem:$0x7FF] =	sst s2  }
0x6: {  	s4 =	sadd.s32 $0x1000, s1;
	s3 =	sand.u32 $0x1, s3;
	s5 =	sadd.s32 $0x2000, s1  }
0x7: {  	s6 =	sshll.u32 s18, $0x2;
	s8 =	sor.u32 $0x30, s18;
	s11 =	sadd.s32 $0x100, s17  }
0x8: {  	s12 =	sadd.s32 $0x200, s17;
	s13 =	sadd.s32 $0x300, s17;
	s14 =	sadd.s32 $0x400, s17  }
0x9: {  	s15 =	sadd.s32 $0x500, s17;
	s16 =	sadd.s32 $0x600, s17;
	s31 =	smov.u32 s17  }
0xa: {  	s17 =	sadd.s32 $0x700, s17;
	s18 =	sshll.u32 s18, $0x8;
	_ =	strace $0x80000047  }
0xb: {  	s7 =	ssub.s32 $0x2, s3;
	s1 =	sadd.s32 s6, s1;
	s6 =	sshll.u32 s3, $0x2  }
0xc: {  	s24 =	sshll.u32 s8, $0xC;
	s10 =	sshll.u32 s8, $0x11;
	s3 =	simm.s32 $0x10180  }
0xd: {  	s8 =	simm.s32 $0x0;
	s23 =	sshrl.u32 s7, $0x1;
	s25 =	sadd.s32 $0xE00, s1  }
0xe: {  	s26 =	sadd.s32 $0xE02, s1;
	s9 =	ssub.s32 s7, s23;
	[dreg:$0x4] =	wrdreg s25  }
0xf: {  	s7 =	sadd.s32 s0, s24;
	[dreg:$0x5] =	wrdreg s26;
	s23 =	simm.s32 $0x800  }
0x10: {  	s24 =	simm.s32 $0x4000;
	s25 =	simm.s32 $0xC000;
	s30 =	smax.u32 s9, $0x1  }
0x11: {  	s26 =	simm.s32 $0x1;
	s0 =	simm.s32 $0x10100;
	[dreg:$0x6] =	wrdreg s30  }
.LBB2_1:
0x12: {  	[dreg:$0x7] =	wrdreg s8;
	s21 =	simm.s32 $0x0  }
.LBB2_2:
0x13: {  	s22 =	sadd.s32 s6, s21  }
0x14: {  	p0 =	sne.s32 s22, $0x0  }
.Ltmp0:
0x15: {  	s1 =	simm.s32 $0x0;
	(pc) =	sbr.rel @p0 .LBB2_6-.Ltmp0, $4  }
0x16: {  	[tilespmem:s1], [sflag:$0x3] =	stream.linear.gather [hbm4b:s7+s1], $0x8000, $0x38;
	[tilespmem:$0x10480] =	vst v63  }
0x17: {  	_ =	swait.ge [sflag:s20], $0x8000  }
0x18: {  	[sflag:s20] =	ssyncset.done $0x0  }
0x19: {  	[sflag:s20] =	ssyncadd.s32 $0xFFFF8000  }
0x1a: {  	s9 =	sand.u32 $0x3FF0, s1  }
0x1b: {  	v1 =	vld [tilespmem:s9+$0x4000]  }
0x1c: {  	v0 =	vimm.f32 $0.0e+00;
	s8 =	simm.s32 $0x10;
	v2 =	vimm.f32 $0.0e+00;
	v3 =	vld [tilespmem:s9+$0x0]  }
.LBB2_4:
0x1d: {  	p0 =	sne.s32 s8, $0x3FF0  }
.Ltmp1:
0x1e: {  	_ = 	snop;
	(pc) =	sbr.rel @p0 .LBB2_4-.Ltmp1, $4  }
0x1f: {  	_ = 	snop  }
0x20: {  	s9 =	sand.u32 $0x3FF0, s8;
	s8 =	sadd.s32 $0x10, s8;
	v0 =	vadd.f32 v1, v0  }
0x21: {  	v1 =	vld [tilespmem:s9+$0x4000];
	v2 =	vadd.f32 v3, v2  }
0x22: {  	v3 =	vld [tilespmem:s9+$0x0]  }
0x23: {  	_ =	sdelay $0x2  }
0x24: {  	v0 =	vadd.f32 v1, v0  }
0x25: {  	v2 =	vadd.f32 v3, v2  }
0x26: {  	[tilespmem:$0x10410] =	vst v0  }
0x27: {  	s8 =	rddreg [dreg:$0x4];
	s9 =	simm.s32 $0x10400;
	[tilespmem:$0x10400] =	vst v2  }
0x28: {  	[hbm4b:s8+s2] =	stream.linear.scatter [tilespmem:s9], [sflag:$0x3], $0x10, $0x38;
	[tilespmem:$0x10480] =	vst v63  }
0x29: {  	_ =	swait.ge [sflag:s20], $0x10  }
0x2a: {  	[sflag:s20] =	ssyncset.done $0x0  }
0x2b: {  	s30 =	simm.s32 $0x10410;
	s19 =	rddreg [dreg:$0x5];
	[sflag:s20] =	ssyncadd.s32 $0xFFFFFFF0  }
0x2c: {  	[hbm4b:s19+s2] =	stream.linear.scatter [tilespmem:s30], [sflag:$0x3], $0x10, $0x38;
	[tilespmem:$0x10480] =	vst v63  }
0x2d: {  	_ =	swait.ge [sflag:s20], $0x10  }
0x2e: {  	[sflag:s20] =	ssyncset.done $0x0  }
0x2f: {  	[sflag:s20] =	ssyncadd.s32 $0xFFFFFFF0  }
.LBB2_6:
0x30: {  	s8 =	sshll.u32 s22, $0xE  }
0x31: {  	s19 =	sadd.s32 s10, s8  }
0x32: {  	s9 =	simm.s32 $0x8000;
	s8 =	sadd.s32 s31, s19  }
0x33: {  	[tilespmem:s9], [sflag:$0x1] =	stream.strided.gather [hbm4b:s8+s23], $0x4000, s24, s23, $0x38;
	[tilespmem:$0x10480] =	vst v63  }
0x34: {  	s30 =	sadd.s32 s19, s11  }
0x35: {  	[tilespmem:s25], [sflag:$0x2] =	stream.strided.gather [hbm4b:s30+s23], $0x4000, s24, s23, $0x38;
	[tilespmem:$0x10480] =	vst v63  }
0x36: {  	_ =	swait.ge [sflag:s26], $0x4000  }
0x37: {  	[sflag:s26] =	ssyncset.done $0x0  }
0x38: {  	[sflag:s26] =	ssyncadd.s32 $0xFFFFC000  }
0x39: {  	s30 =	sand.u32 $0x7F0, s1;
	v0 =	vld [tilespmem:s9+$0x0]  }
0x3a: {  	v4 =	vld [tilespmem:s30+$0x9800]  }
0x3b: {  	v1 =	vld [tilespmem:s30+$0xB800]  }
0x3c: {  	v6 =	vld [tilespmem:s30+$0xB000]  }
0x3d: {  	v2 =	vld [tilespmem:s30+$0x8800]  }
0x3e: {  	v8 =	vld [tilespmem:s30+$0x4000]  }
0x3f: {  	v10 =	vld [tilespmem:s1+$0x0]  }
0x40: {  	v7 =	vld [tilespmem:s30+$0xA000]  }
0x41: {  	v15 =	vld [tilespmem:s30+$0x9000]  }
0x42: {  	v5 =	vimm.f32 $0.0e+00;
	v38 =	vimm.f32 $0.0e+00;
	v36 =	vimm.f32 $0.0e+00  }
0x43: {  	v35 =	vimm.f32 $0.0e+00;
	v11 =	vadd.f32 v0, v5;
	v16 =	vadd.f32 v6, v5  }
0x44: {  	v17 =	vld [tilespmem:s30+$0xA800];
	v18 =	vadd.f32 v1, v5;
	v9 =	vmul.f32 v2, v8;
	v19 =	vmul.f32 v0, v10  }
0x45: {  	s1 =	simm.s32 $0x10;
	s9 =	simm.s32 $0x8010;
	v23 =	vadd.f32 v4, v5;
	v12 =	vmul.f32 v4, v8;
	v27 =	vmul.f32 v2, v10  }
0x46: {  	s30 =	sand.u32 $0x7F0, s1;
	v21 =	vld [tilespmem:s9+$0x0];
	v28 =	vadd.f32 v2, v5;
	v32 =	vmul.f32 v15, v8;
	v13 =	vmul.f32 v7, v8  }
0x47: {  	v25 =	vadd.f32 v15, v5;
	v2 =	vld [tilespmem:s30+$0xB800];
	v26 =	vmul.f32 v0, v8;
	v0 =	vmul.f32 v1, v8  }
0x48: {  	v39 =	vld [tilespmem:s30+$0x8800];
	v24 =	vadd.f32 v7, v5;
	v29 =	vmul.f32 v7, v10;
	v7 =	vmul.f32 v6, v8  }
0x49: {  	v30 =	vmul.f32 v17, v8;
	v8 =	vld [tilespmem:s30+$0x4000];
	v22 =	vadd.f32 v9, v5;
	v20 =	vadd.f32 v13, v5  }
0x4a: {  	v34 =	vmul.f32 v6, v10;
	v9 =	vld [tilespmem:s30+$0xB000];
	v13 =	vadd.f32 v12, v5;
	v14 =	vadd.f32 v0, v5  }
0x4b: {  	v3 =	vld [tilespmem:s30+$0x9800];
	v31 =	vmul.f32 v4, v10;
	v0 =	vadd.f32 v21, v11;
	v11 =	vadd.f32 v17, v5  }
0x4c: {  	v6 =	vmul.f32 v15, v10;
	v12 =	vadd.f32 v27, v5;
	v27 =	vld [tilespmem:s1+$0x0];
	v4 =	vadd.f32 v2, v18  }
0x4d: {  	v17 =	vmul.f32 v17, v10;
	v18 =	vadd.f32 v19, v5;
	v19 =	vadd.f32 v31, v5;
	v31 =	vld [tilespmem:s30+$0x9000]  }
0x4e: {  	v33 =	vmul.f32 v1, v10;
	v15 =	vadd.f32 v30, v5;
	v30 =	vld [tilespmem:s30+$0xA000];
	v10 =	vadd.f32 v39, v28  }
0x4f: {  	v41 =	vmul.f32 v39, v8;
	v1 =	vadd.f32 v9, v16;
	v16 =	vadd.f32 v17, v5  }
0x50: {  	v40 =	vmul.f32 v3, v8;
	v17 =	vadd.f32 v6, v5;
	v6 =	vadd.f32 v3, v23  }
0x51: {  	s8 =	simm.s32 $0x20;
	s9 =	simm.s32 $0x20;
	v37 =	vld [tilespmem:s30+$0xA800];
	s1 =	simm.s32 $0x8020;
	v28 =	vmul.f32 v21, v27;
	v23 =	vadd.f32 v32, v5;
	v32 =	vimm.f32 $0.0e+00  }
.LBB2_7:
0x52: {  	s30 =	sand.u32 $0x7F0, s8;
	v42 =	vld [tilespmem:s1+$0x0];
	p0 =	sne.s32 s8, $0x7F0;
	s8 =	sadd.s32 $0x10, s8;
	v43 =	vmul.f32 v39, v27;
	v44 =	vmul.f32 v31, v8;
	v25 =	vadd.f32 v31, v25  }
0x53: {  	v39 =	vmul.f32 v30, v8;
	v24 =	vadd.f32 v30, v24;
	v5 =	vadd.f32 v26, v5;
	v45 =	vld [tilespmem:s30+$0x9800]  }
0x54: {  	v26 =	vmul.f32 v21, v8;
	v22 =	vadd.f32 v41, v22;
	v38 =	vadd.f32 v29, v38;
	v46 =	vld [tilespmem:s30+$0xB800]  }
0x55: {  	v36 =	vadd.f32 v34, v36;
	v20 =	vadd.f32 v39, v20;
	v39 =	vmul.f32 v2, v8;
	v41 =	vld [tilespmem:s30+$0xB000]  }
0x56: {  	v29 =	vmul.f32 v30, v27;
	v35 =	vadd.f32 v33, v35;
	v13 =	vadd.f32 v40, v13;
	v30 =	vld [tilespmem:s30+$0xA000]  }
0x57: {  	v32 =	vadd.f32 v7, v32;
	v7 =	vmul.f32 v9, v8;
	v14 =	vadd.f32 v39, v14;
	v40 =	vld [tilespmem:s30+$0x9000];
	v21 =	vmovc v42  }
0x58: {  	v33 =	vmul.f32 v37, v8;
	v11 =	vadd.f32 v37, v11;
	v0 =	vadd.f32 v21, v0;
	v39 =	vld [tilespmem:s30+$0x8800]  }
0x59: {  	v34 =	vmul.f32 v9, v27;
	v37 =	vmul.f32 v37, v27;
	v12 =	vadd.f32 v43, v12;
	v8 =	vld [tilespmem:s30+$0x4000]  }
0x5a: {  	v43 =	vmul.f32 v31, v27;
	v15 =	vadd.f32 v33, v15;
	v33 =	vmul.f32 v2, v27;
	v2 =	vmovc v46;
	v42 =	vld [tilespmem:s9+$0x0]  }
.Ltmp2:
0x5b: {  	v27 =	vmul.f32 v3, v27;
	v16 =	vadd.f32 v37, v16;
	v3 =	vmovc v45;
	v1 =	vadd.f32 v41, v1;
	(pc) =	sbr.rel @p0 .LBB2_7-.Ltmp2, $4  }
0x5c: {  	v17 =	vadd.f32 v43, v17;
	v4 =	vadd.f32 v2, v4;
	v9 =	vmovc v41;
	v37 =	vld [tilespmem:s30+$0xA800];
	v31 =	vmov v40  }
0x5d: {  	v18 =	vadd.f32 v28, v18;
	v6 =	vadd.f32 v3, v6  }
0x5e: {  	v19 =	vadd.f32 v27, v19;
	v10 =	vadd.f32 v39, v10;
	v41 =	vmul.f32 v39, v8  }
0x5f: {  	s1 =	sadd.s32 $0x10, s1;
	v23 =	vadd.f32 v44, v23;
	s9 =	sadd.s32 $0x10, s9;
	v40 =	vmul.f32 v3, v8;
	v28 =	vmul.f32 v21, v42;
	v27 =	vmovc v42  }
0x60: {  	s1 =	sadd.s32 s19, s12  }
0x61: {  	v39 =	vmul.f32 v39, v27;
	[tilespmem:s28], [sflag:$0x1] =	stream.strided.gather [hbm4b:s1+s23], $0x4000, s24, s23, $0x38;
	[tilespmem:$0x10480] =	vst v63  }
0x62: {  	v25 =	vadd.f32 v31, v25;
	v42 =	vmul.f32 v30, v8;
	v24 =	vadd.f32 v30, v24;
	_ =	swait.ge [sflag:s29], $0x4000  }
0x63: {  	v43 =	vmul.f32 v31, v8;
	v26 =	vadd.f32 v26, v5;
	v41 =	vadd.f32 v41, v22;
	s9 =	simm.s32 $0x0;
	[sflag:s29] =	ssyncset.done $0x0  }
0x64: {  	v22 =	vadd.f32 v29, v38;
	v5 =	vmul.f32 v2, v8;
	v21 =	vmul.f32 v21, v8;
	s1 =	sand.u32 $0x7F0, s9;
	[sflag:s29] =	ssyncadd.s32 $0xFFFFC000  }
0x65: {  	v29 =	vadd.f32 v34, v36;
	v30 =	vmul.f32 v30, v27;
	v33 =	vadd.f32 v33, v35;
	v51 =	vld [tilespmem:s1+$0xE000]  }
0x66: {  	v13 =	vadd.f32 v40, v13;
	v56 =	vadd.f32 v37, v11;
	v11 =	vmul.f32 v31, v27;
	v53 =	vld [tilespmem:s1+$0xF800]  }
0x67: {  	v31 =	vmul.f32 v3, v27;
	v3 =	vadd.f32 v28, v18;
	v52 =	vadd.f32 v5, v14;
	v55 =	vld [tilespmem:s1+$0xC800]  }
0x68: {  	v14 =	vadd.f32 v7, v32;
	v7 =	vmul.f32 v37, v8;
	v5 =	vadd.f32 v39, v12;
	v12 =	vld [tilespmem:s1+$0xD000]  }
0x69: {  	v2 =	vmul.f32 v2, v27;
	v20 =	vadd.f32 v42, v20;
	v22 =	vadd.f32 v30, v22;
	v58 =	vld [tilespmem:s1+$0xC000]  }
0x6a: {  	v54 =	vmul.f32 v37, v27;
	v15 =	vadd.f32 v7, v15;
	v7 =	vadd.f32 v11, v17;
	v11 =	vld [tilespmem:s1+$0xD800]  }
0x6b: {  	v8 =	vmul.f32 v9, v8;
	v2 =	vadd.f32 v2, v33;
	v17 =	vadd.f32 v43, v23;
	v23 =	vld [tilespmem:s1+$0x4800]  }
0x6c: {  	v57 =	vadd.f32 v54, v16;
	v16 =	vmul.f32 v9, v27;
	v9 =	vadd.f32 v21, v26;
	v21 =	vld [tilespmem:s1+$0xF000]  }
0x6d: {  	v28 =	vadd.f32 v31, v19;
	v26 =	vadd.f32 v8, v14;
	v30 =	vld [tilespmem:s1+$0x800]  }
0x6e: {  	v16 =	vadd.f32 v16, v29;
	v14 =	vld [tilespmem:s1+$0xE800];
	v24 =	vadd.f32 v51, v24  }
0x6f: {  	s30 =	simm.s32 $0x10;
	v31 =	vadd.f32 v55, v10;
	v59 =	vadd.f32 v58, v0  }
0x70: {  	s8 =	sand.u32 $0x7F0, s30;
	v60 =	vadd.f32 v12, v25;
	v25 =	vmul.f32 v58, v23;
	v61 =	vadd.f32 v11, v6  }
0x71: {  	v8 =	vld [tilespmem:s8+$0xE000];
	v44 =	vmul.f32 v55, v23;
	v29 =	vadd.f32 v53, v4;
	v0 =	vmul.f32 v12, v23  }
0x72: {  	v32 =	vld [tilespmem:s8+$0xD800];
	v27 =	vadd.f32 v21, v1;
	v1 =	vmul.f32 v11, v23;
	v4 =	vmul.f32 v51, v23  }
0x73: {  	v33 =	vld [tilespmem:s8+$0x800];
	v6 =	vmul.f32 v11, v30;
	v62 =	vmul.f32 v14, v23;
	v18 =	vadd.f32 v14, v56  }
0x74: {  	v11 =	vld [tilespmem:s8+$0xC800];
	v45 =	vmul.f32 v14, v30;
	v63 =	vmul.f32 v21, v23;
	v17 =	vadd.f32 v0, v17  }
0x75: {  	v10 =	vld [tilespmem:s8+$0xC000];
	v34 =	vmul.f32 v51, v30;
	v19 =	vadd.f32 v4, v20;
	v14 =	vadd.f32 v62, v15  }
0x76: {  	v46 =	vmul.f32 v53, v23;
	v23 =	vld [tilespmem:s8+$0x4800];
	v20 =	vadd.f32 v1, v13;
	v15 =	vadd.f32 v6, v28  }
0x77: {  	v0 =	vld [tilespmem:s8+$0xD000];
	v4 =	vmul.f32 v21, v30;
	v1 =	vadd.f32 v8, v24;
	v22 =	vadd.f32 v34, v22  }
0x78: {  	v35 =	vmul.f32 v55, v30;
	v13 =	vld [tilespmem:s8+$0xF800];
	v24 =	vadd.f32 v25, v9;
	v25 =	vadd.f32 v46, v52  }
0x79: {  	v37 =	vmul.f32 v12, v30;
	v21 =	vadd.f32 v4, v16;
	v4 =	vadd.f32 v11, v31;
	v31 =	vld [tilespmem:s8+$0xF000]  }
0x7a: {  	v38 =	vmul.f32 v53, v30;
	v12 =	vadd.f32 v32, v61;
	v28 =	vadd.f32 v45, v57  }
0x7b: {  	v34 =	vmul.f32 v58, v30;
	v16 =	vadd.f32 v63, v26;
	v26 =	vadd.f32 v44, v41  }
0x7c: {  	s1 =	simm.s32 $0x20;
	v36 =	vld [tilespmem:s8+$0xE800];
	v6 =	vadd.f32 v10, v59;
	v30 =	vmul.f32 v10, v23;
	v9 =	vadd.f32 v0, v60  }
.LBB2_9:
0x7d: {  	s8 =	sand.u32 $0x7F0, s1;
	p0 =	sne.s32 s1, $0x7F0;
	s1 =	sadd.s32 $0x10, s1;
	v39 =	vmul.f32 v11, v23;
	v29 =	vadd.f32 v13, v29;
	v5 =	vadd.f32 v35, v5;
	v40 =	vmovc v33  }
0x7e: {  	v27 =	vadd.f32 v31, v27;
	v7 =	vadd.f32 v37, v7;
	v33 =	vld [tilespmem:s8+$0xE000]  }
0x7f: {  	v35 =	vmul.f32 v0, v23;
	v37 =	vmul.f32 v32, v23;
	v2 =	vadd.f32 v38, v2;
	v41 =	vld [tilespmem:s8+$0xF800]  }
0x80: {  	v3 =	vadd.f32 v34, v3;
	v42 =	vmul.f32 v32, v40;
	v32 =	vmul.f32 v8, v23;
	v38 =	vld [tilespmem:s8+$0xF000]  }
0x81: {  	v17 =	vadd.f32 v35, v17;
	v43 =	vld [tilespmem:s8+$0xC800];
	v34 =	vmul.f32 v36, v23;
	v18 =	vadd.f32 v36, v18  }
0x82: {  	v35 =	vmul.f32 v31, v40;
	v19 =	vadd.f32 v32, v19;
	v45 =	vmul.f32 v36, v40;
	v44 =	vld [tilespmem:s8+$0xD000]  }
0x83: {  	v46 =	vmul.f32 v8, v40;
	v36 =	vld [tilespmem:s8+$0xC000];
	v14 =	vadd.f32 v34, v14;
	v34 =	vmul.f32 v31, v23;
	v8 =	vmovc v33  }
0x84: {  	v47 =	vmul.f32 v13, v23;
	v20 =	vadd.f32 v37, v20;
	v21 =	vadd.f32 v35, v21;
	v32 =	vld [tilespmem:s8+$0xD800]  }
0x85: {  	v15 =	vadd.f32 v42, v15;
	v35 =	vmul.f32 v11, v40;
	v23 =	vld [tilespmem:s8+$0x4800];
	v16 =	vadd.f32 v34, v16;
	v31 =	vmovc v38  }
.Ltmp3:
0x86: {  	v22 =	vadd.f32 v46, v22;
	v1 =	vadd.f32 v8, v1;
	v34 =	vmul.f32 v10, v40;
	v33 =	vld [tilespmem:s8+$0x800];
	v11 =	vmovc v43;
	(pc) =	sbr.rel @p0 .LBB2_9-.Ltmp3, $4  }
0x87: {  	v24 =	vadd.f32 v30, v24;
	v37 =	vmul.f32 v0, v40;
	v4 =	vadd.f32 v11, v4;
	v0 =	vmovc v44  }
0x88: {  	v25 =	vadd.f32 v47, v25;
	v6 =	vadd.f32 v36, v6;
	v10 =	vmov v36  }
0x89: {  	v26 =	vadd.f32 v39, v26;
	v38 =	vmul.f32 v13, v40;
	v13 =	vmovc v41;
	v9 =	vadd.f32 v0, v9  }
0x8a: {  	v28 =	vadd.f32 v45, v28;
	v12 =	vadd.f32 v32, v12;
	v30 =	vmul.f32 v10, v23;
	v36 =	vld [tilespmem:s8+$0xE800]  }
0x8b: {  	s1 =	sadd.s32 s19, s13  }
0x8c: {  	v29 =	vadd.f32 v13, v29;
	v5 =	vadd.f32 v35, v5;
	v47 =	vmul.f32 v11, v23;
	[tilespmem:s25], [sflag:$0x2] =	stream.strided.gather [hbm4b:s1+s23], $0x4000, s24, s23, $0x38;
	[tilespmem:$0x10480] =	vst v63  }
0x8d: {  	v27 =	vadd.f32 v31, v27;
	v7 =	vadd.f32 v37, v7;
	v48 =	vmul.f32 v0, v23;
	_ =	swait.ge [sflag:s26], $0x4000  }
0x8e: {  	v39 =	vmul.f32 v32, v23;
	v2 =	vadd.f32 v38, v2;
	s9 =	simm.s32 $0x0;
	v49 =	vmul.f32 v32, v33;
	[sflag:s26] =	ssyncset.done $0x0  }
0x8f: {  	v50 =	vmul.f32 v8, v23;
	v3 =	vadd.f32 v34, v3;
	v54 =	vmul.f32 v31, v33;
	s1 =	sand.u32 $0x7F0, s9;
	[sflag:s26] =	ssyncadd.s32 $0xFFFFC000  }
0x90: {  	v8 =	vmul.f32 v8, v33;
	v24 =	vadd.f32 v30, v24;
	v17 =	vadd.f32 v48, v17;
	v52 =	vld [tilespmem:s1+$0xA000]  }
0x91: {  	v31 =	vmul.f32 v31, v23;
	v19 =	vadd.f32 v50, v19;
	v20 =	vadd.f32 v39, v20;
	v55 =	vld [tilespmem:s1+$0x8800]  }
0x92: {  	v11 =	vmul.f32 v11, v33;
	v21 =	vadd.f32 v54, v21;
	v15 =	vadd.f32 v49, v15;
	v56 =	vld [tilespmem:s1+$0x9000]  }
0x93: {  	v0 =	vmul.f32 v0, v33;
	v16 =	vadd.f32 v31, v16;
	v22 =	vadd.f32 v8, v22;
	v31 =	vld [tilespmem:s1+$0x8000]  }
0x94: {  	v30 =	vmul.f32 v10, v33;
	v26 =	vadd.f32 v47, v26;
	v11 =	vadd.f32 v11, v5;
	v8 =	vld [tilespmem:s1+$0x9800]  }
0x95: {  	v10 =	vadd.f32 v0, v7;
	v51 =	vmul.f32 v36, v23;
	v23 =	vmul.f32 v13, v23;
	v58 =	vld [tilespmem:s1+$0x1000]  }
0x96: {  	v18 =	vadd.f32 v36, v18;
	v53 =	vmul.f32 v36, v33;
	v13 =	vmul.f32 v13, v33;
	v57 =	vld [tilespmem:s1+$0xB000]  }
0x97: {  	v14 =	vadd.f32 v51, v14;
	v25 =	vadd.f32 v23, v25;
	v23 =	vld [tilespmem:s1+$0x5000]  }
0x98: {  	v40 =	vld [tilespmem:s1+$0xB800];
	v28 =	vadd.f32 v53, v28;
	v5 =	vadd.f32 v13, v2  }
0x99: {  	v2 =	vadd.f32 v30, v3;
	v3 =	vld [tilespmem:s1+$0xA800];
	v1 =	vadd.f32 v52, v1  }
0x9a: {  	s30 =	simm.s32 $0x10;
	v7 =	vadd.f32 v55, v4;
	v6 =	vadd.f32 v31, v6;
	v41 =	vmul.f32 v8, v58  }
0x9b: {  	s8 =	sand.u32 $0x7F0, s30;
	v30 =	vadd.f32 v56, v9;
	v62 =	vmul.f32 v57, v58;
	v37 =	vmul.f32 v52, v58  }
0x9c: {  	v32 =	vld [tilespmem:s8+$0x9800];
	v12 =	vadd.f32 v8, v12;
	v59 =	vmul.f32 v31, v23;
	v60 =	vmul.f32 v55, v23  }
0x9d: {  	v33 =	vld [tilespmem:s8+$0x1000];
	v29 =	vadd.f32 v40, v29;
	v0 =	vmul.f32 v56, v23;
	v13 =	vmul.f32 v8, v23  }
0x9e: {  	v4 =	vld [tilespmem:s8+$0xA000];
	v27 =	vadd.f32 v57, v27;
	v61 =	vmul.f32 v52, v23;
	v42 =	vmul.f32 v3, v23  }
0x9f: {  	v9 =	vld [tilespmem:s8+$0x8800];
	v18 =	vadd.f32 v3, v18;
	v43 =	vmul.f32 v3, v58;
	v21 =	vadd.f32 v62, v21  }
0xa0: {  	v8 =	vld [tilespmem:s8+$0x8000];
	v3 =	vmul.f32 v57, v23;
	v15 =	vadd.f32 v41, v15;
	v22 =	vadd.f32 v37, v22  }
0xa1: {  	v63 =	vmul.f32 v40, v23;
	v23 =	vld [tilespmem:s8+$0x5000];
	v12 =	vadd.f32 v32, v12;
	v17 =	vadd.f32 v0, v17  }
0xa2: {  	v0 =	vld [tilespmem:s8+$0x9000];
	v19 =	vadd.f32 v61, v19;
	v14 =	vadd.f32 v42, v14  }
0xa3: {  	v35 =	vmul.f32 v55, v58;
	v20 =	vadd.f32 v13, v20;
	v16 =	vadd.f32 v3, v16;
	v13 =	vld [tilespmem:s8+$0xB800]  }
0xa4: {  	v34 =	vmul.f32 v31, v58;
	v31 =	vld [tilespmem:s8+$0xB000];
	v24 =	vadd.f32 v59, v24;
	v25 =	vadd.f32 v63, v25  }
0xa5: {  	v38 =	vmul.f32 v40, v58;
	v26 =	vadd.f32 v60, v26;
	v28 =	vadd.f32 v43, v28  }
0xa6: {  	v37 =	vmul.f32 v56, v58;
	v1 =	vadd.f32 v4, v1;
	v3 =	vadd.f32 v9, v7  }
0xa7: {  	v36 =	vld [tilespmem:s8+$0xA800];
	s1 =	simm.s32 $0x20;
	v6 =	vadd.f32 v8, v6;
	v7 =	vadd.f32 v0, v30;
	v30 =	vmul.f32 v8, v23  }
.LBB2_11:
0xa8: {  	s8 =	sand.u32 $0x7F0, s1;
	p0 =	sne.s32 s1, $0x7F0;
	s1 =	sadd.s32 $0x10, s1;
	v39 =	vmul.f32 v9, v23;
	v29 =	vadd.f32 v13, v29;
	v11 =	vadd.f32 v35, v11;
	v40 =	vmovc v33  }
0xa9: {  	v27 =	vadd.f32 v31, v27;
	v10 =	vadd.f32 v37, v10;
	v33 =	vld [tilespmem:s8+$0xA000]  }
0xaa: {  	v35 =	vmul.f32 v0, v23;
	v37 =	vmul.f32 v32, v23;
	v5 =	vadd.f32 v38, v5;
	v41 =	vld [tilespmem:s8+$0xB800]  }
0xab: {  	v2 =	vadd.f32 v34, v2;
	v42 =	vmul.f32 v32, v40;
	v32 =	vmul.f32 v4, v23;
	v38 =	vld [tilespmem:s8+$0xB000]  }
0xac: {  	v17 =	vadd.f32 v35, v17;
	v43 =	vld [tilespmem:s8+$0x8800];
	v34 =	vmul.f32 v36, v23;
	v18 =	vadd.f32 v36, v18  }
0xad: {  	v35 =	vmul.f32 v31, v40;
	v19 =	vadd.f32 v32, v19;
	v45 =	vmul.f32 v36, v40;
	v44 =	vld [tilespmem:s8+$0x9000]  }
0xae: {  	v46 =	vmul.f32 v4, v40;
	v36 =	vld [tilespmem:s8+$0x8000];
	v14 =	vadd.f32 v34, v14;
	v34 =	vmul.f32 v31, v23;
	v4 =	vmovc v33  }
0xaf: {  	v47 =	vmul.f32 v13, v23;
	v20 =	vadd.f32 v37, v20;
	v21 =	vadd.f32 v35, v21;
	v32 =	vld [tilespmem:s8+$0x9800]  }
0xb0: {  	v15 =	vadd.f32 v42, v15;
	v35 =	vmul.f32 v9, v40;
	v23 =	vld [tilespmem:s8+$0x5000];
	v16 =	vadd.f32 v34, v16;
	v31 =	vmovc v38  }
.Ltmp4:
0xb1: {  	v22 =	vadd.f32 v46, v22;
	v1 =	vadd.f32 v4, v1;
	v34 =	vmul.f32 v8, v40;
	v33 =	vld [tilespmem:s8+$0x1000];
	v9 =	vmovc v43;
	(pc) =	sbr.rel @p0 .LBB2_11-.Ltmp4, $4  }
0xb2: {  	v24 =	vadd.f32 v30, v24;
	v37 =	vmul.f32 v0, v40;
	v3 =	vadd.f32 v9, v3;
	v0 =	vmovc v44  }
0xb3: {  	v25 =	vadd.f32 v47, v25;
	v6 =	vadd.f32 v36, v6;
	v8 =	vmov v36  }
0xb4: {  	v26 =	vadd.f32 v39, v26;
	v38 =	vmul.f32 v13, v40;
	v13 =	vmovc v41;
	v7 =	vadd.f32 v0, v7  }
0xb5: {  	v28 =	vadd.f32 v45, v28;
	v12 =	vadd.f32 v32, v12;
	v30 =	vmul.f32 v8, v23;
	v36 =	vld [tilespmem:s8+$0xA800]  }
0xb6: {  	s1 =	sadd.s32 s19, s14  }
0xb7: {  	v29 =	vadd.f32 v13, v29;
	v11 =	vadd.f32 v35, v11;
	[tilespmem:s28], [sflag:$0x1] =	stream.strided.gather [hbm4b:s1+s23], $0x4000, s24, s23, $0x38;
	[tilespmem:$0x10480] =	vst v63  }
0xb8: {  	v48 =	vmul.f32 v9, v23;
	v27 =	vadd.f32 v31, v27;
	v10 =	vadd.f32 v37, v10;
	_ =	swait.ge [sflag:s29], $0x4000  }
0xb9: {  	v49 =	vmul.f32 v0, v23;
	v39 =	vmul.f32 v32, v23;
	v5 =	vadd.f32 v38, v5;
	s9 =	simm.s32 $0x0;
	[sflag:s29] =	ssyncset.done $0x0  }
0xba: {  	v50 =	vmul.f32 v32, v33;
	v51 =	vmul.f32 v4, v23;
	v2 =	vadd.f32 v34, v2;
	s1 =	sand.u32 $0x7F0, s9;
	[sflag:s29] =	ssyncadd.s32 $0xFFFFC000  }
0xbb: {  	v55 =	vmul.f32 v31, v33;
	v4 =	vmul.f32 v4, v33;
	v24 =	vadd.f32 v30, v24;
	v53 =	vld [tilespmem:s1+$0xE000]  }
0xbc: {  	v31 =	vmul.f32 v31, v23;
	v17 =	vadd.f32 v49, v17;
	v19 =	vadd.f32 v51, v19;
	v40 =	vld [tilespmem:s1+$0xF800]  }
0xbd: {  	v9 =	vmul.f32 v9, v33;
	v20 =	vadd.f32 v39, v20;
	v21 =	vadd.f32 v55, v21;
	v56 =	vld [tilespmem:s1+$0xC800]  }
0xbe: {  	v0 =	vmul.f32 v0, v33;
	v15 =	vadd.f32 v50, v15;
	v16 =	vadd.f32 v31, v16;
	v57 =	vld [tilespmem:s1+$0xD000]  }
0xbf: {  	v8 =	vmul.f32 v8, v33;
	v22 =	vadd.f32 v4, v22;
	v26 =	vadd.f32 v48, v26;
	v31 =	vld [tilespmem:s1+$0xC000]  }
0xc0: {  	v4 =	vmul.f32 v13, v33;
	v11 =	vadd.f32 v9, v11;
	v9 =	vadd.f32 v0, v10;
	v30 =	vld [tilespmem:s1+$0xD800]  }
0xc1: {  	v2 =	vadd.f32 v8, v2;
	v52 =	vmul.f32 v36, v23;
	v23 =	vmul.f32 v13, v23;
	v13 =	vld [tilespmem:s1+$0x5800]  }
0xc2: {  	v18 =	vadd.f32 v36, v18;
	v54 =	vmul.f32 v36, v33;
	v4 =	vadd.f32 v4, v5;
	v58 =	vld [tilespmem:s1+$0x1800]  }
0xc3: {  	v5 =	vld [tilespmem:s1+$0xE800];
	v14 =	vadd.f32 v52, v14;
	v25 =	vadd.f32 v23, v25  }
0xc4: {  	v28 =	vadd.f32 v54, v28;
	v1 =	vadd.f32 v53, v1  }
0xc5: {  	s30 =	simm.s32 $0x10;
	v23 =	vld [tilespmem:s1+$0xF000];
	v3 =	vadd.f32 v56, v3;
	v59 =	vadd.f32 v31, v6  }
0xc6: {  	s8 =	sand.u32 $0x7F0, s30;
	v7 =	vadd.f32 v57, v7;
	v60 =	vmul.f32 v31, v13;
	v0 =	vmul.f32 v57, v13  }
0xc7: {  	v10 =	vld [tilespmem:s8+$0xC800];
	v12 =	vadd.f32 v30, v12;
	v61 =	vmul.f32 v30, v13;
	v8 =	vmul.f32 v53, v13  }
0xc8: {  	v32 =	vld [tilespmem:s8+$0xD800];
	v29 =	vadd.f32 v40, v29;
	v30 =	vmul.f32 v30, v58;
	v62 =	vmul.f32 v5, v13  }
0xc9: {  	v33 =	vld [tilespmem:s8+$0x1800];
	v18 =	vadd.f32 v5, v18;
	v43 =	vmul.f32 v5, v58;
	v37 =	vmul.f32 v53, v58  }
0xca: {  	v6 =	vld [tilespmem:s8+$0xE000];
	v27 =	vadd.f32 v23, v27;
	v42 =	vmul.f32 v23, v58;
	v17 =	vadd.f32 v0, v17  }
0xcb: {  	v5 =	vmul.f32 v23, v13;
	v23 =	vld [tilespmem:s8+$0x5800];
	v19 =	vadd.f32 v8, v19;
	v14 =	vadd.f32 v62, v14  }
0xcc: {  	v63 =	vmul.f32 v40, v13;
	v0 =	vld [tilespmem:s8+$0xD000];
	v20 =	vadd.f32 v61, v20;
	v15 =	vadd.f32 v30, v15  }
0xcd: {  	v41 =	vmul.f32 v56, v13;
	v8 =	vld [tilespmem:s8+$0xC000];
	v22 =	vadd.f32 v37, v22;
	v3 =	vadd.f32 v10, v3  }
0xce: {  	v35 =	vmul.f32 v56, v58;
	v13 =	vld [tilespmem:s8+$0xF800];
	v24 =	vadd.f32 v60, v24;
	v25 =	vadd.f32 v63, v25  }
0xcf: {  	v34 =	vmul.f32 v31, v58;
	v31 =	vld [tilespmem:s8+$0xF000];
	v26 =	vadd.f32 v41, v26;
	v12 =	vadd.f32 v32, v12  }
0xd0: {  	v38 =	vmul.f32 v40, v58;
	v28 =	vadd.f32 v43, v28;
	v21 =	vadd.f32 v42, v21  }
0xd1: {  	v37 =	vmul.f32 v57, v58;
	v16 =	vadd.f32 v5, v16;
	v1 =	vadd.f32 v6, v1  }
0xd2: {  	v36 =	vld [tilespmem:s8+$0xE800];
	s1 =	simm.s32 $0x20;
	v5 =	vadd.f32 v8, v59;
	v7 =	vadd.f32 v0, v7;
	v30 =	vmul.f32 v8, v23  }
.LBB2_13:
0xd3: {  	s8 =	sand.u32 $0x7F0, s1;
	p0 =	sne.s32 s1, $0x7F0;
	s1 =	sadd.s32 $0x10, s1;
	v39 =	vmul.f32 v10, v23;
	v29 =	vadd.f32 v13, v29;
	v11 =	vadd.f32 v35, v11;
	v40 =	vmovc v33  }
0xd4: {  	v27 =	vadd.f32 v31, v27;
	v9 =	vadd.f32 v37, v9;
	v33 =	vld [tilespmem:s8+$0xE000]  }
0xd5: {  	v35 =	vmul.f32 v0, v23;
	v37 =	vmul.f32 v32, v23;
	v4 =	vadd.f32 v38, v4;
	v41 =	vld [tilespmem:s8+$0xF800]  }
0xd6: {  	v2 =	vadd.f32 v34, v2;
	v42 =	vmul.f32 v32, v40;
	v32 =	vmul.f32 v6, v23;
	v38 =	vld [tilespmem:s8+$0xF000]  }
0xd7: {  	v17 =	vadd.f32 v35, v17;
	v43 =	vld [tilespmem:s8+$0xC800];
	v34 =	vmul.f32 v36, v23;
	v18 =	vadd.f32 v36, v18  }
0xd8: {  	v35 =	vmul.f32 v31, v40;
	v19 =	vadd.f32 v32, v19;
	v45 =	vmul.f32 v36, v40;
	v44 =	vld [tilespmem:s8+$0xD000]  }
0xd9: {  	v46 =	vmul.f32 v6, v40;
	v36 =	vld [tilespmem:s8+$0xC000];
	v14 =	vadd.f32 v34, v14;
	v34 =	vmul.f32 v31, v23;
	v6 =	vmovc v33  }
0xda: {  	v47 =	vmul.f32 v13, v23;
	v20 =	vadd.f32 v37, v20;
	v21 =	vadd.f32 v35, v21;
	v32 =	vld [tilespmem:s8+$0xD800]  }
0xdb: {  	v15 =	vadd.f32 v42, v15;
	v35 =	vmul.f32 v10, v40;
	v23 =	vld [tilespmem:s8+$0x5800];
	v16 =	vadd.f32 v34, v16;
	v31 =	vmovc v38  }
.Ltmp5:
0xdc: {  	v22 =	vadd.f32 v46, v22;
	v1 =	vadd.f32 v6, v1;
	v34 =	vmul.f32 v8, v40;
	v33 =	vld [tilespmem:s8+$0x1800];
	v10 =	vmovc v43;
	(pc) =	sbr.rel @p0 .LBB2_13-.Ltmp5, $4  }
0xdd: {  	v24 =	vadd.f32 v30, v24;
	v37 =	vmul.f32 v0, v40;
	v3 =	vadd.f32 v10, v3;
	v0 =	vmovc v44  }
0xde: {  	v25 =	vadd.f32 v47, v25;
	v5 =	vadd.f32 v36, v5;
	v8 =	vmov v36  }
0xdf: {  	v26 =	vadd.f32 v39, v26;
	v38 =	vmul.f32 v13, v40;
	v13 =	vmovc v41;
	v7 =	vadd.f32 v0, v7  }
0xe0: {  	v28 =	vadd.f32 v45, v28;
	v12 =	vadd.f32 v32, v12;
	v30 =	vmul.f32 v8, v23;
	v36 =	vld [tilespmem:s8+$0xE800]  }
0xe1: {  	s1 =	sadd.s32 s19, s15;
	v29 =	vadd.f32 v13, v29;
	v11 =	vadd.f32 v35, v11  }
0xe2: {  	v47 =	vmul.f32 v10, v23;
	v27 =	vadd.f32 v31, v27;
	v9 =	vadd.f32 v37, v9;
	[tilespmem:s25], [sflag:$0x2] =	stream.strided.gather [hbm4b:s1+s23], $0x4000, s24, s23, $0x38;
	[tilespmem:$0x10480] =	vst v63  }
0xe3: {  	v48 =	vmul.f32 v0, v23;
	v39 =	vmul.f32 v32, v23;
	v4 =	vadd.f32 v38, v4;
	_ =	swait.ge [sflag:s26], $0x4000  }
0xe4: {  	s9 =	simm.s32 $0x0;
	v49 =	vmul.f32 v32, v33;
	v50 =	vmul.f32 v6, v23;
	v2 =	vadd.f32 v34, v2;
	[sflag:s26] =	ssyncset.done $0x0  }
0xe5: {  	v54 =	vmul.f32 v31, v33;
	v6 =	vmul.f32 v6, v33;
	s1 =	sand.u32 $0x7F0, s9;
	v24 =	vadd.f32 v30, v24;
	[sflag:s26] =	ssyncadd.s32 $0xFFFFC000  }
0xe6: {  	v31 =	vmul.f32 v31, v23;
	v17 =	vadd.f32 v48, v17;
	v19 =	vadd.f32 v50, v19;
	v52 =	vld [tilespmem:s1+$0xA000]  }
0xe7: {  	v10 =	vmul.f32 v10, v33;
	v20 =	vadd.f32 v39, v20;
	v21 =	vadd.f32 v54, v21;
	v40 =	vld [tilespmem:s1+$0xB800]  }
0xe8: {  	v0 =	vmul.f32 v0, v33;
	v15 =	vadd.f32 v49, v15;
	v16 =	vadd.f32 v31, v16;
	v55 =	vld [tilespmem:s1+$0x8800]  }
0xe9: {  	v8 =	vmul.f32 v8, v33;
	v22 =	vadd.f32 v6, v22;
	v26 =	vadd.f32 v47, v26;
	v56 =	vld [tilespmem:s1+$0x9000]  }
0xea: {  	v6 =	vmul.f32 v13, v33;
	v11 =	vadd.f32 v10, v11;
	v9 =	vadd.f32 v0, v9;
	v31 =	vld [tilespmem:s1+$0x8000]  }
0xeb: {  	v2 =	vadd.f32 v8, v2;
	v51 =	vmul.f32 v36, v23;
	v23 =	vmul.f32 v13, v23;
	v13 =	vld [tilespmem:s1+$0x6000]  }
0xec: {  	v18 =	vadd.f32 v36, v18;
	v53 =	vmul.f32 v36, v33;
	v4 =	vadd.f32 v6, v4;
	v30 =	vld [tilespmem:s1+$0x9800]  }
0xed: {  	v57 =	vld [tilespmem:s1+$0x2000];
	v14 =	vadd.f32 v51, v14;
	v25 =	vadd.f32 v23, v25  }
0xee: {  	v8 =	vld [tilespmem:s1+$0xA800];
	v28 =	vadd.f32 v53, v28;
	v1 =	vadd.f32 v52, v1  }
0xef: {  	s30 =	simm.s32 $0x10;
	v23 =	vld [tilespmem:s1+$0xB000];
	v3 =	vadd.f32 v55, v3;
	v5 =	vadd.f32 v31, v5  }
0xf0: {  	s8 =	sand.u32 $0x7F0, s30;
	v7 =	vadd.f32 v56, v7;
	v58 =	vmul.f32 v31, v13;
	v59 =	vmul.f32 v55, v13  }
0xf1: {  	v6 =	vld [tilespmem:s8+$0xA000];
	v12 =	vadd.f32 v30, v12;
	v0 =	vmul.f32 v56, v13;
	v60 =	vmul.f32 v30, v13  }
0xf2: {  	v10 =	vld [tilespmem:s8+$0x8800];
	v29 =	vadd.f32 v40, v29;
	v61 =	vmul.f32 v52, v13;
	v30 =	vmul.f32 v30, v57  }
0xf3: {  	v32 =	vld [tilespmem:s8+$0x9800];
	v41 =	vmul.f32 v8, v13;
	v18 =	vadd.f32 v8, v18;
	v43 =	vmul.f32 v8, v57  }
0xf4: {  	v33 =	vld [tilespmem:s8+$0x2000];
	v37 =	vmul.f32 v52, v57;
	v27 =	vadd.f32 v23, v27;
	v17 =	vadd.f32 v0, v17  }
0xf5: {  	v8 =	vld [tilespmem:s8+$0x8000];
	v42 =	vmul.f32 v23, v57;
	v19 =	vadd.f32 v61, v19;
	v14 =	vadd.f32 v41, v14  }
0xf6: {  	v62 =	vmul.f32 v23, v13;
	v23 =	vld [tilespmem:s8+$0x6000];
	v20 =	vadd.f32 v60, v20;
	v15 =	vadd.f32 v30, v15  }
0xf7: {  	v63 =	vmul.f32 v40, v13;
	v0 =	vld [tilespmem:s8+$0x9000];
	v1 =	vadd.f32 v6, v1;
	v22 =	vadd.f32 v37, v22  }
0xf8: {  	v35 =	vmul.f32 v55, v57;
	v13 =	vld [tilespmem:s8+$0xB800];
	v3 =	vadd.f32 v10, v3;
	v24 =	vadd.f32 v58, v24  }
0xf9: {  	v34 =	vmul.f32 v31, v57;
	v31 =	vld [tilespmem:s8+$0xB000];
	v25 =	vadd.f32 v63, v25;
	v26 =	vadd.f32 v59, v26  }
0xfa: {  	v38 =	vmul.f32 v40, v57;
	v12 =	vadd.f32 v32, v12;
	v28 =	vadd.f32 v43, v28  }
0xfb: {  	v37 =	vmul.f32 v56, v57;
	v21 =	vadd.f32 v42, v21;
	v16 =	vadd.f32 v62, v16  }
0xfc: {  	v36 =	vld [tilespmem:s8+$0xA800];
	s1 =	simm.s32 $0x20;
	v5 =	vadd.f32 v8, v5;
	v30 =	vmul.f32 v8, v23;
	v7 =	vadd.f32 v0, v7  }
.LBB2_15:
0xfd: {  	s8 =	sand.u32 $0x7F0, s1;
	p0 =	sne.s32 s1, $0x7F0;
	s1 =	sadd.s32 $0x10, s1;
	v39 =	vmul.f32 v10, v23;
	v29 =	vadd.f32 v13, v29;
	v11 =	vadd.f32 v35, v11;
	v40 =	vmovc v33  }
0xfe: {  	v27 =	vadd.f32 v31, v27;
	v9 =	vadd.f32 v37, v9;
	v33 =	vld [tilespmem:s8+$0xA000]  }
0xff: {  	v35 =	vmul.f32 v0, v23;
	v37 =	vmul.f32 v32, v23;
	v4 =	vadd.f32 v38, v4;
	v41 =	vld [tilespmem:s8+$0xB800]  }
0x100: {  	v2 =	vadd.f32 v34, v2;
	v42 =	vmul.f32 v32, v40;
	v32 =	vmul.f32 v6, v23;
	v38 =	vld [tilespmem:s8+$0xB000]  }
0x101: {  	v17 =	vadd.f32 v35, v17;
	v43 =	vld [tilespmem:s8+$0x8800];
	v34 =	vmul.f32 v36, v23;
	v18 =	vadd.f32 v36, v18  }
0x102: {  	v35 =	vmul.f32 v31, v40;
	v19 =	vadd.f32 v32, v19;
	v45 =	vmul.f32 v36, v40;
	v44 =	vld [tilespmem:s8+$0x9000]  }
0x103: {  	v46 =	vmul.f32 v6, v40;
	v36 =	vld [tilespmem:s8+$0x8000];
	v14 =	vadd.f32 v34, v14;
	v34 =	vmul.f32 v31, v23;
	v6 =	vmovc v33  }
0x104: {  	v47 =	vmul.f32 v13, v23;
	v20 =	vadd.f32 v37, v20;
	v21 =	vadd.f32 v35, v21;
	v32 =	vld [tilespmem:s8+$0x9800]  }
0x105: {  	v15 =	vadd.f32 v42, v15;
	v35 =	vmul.f32 v10, v40;
	v23 =	vld [tilespmem:s8+$0x6000];
	v16 =	vadd.f32 v34, v16;
	v31 =	vmovc v38  }
.Ltmp6:
0x106: {  	v22 =	vadd.f32 v46, v22;
	v1 =	vadd.f32 v6, v1;
	v34 =	vmul.f32 v8, v40;
	v33 =	vld [tilespmem:s8+$0x2000];
	v10 =	vmovc v43;
	(pc) =	sbr.rel @p0 .LBB2_15-.Ltmp6, $4  }
0x107: {  	v24 =	vadd.f32 v30, v24;
	v37 =	vmul.f32 v0, v40;
	v3 =	vadd.f32 v10, v3;
	v0 =	vmovc v44  }
0x108: {  	v25 =	vadd.f32 v47, v25;
	v5 =	vadd.f32 v36, v5;
	v8 =	vmov v36  }
0x109: {  	v26 =	vadd.f32 v39, v26;
	v38 =	vmul.f32 v13, v40;
	v13 =	vmovc v41;
	v7 =	vadd.f32 v0, v7  }
0x10a: {  	v28 =	vadd.f32 v45, v28;
	v12 =	vadd.f32 v32, v12;
	v30 =	vmul.f32 v8, v23;
	v36 =	vld [tilespmem:s8+$0xA800]  }
0x10b: {  	s1 =	sadd.s32 s19, s16;
	v29 =	vadd.f32 v13, v29;
	v11 =	vadd.f32 v35, v11  }
0x10c: {  	v47 =	vmul.f32 v10, v23;
	v27 =	vadd.f32 v31, v27;
	v9 =	vadd.f32 v37, v9;
	[tilespmem:s28], [sflag:$0x1] =	stream.strided.gather [hbm4b:s1+s23], $0x4000, s24, s23, $0x38;
	[tilespmem:$0x10480] =	vst v63  }
0x10d: {  	v48 =	vmul.f32 v0, v23;
	v39 =	vmul.f32 v32, v23;
	v4 =	vadd.f32 v38, v4;
	_ =	swait.ge [sflag:s29], $0x4000  }
0x10e: {  	s9 =	simm.s32 $0x0;
	v49 =	vmul.f32 v32, v33;
	v50 =	vmul.f32 v6, v23;
	v2 =	vadd.f32 v34, v2;
	[sflag:s29] =	ssyncset.done $0x0  }
0x10f: {  	v54 =	vmul.f32 v31, v33;
	v6 =	vmul.f32 v6, v33;
	s1 =	sand.u32 $0x7F0, s9;
	v24 =	vadd.f32 v30, v24;
	[sflag:s29] =	ssyncadd.s32 $0xFFFFC000  }
0x110: {  	v31 =	vmul.f32 v31, v23;
	v17 =	vadd.f32 v48, v17;
	v19 =	vadd.f32 v50, v19;
	v52 =	vld [tilespmem:s1+$0xE000]  }
0x111: {  	v10 =	vmul.f32 v10, v33;
	v20 =	vadd.f32 v39, v20;
	v21 =	vadd.f32 v54, v21;
	v40 =	vld [tilespmem:s1+$0xF800]  }
0x112: {  	v0 =	vmul.f32 v0, v33;
	v15 =	vadd.f32 v49, v15;
	v16 =	vadd.f32 v31, v16;
	v55 =	vld [tilespmem:s1+$0xC800]  }
0x113: {  	v8 =	vmul.f32 v8, v33;
	v22 =	vadd.f32 v6, v22;
	v26 =	vadd.f32 v47, v26;
	v56 =	vld [tilespmem:s1+$0xD000]  }
0x114: {  	v6 =	vmul.f32 v13, v33;
	v11 =	vadd.f32 v10, v11;
	v9 =	vadd.f32 v0, v9;
	v31 =	vld [tilespmem:s1+$0xC000]  }
0x115: {  	v2 =	vadd.f32 v8, v2;
	v51 =	vmul.f32 v36, v23;
	v23 =	vmul.f32 v13, v23;
	v13 =	vld [tilespmem:s1+$0x6800]  }
0x116: {  	v18 =	vadd.f32 v36, v18;
	v53 =	vmul.f32 v36, v33;
	v4 =	vadd.f32 v6, v4;
	v30 =	vld [tilespmem:s1+$0xD800]  }
0x117: {  	v57 =	vld [tilespmem:s1+$0x2800];
	v14 =	vadd.f32 v51, v14;
	v25 =	vadd.f32 v23, v25  }
0x118: {  	v8 =	vld [tilespmem:s1+$0xE800];
	v28 =	vadd.f32 v53, v28;
	v1 =	vadd.f32 v52, v1  }
0x119: {  	s30 =	simm.s32 $0x10;
	v23 =	vld [tilespmem:s1+$0xF000];
	v3 =	vadd.f32 v55, v3;
	v5 =	vadd.f32 v31, v5  }
0x11a: {  	s8 =	sand.u32 $0x7F0, s30;
	v7 =	vadd.f32 v56, v7;
	v58 =	vmul.f32 v31, v13;
	v59 =	vmul.f32 v55, v13  }
0x11b: {  	v6 =	vld [tilespmem:s8+$0xE000];
	v12 =	vadd.f32 v30, v12;
	v0 =	vmul.f32 v56, v13;
	v60 =	vmul.f32 v30, v13  }
0x11c: {  	v10 =	vld [tilespmem:s8+$0xC800];
	v29 =	vadd.f32 v40, v29;
	v61 =	vmul.f32 v52, v13;
	v30 =	vmul.f32 v30, v57  }
0x11d: {  	v32 =	vld [tilespmem:s8+$0xD800];
	v41 =	vmul.f32 v8, v13;
	v18 =	vadd.f32 v8, v18;
	v43 =	vmul.f32 v8, v57  }
0x11e: {  	v33 =	vld [tilespmem:s8+$0x2800];
	v37 =	vmul.f32 v52, v57;
	v27 =	vadd.f32 v23, v27;
	v17 =	vadd.f32 v0, v17  }
0x11f: {  	v8 =	vld [tilespmem:s8+$0xC000];
	v42 =	vmul.f32 v23, v57;
	v19 =	vadd.f32 v61, v19;
	v14 =	vadd.f32 v41, v14  }
0x120: {  	v62 =	vmul.f32 v23, v13;
	v23 =	vld [tilespmem:s8+$0x6800];
	v20 =	vadd.f32 v60, v20;
	v15 =	vadd.f32 v30, v15  }
0x121: {  	v63 =	vmul.f32 v40, v13;
	v0 =	vld [tilespmem:s8+$0xD000];
	v1 =	vadd.f32 v6, v1;
	v22 =	vadd.f32 v37, v22  }
0x122: {  	v35 =	vmul.f32 v55, v57;
	v13 =	vld [tilespmem:s8+$0xF800];
	v3 =	vadd.f32 v10, v3;
	v24 =	vadd.f32 v58, v24  }
0x123: {  	v34 =	vmul.f32 v31, v57;
	v31 =	vld [tilespmem:s8+$0xF000];
	v25 =	vadd.f32 v63, v25;
	v26 =	vadd.f32 v59, v26  }
0x124: {  	v38 =	vmul.f32 v40, v57;
	v12 =	vadd.f32 v32, v12;
	v28 =	vadd.f32 v43, v28  }
0x125: {  	v37 =	vmul.f32 v56, v57;
	v21 =	vadd.f32 v42, v21;
	v16 =	vadd.f32 v62, v16  }
0x126: {  	v36 =	vld [tilespmem:s8+$0xE800];
	s1 =	simm.s32 $0x20;
	v5 =	vadd.f32 v8, v5;
	v30 =	vmul.f32 v8, v23;
	v7 =	vadd.f32 v0, v7  }
.LBB2_17:
0x127: {  	s8 =	sand.u32 $0x7F0, s1;
	p0 =	sne.s32 s1, $0x7F0;
	s1 =	sadd.s32 $0x10, s1;
	v39 =	vmul.f32 v10, v23;
	v29 =	vadd.f32 v13, v29;
	v11 =	vadd.f32 v35, v11;
	v40 =	vmovc v33  }
0x128: {  	v27 =	vadd.f32 v31, v27;
	v9 =	vadd.f32 v37, v9;
	v33 =	vld [tilespmem:s8+$0xE000]  }
0x129: {  	v35 =	vmul.f32 v0, v23;
	v37 =	vmul.f32 v32, v23;
	v4 =	vadd.f32 v38, v4;
	v41 =	vld [tilespmem:s8+$0xF800]  }
0x12a: {  	v2 =	vadd.f32 v34, v2;
	v42 =	vmul.f32 v32, v40;
	v32 =	vmul.f32 v6, v23;
	v38 =	vld [tilespmem:s8+$0xF000]  }
0x12b: {  	v17 =	vadd.f32 v35, v17;
	v43 =	vld [tilespmem:s8+$0xC800];
	v34 =	vmul.f32 v36, v23;
	v18 =	vadd.f32 v36, v18  }
0x12c: {  	v35 =	vmul.f32 v31, v40;
	v19 =	vadd.f32 v32, v19;
	v45 =	vmul.f32 v36, v40;
	v44 =	vld [tilespmem:s8+$0xD000]  }
0x12d: {  	v46 =	vmul.f32 v6, v40;
	v36 =	vld [tilespmem:s8+$0xC000];
	v14 =	vadd.f32 v34, v14;
	v34 =	vmul.f32 v31, v23;
	v6 =	vmovc v33  }
0x12e: {  	v47 =	vmul.f32 v13, v23;
	v20 =	vadd.f32 v37, v20;
	v21 =	vadd.f32 v35, v21;
	v32 =	vld [tilespmem:s8+$0xD800]  }
0x12f: {  	v15 =	vadd.f32 v42, v15;
	v35 =	vmul.f32 v10, v40;
	v23 =	vld [tilespmem:s8+$0x6800];
	v16 =	vadd.f32 v34, v16;
	v31 =	vmovc v38  }
.Ltmp7:
0x130: {  	v22 =	vadd.f32 v46, v22;
	v1 =	vadd.f32 v6, v1;
	v34 =	vmul.f32 v8, v40;
	v33 =	vld [tilespmem:s8+$0x2800];
	v10 =	vmovc v43;
	(pc) =	sbr.rel @p0 .LBB2_17-.Ltmp7, $4  }
0x131: {  	v24 =	vadd.f32 v30, v24;
	v37 =	vmul.f32 v0, v40;
	v3 =	vadd.f32 v10, v3;
	v0 =	vmovc v44  }
0x132: {  	v25 =	vadd.f32 v47, v25;
	v5 =	vadd.f32 v36, v5;
	v8 =	vmov v36  }
0x133: {  	v26 =	vadd.f32 v39, v26;
	v38 =	vmul.f32 v13, v40;
	v13 =	vmovc v41;
	v7 =	vadd.f32 v0, v7  }
0x134: {  	v28 =	vadd.f32 v45, v28;
	v12 =	vadd.f32 v32, v12;
	v30 =	vmul.f32 v8, v23;
	v36 =	vld [tilespmem:s8+$0xE800]  }
0x135: {  	s1 =	sadd.s32 s19, s17  }
0x136: {  	v29 =	vadd.f32 v13, v29;
	v11 =	vadd.f32 v35, v11;
	[tilespmem:s25], [sflag:$0x2] =	stream.strided.gather [hbm4b:s1+s23], $0x4000, s24, s23, $0x38;
	[tilespmem:$0x10480] =	vst v63  }
0x137: {  	v50 =	vmul.f32 v10, v23;
	v39 =	vadd.f32 v31, v27;
	v9 =	vadd.f32 v37, v9;
	_ =	swait.ge [sflag:s26], $0x4000  }
0x138: {  	v27 =	vmul.f32 v0, v23;
	v51 =	vmul.f32 v32, v23;
	v4 =	vadd.f32 v38, v4;
	s19 =	simm.s32 $0x0;
	[sflag:s26] =	ssyncset.done $0x0  }
0x139: {  	v52 =	vmul.f32 v32, v33;
	v53 =	vmul.f32 v6, v23;
	v2 =	vadd.f32 v34, v2;
	s1 =	sand.u32 $0x7F0, s19;
	[sflag:s26] =	ssyncadd.s32 $0xFFFFC000  }
0x13a: {  	v56 =	vmul.f32 v31, v33;
	v6 =	vmul.f32 v6, v33;
	v24 =	vadd.f32 v30, v24;
	v54 =	vld [tilespmem:s1+$0xA000]  }
0x13b: {  	v10 =	vmul.f32 v10, v33;
	v17 =	vadd.f32 v27, v17;
	v19 =	vadd.f32 v53, v19;
	v40 =	vld [tilespmem:s1+$0xB800]  }
0x13c: {  	v0 =	vmul.f32 v0, v33;
	v20 =	vadd.f32 v51, v20;
	v21 =	vadd.f32 v56, v21;
	v57 =	vld [tilespmem:s1+$0x9000]  }
0x13d: {  	v8 =	vmul.f32 v8, v33;
	v15 =	vadd.f32 v52, v15;
	v22 =	vadd.f32 v6, v22;
	v58 =	vld [tilespmem:s1+$0x8000]  }
0x13e: {  	v26 =	vadd.f32 v50, v26;
	v10 =	vadd.f32 v10, v11;
	v27 =	vmul.f32 v36, v23;
	v30 =	vld [tilespmem:s1+$0x9800]  }
0x13f: {  	v6 =	vmul.f32 v13, v33;
	v9 =	vadd.f32 v0, v9;
	v2 =	vadd.f32 v8, v2;
	v59 =	vld [tilespmem:s1+$0x3000]  }
0x140: {  	v55 =	vmul.f32 v36, v33;
	v8 =	vld [tilespmem:s1+$0xA800];
	v14 =	vadd.f32 v27, v14;
	v27 =	vmul.f32 v31, v23  }
0x141: {  	v18 =	vadd.f32 v36, v18;
	v4 =	vadd.f32 v6, v4;
	v23 =	vmul.f32 v13, v23;
	v13 =	vld [tilespmem:s1+$0x7000]  }
0x142: {  	s30 =	simm.s32 $0x10;
	v31 =	vld [tilespmem:s1+$0x8800];
	v41 =	vadd.f32 v55, v28;
	v16 =	vadd.f32 v27, v16  }
0x143: {  	s8 =	sand.u32 $0x7F0, s30;
	v25 =	vadd.f32 v23, v25;
	v1 =	vadd.f32 v54, v1  }
0x144: {  	v6 =	vld [tilespmem:s8+$0xA000];
	v5 =	vadd.f32 v58, v5;
	v7 =	vadd.f32 v57, v7  }
0x145: {  	v23 =	vld [tilespmem:s1+$0xB000];
	v42 =	vadd.f32 v30, v12;
	v62 =	vmul.f32 v8, v59;
	v34 =	vmul.f32 v54, v59  }
0x146: {  	v27 =	vadd.f32 v40, v29;
	v37 =	vmul.f32 v57, v59;
	v60 =	vmul.f32 v58, v13  }
0x147: {  	v11 =	vld [tilespmem:s8+$0x8800];
	v18 =	vadd.f32 v8, v18;
	v43 =	vmul.f32 v31, v13;
	v0 =	vmul.f32 v57, v13  }
0x148: {  	v32 =	vld [tilespmem:s8+$0x9800];
	v3 =	vadd.f32 v31, v3;
	v12 =	vmul.f32 v30, v13;
	v29 =	vmul.f32 v54, v13  }
0x149: {  	v33 =	vld [tilespmem:s8+$0x3000];
	v61 =	vmul.f32 v8, v13;
	v1 =	vadd.f32 v6, v1;
	v22 =	vadd.f32 v34, v22  }
0x14a: {  	v30 =	vmul.f32 v30, v59;
	v8 =	vld [tilespmem:s8+$0x8000];
	v28 =	vadd.f32 v23, v39;
	v17 =	vadd.f32 v0, v17  }
0x14b: {  	v0 =	vld [tilespmem:s8+$0x9000];
	v19 =	vadd.f32 v29, v19;
	v29 =	vmul.f32 v23, v59;
	v14 =	vadd.f32 v61, v14  }
0x14c: {  	v63 =	vmul.f32 v23, v13;
	v20 =	vadd.f32 v12, v20;
	v23 =	vld [tilespmem:s8+$0x7000];
	v15 =	vadd.f32 v30, v15  }
0x14d: {  	v13 =	vmul.f32 v40, v13;
	v12 =	vld [tilespmem:s8+$0xB800];
	v3 =	vadd.f32 v11, v3;
	v24 =	vadd.f32 v60, v24  }
0x14e: {  	v35 =	vmul.f32 v31, v59;
	v31 =	vld [tilespmem:s8+$0xB000];
	v26 =	vadd.f32 v43, v26;
	v21 =	vadd.f32 v29, v21  }
0x14f: {  	v38 =	vmul.f32 v40, v59;
	v16 =	vadd.f32 v63, v16;
	v25 =	vadd.f32 v13, v25  }
0x150: {  	v34 =	vmul.f32 v58, v59;
	v13 =	vadd.f32 v32, v42;
	v29 =	vadd.f32 v62, v41  }
0x151: {  	v36 =	vld [tilespmem:s8+$0xA800];
	s1 =	simm.s32 $0x20;
	v5 =	vadd.f32 v8, v5;
	v7 =	vadd.f32 v0, v7;
	v30 =	vmul.f32 v8, v23  }
.LBB2_19:
0x152: {  	s8 =	sand.u32 $0x7F0, s1;
	p0 =	sne.s32 s1, $0x7F0;
	s1 =	sadd.s32 $0x10, s1;
	v39 =	vmul.f32 v11, v23;
	v27 =	vadd.f32 v12, v27;
	v10 =	vadd.f32 v35, v10;
	v40 =	vmovc v33  }
0x153: {  	v28 =	vadd.f32 v31, v28;
	v9 =	vadd.f32 v37, v9;
	v33 =	vld [tilespmem:s8+$0xA000]  }
0x154: {  	v35 =	vmul.f32 v0, v23;
	v37 =	vmul.f32 v32, v23;
	v4 =	vadd.f32 v38, v4;
	v41 =	vld [tilespmem:s8+$0xB800]  }
0x155: {  	v2 =	vadd.f32 v34, v2;
	v42 =	vmul.f32 v32, v40;
	v32 =	vmul.f32 v6, v23;
	v38 =	vld [tilespmem:s8+$0xB000]  }
0x156: {  	v17 =	vadd.f32 v35, v17;
	v43 =	vld [tilespmem:s8+$0x8800];
	v34 =	vmul.f32 v36, v23;
	v18 =	vadd.f32 v36, v18  }
0x157: {  	v35 =	vmul.f32 v31, v40;
	v19 =	vadd.f32 v32, v19;
	v45 =	vmul.f32 v36, v40;
	v44 =	vld [tilespmem:s8+$0x9000]  }
0x158: {  	v46 =	vmul.f32 v6, v40;
	v36 =	vld [tilespmem:s8+$0x8000];
	v14 =	vadd.f32 v34, v14;
	v34 =	vmul.f32 v31, v23;
	v6 =	vmovc v33  }
0x159: {  	v47 =	vmul.f32 v12, v23;
	v20 =	vadd.f32 v37, v20;
	v21 =	vadd.f32 v35, v21;
	v32 =	vld [tilespmem:s8+$0x9800]  }
0x15a: {  	v15 =	vadd.f32 v42, v15;
	v35 =	vmul.f32 v11, v40;
	v23 =	vld [tilespmem:s8+$0x7000];
	v16 =	vadd.f32 v34, v16;
	v31 =	vmovc v38  }
.Ltmp8:
0x15b: {  	v22 =	vadd.f32 v46, v22;
	v1 =	vadd.f32 v6, v1;
	v34 =	vmul.f32 v8, v40;
	v33 =	vld [tilespmem:s8+$0x3000];
	v11 =	vmovc v43;
	(pc) =	sbr.rel @p0 .LBB2_19-.Ltmp8, $4  }
0x15c: {  	v24 =	vadd.f32 v30, v24;
	v37 =	vmul.f32 v0, v40;
	v3 =	vadd.f32 v11, v3;
	v0 =	vmovc v44  }
0x15d: {  	v25 =	vadd.f32 v47, v25;
	v5 =	vadd.f32 v36, v5;
	v8 =	vmov v36  }
0x15e: {  	v26 =	vadd.f32 v39, v26;
	v38 =	vmul.f32 v12, v40;
	v12 =	vmovc v41;
	v7 =	vadd.f32 v0, v7  }
0x15f: {  	v29 =	vadd.f32 v45, v29;
	v13 =	vadd.f32 v32, v13;
	v30 =	vmul.f32 v8, v23;
	v36 =	vld [tilespmem:s8+$0xA800]  }
0x160: {  	v27 =	vadd.f32 v12, v27;
	v10 =	vadd.f32 v35, v10  }
0x161: {  	v53 =	vmul.f32 v11, v23;
	v28 =	vadd.f32 v31, v28;
	v9 =	vadd.f32 v37, v9;
	_ =	swait.ge [sflag:s29], $0x4000  }
0x162: {  	v54 =	vmul.f32 v0, v23;
	v39 =	vmul.f32 v32, v23;
	v4 =	vadd.f32 v38, v4;
	s1 =	simm.s32 $0x0;
	[sflag:s29] =	ssyncset.done $0x0  }
0x163: {  	v55 =	vmul.f32 v32, v33;
	v56 =	vmul.f32 v6, v23;
	v2 =	vadd.f32 v34, v2;
	s1 =	sand.u32 $0x7F0, s1;
	[sflag:s29] =	ssyncadd.s32 $0xFFFFC000  }
0x164: {  	v59 =	vmul.f32 v31, v33;
	v6 =	vmul.f32 v6, v33;
	v24 =	vadd.f32 v30, v24;
	v58 =	vld [tilespmem:s1+$0xE000]  }
0x165: {  	v11 =	vmul.f32 v11, v33;
	v17 =	vadd.f32 v54, v17;
	v38 =	vadd.f32 v56, v19;
	v60 =	vld [tilespmem:s1+$0xD000]  }
0x166: {  	v8 =	vmul.f32 v8, v33;
	v20 =	vadd.f32 v39, v20;
	v21 =	vadd.f32 v59, v21;
	v41 =	vld [tilespmem:s1+$0xC000]  }
0x167: {  	v15 =	vadd.f32 v55, v15;
	v42 =	vadd.f32 v6, v22;
	v6 =	vld [tilespmem:s1+$0xD800];
	v57 =	vmul.f32 v36, v23  }
0x168: {  	v35 =	vadd.f32 v53, v26;
	v62 =	vld [tilespmem:s1+$0x7800];
	v18 =	vadd.f32 v36, v18;
	v19 =	vmul.f32 v36, v33  }
0x169: {  	s30 =	simm.s32 $0x10;
	v26 =	vld [tilespmem:s1+$0xF000];
	v34 =	vadd.f32 v57, v14;
	v14 =	vmul.f32 v31, v23;
	v23 =	vmul.f32 v12, v23  }
0x16a: {  	v0 =	vmul.f32 v0, v33;
	s8 =	sand.u32 $0x7F0, s30;
	v40 =	vld [tilespmem:s1+$0xF800];
	v43 =	vadd.f32 v19, v29;
	v19 =	vadd.f32 v8, v2  }
0x16b: {  	v22 =	vld [tilespmem:s8+$0xD000];
	v61 =	vadd.f32 v14, v16;
	v23 =	vadd.f32 v23, v25  }
0x16c: {  	v31 =	vld [tilespmem:s1+$0xC800];
	v16 =	vmul.f32 v12, v33;
	v14 =	vadd.f32 v11, v10;
	v12 =	vadd.f32 v0, v9  }
0x16d: {  	v29 =	vld [tilespmem:s1+$0x3800];
	v44 =	vadd.f32 v41, v5;
	v45 =	vadd.f32 v60, v7  }
0x16e: {  	v8 =	vld [tilespmem:s1+$0xE800];
	v46 =	vadd.f32 v6, v13;
	v2 =	vadd.f32 v26, v28;
	v9 =	vmul.f32 v58, v62  }
0x16f: {  	v7 =	vmul.f32 v41, v62;
	v0 =	vadd.f32 v16, v4;
	v4 =	vadd.f32 v58, v1  }
0x170: {  	v30 =	vld [tilespmem:s8+$0xC000];
	v1 =	vadd.f32 v40, v27;
	v11 =	vadd.f32 v9, v38  }
0x171: {  	v5 =	vmul.f32 v6, v62;
	v33 =	vadd.f32 v7, v24;
	v24 =	vadd.f32 v22, v45  }
0x172: {  	v10 =	vld [tilespmem:s8+$0xE000];
	v63 =	vadd.f32 v31, v3;
	v47 =	vmul.f32 v31, v62;
	v3 =	vmul.f32 v60, v62  }
0x173: {  	v25 =	vld [tilespmem:s8+$0xC800];
	v13 =	vmul.f32 v6, v29;
	v6 =	vadd.f32 v8, v18;
	v18 =	vmul.f32 v26, v29  }
0x174: {  	v28 =	vld [tilespmem:s8+$0x3800];
	v48 =	vmul.f32 v8, v29;
	v16 =	vadd.f32 v3, v17;
	v3 =	vmul.f32 v8, v62  }
0x175: {  	v36 =	vmul.f32 v31, v29;
	v31 =	vadd.f32 v30, v44;
	v8 =	vmul.f32 v26, v62;
	v26 =	vld [tilespmem:s8+$0xD800]  }
0x176: {  	v27 =	vmul.f32 v58, v29;
	v17 =	vadd.f32 v5, v20;
	v9 =	vadd.f32 v3, v34;
	v3 =	vld [tilespmem:s8+$0x7800]  }
0x177: {  	v37 =	vmul.f32 v41, v29;
	v20 =	vadd.f32 v13, v15;
	v13 =	vadd.f32 v10, v4;
	v4 =	vld [tilespmem:s8+$0xF800]  }
0x178: {  	v5 =	vadd.f32 v18, v21;
	v21 =	vmul.f32 v40, v62;
	v18 =	vadd.f32 v27, v42;
	v15 =	vld [tilespmem:s8+$0xF000]  }
0x179: {  	v38 =	vmul.f32 v60, v29;
	v27 =	vadd.f32 v25, v63;
	v32 =	vadd.f32 v47, v35  }
0x17a: {  	v29 =	vmul.f32 v40, v29;
	v8 =	vadd.f32 v8, v61;
	v7 =	vadd.f32 v21, v23  }
0x17b: {  	s1 =	simm.s32 $0x20;
	v34 =	vld [tilespmem:s8+$0xE800];
	v21 =	vadd.f32 v48, v43;
	v23 =	vadd.f32 v26, v46;
	v35 =	vmul.f32 v30, v3  }
.LBB2_21:
0x17c: {  	s8 =	sand.u32 $0x7F0, s1;
	p0 =	sne.s32 s1, $0x7F0;
	s1 =	sadd.s32 $0x10, s1;
	v39 =	vmul.f32 v25, v3;
	v1 =	vadd.f32 v4, v1;
	v14 =	vadd.f32 v36, v14;
	v40 =	vmovc v28  }
0x17d: {  	v2 =	vadd.f32 v15, v2;
	v12 =	vadd.f32 v38, v12;
	v28 =	vld [tilespmem:s8+$0xE000]  }
0x17e: {  	v36 =	vmul.f32 v22, v3;
	v38 =	vmul.f32 v26, v3;
	v0 =	vadd.f32 v29, v0;
	v41 =	vld [tilespmem:s8+$0xF800]  }
0x17f: {  	v19 =	vadd.f32 v37, v19;
	v42 =	vmul.f32 v26, v40;
	v26 =	vmul.f32 v10, v3;
	v29 =	vld [tilespmem:s8+$0xF000]  }
0x180: {  	v16 =	vadd.f32 v36, v16;
	v43 =	vld [tilespmem:s8+$0xC800];
	v36 =	vmul.f32 v34, v3;
	v6 =	vadd.f32 v34, v6  }
0x181: {  	v11 =	vadd.f32 v26, v11;
	v45 =	vmul.f32 v34, v40;
	v34 =	vmul.f32 v15, v40;
	v44 =	vld [tilespmem:s8+$0xD000]  }
0x182: {  	v37 =	vmul.f32 v15, v3;
	v47 =	vmul.f32 v10, v40;
	v46 =	vld [tilespmem:s8+$0xC000];
	v9 =	vadd.f32 v36, v9;
	v10 =	vmovc v28  }
0x183: {  	v17 =	vadd.f32 v38, v17;
	v5 =	vadd.f32 v34, v5;
	v34 =	vmul.f32 v4, v3;
	v26 =	vld [tilespmem:s8+$0xD800]  }
0x184: {  	v8 =	vadd.f32 v37, v8;
	v20 =	vadd.f32 v42, v20;
	v36 =	vmul.f32 v25, v40;
	v3 =	vld [tilespmem:s8+$0x7800];
	v15 =	vmovc v29  }
.Ltmp9:
0x185: {  	v37 =	vmul.f32 v30, v40;
	v18 =	vadd.f32 v47, v18;
	v13 =	vadd.f32 v10, v13;
	v28 =	vld [tilespmem:s8+$0x3800];
	v25 =	vmovc v43;
	(pc) =	sbr.rel @p0 .LBB2_21-.Ltmp9, $4  }
0x186: {  	v33 =	vadd.f32 v35, v33;
	v38 =	vmul.f32 v22, v40;
	v27 =	vadd.f32 v25, v27;
	v22 =	vmovc v44  }
0x187: {  	v7 =	vadd.f32 v34, v7;
	v31 =	vadd.f32 v46, v31;
	v30 =	vmov v46  }
0x188: {  	v32 =	vadd.f32 v39, v32;
	v29 =	vmul.f32 v4, v40;
	v4 =	vmovc v41;
	v24 =	vadd.f32 v22, v24  }
0x189: {  	v21 =	vadd.f32 v45, v21;
	v23 =	vadd.f32 v26, v23;
	v35 =	vmul.f32 v30, v3;
	v34 =	vld [tilespmem:s8+$0xE800]  }
0x18a: {  	v19 =	vadd.f32 v37, v19;
	v30 =	vmul.f32 v30, v28  }
0x18b: {  	v14 =	vadd.f32 v36, v14;
	v46 =	vmul.f32 v25, v28;
	v45 =	vadd.f32 v35, v33  }
0x18c: {  	v47 =	vmul.f32 v25, v3;
	v19 =	vadd.f32 v30, v19  }
0x18d: {  	v12 =	vadd.f32 v38, v12;
	v49 =	vmul.f32 v22, v28;
	v14 =	vadd.f32 v46, v14;
	[tilespmem:$0x10080] =	vst v45  }
0x18e: {  	v50 =	vmul.f32 v22, v3;
	v48 =	vadd.f32 v47, v32;
	[tilespmem:$0x10000] =	vst v19  }
0x18f: {  	v52 =	vmul.f32 v26, v28;
	v12 =	vadd.f32 v49, v12;
	[tilespmem:$0x10010] =	vst v14  }
0x190: {  	v53 =	vmul.f32 v26, v3;
	v51 =	vadd.f32 v50, v16;
	[tilespmem:$0x10090] =	vst v48  }
0x191: {  	v56 =	vmul.f32 v10, v3;
	v16 =	vadd.f32 v52, v20;
	[tilespmem:$0x10020] =	vst v12  }
0x192: {  	v60 =	vmul.f32 v15, v28;
	v54 =	vadd.f32 v53, v17;
	[tilespmem:$0x100A0] =	vst v51  }
0x193: {  	v55 =	vmul.f32 v10, v28;
	v61 =	vmul.f32 v15, v3;
	v10 =	vadd.f32 v56, v11;
	[tilespmem:$0x10030] =	vst v16  }
0x194: {  	v0 =	vadd.f32 v29, v0;
	v62 =	vmul.f32 v4, v28;
	v5 =	vadd.f32 v60, v5;
	[tilespmem:$0x100B0] =	vst v54  }
0x195: {  	v8 =	vadd.f32 v61, v8;
	[tilespmem:$0x100C0] =	vst v10  }
0x196: {  	v0 =	vadd.f32 v62, v0;
	[tilespmem:$0x10060] =	vst v5  }
0x197: {  	v30 =	vsub.f32 v31, v45;
	[tilespmem:$0x100E0] =	vst v8  }
0x198: {  	v19 =	vsub.f32 v31, v19;
	[tilespmem:$0x10070] =	vst v0  }
0x199: {  	v14 =	vsub.f32 v27, v14;
	[tilespmem:$0x10180] =	vst v30  }
0x19a: {  	v12 =	vsub.f32 v24, v12;
	[tilespmem:$0x10100] =	vst v19  }
0x19b: {  	v2 =	vadd.f32 v15, v2;
	v16 =	vsub.f32 v23, v16;
	[tilespmem:$0x10110] =	vst v14  }
0x19c: {  	v10 =	vsub.f32 v13, v10;
	[tilespmem:$0x10120] =	vst v12  }
0x19d: {  	v63 =	vmul.f32 v4, v3;
	v5 =	vsub.f32 v2, v5;
	[tilespmem:$0x10130] =	vst v16  }
0x19e: {  	v1 =	vadd.f32 v4, v1;
	v2 =	vsub.f32 v2, v8;
	[tilespmem:$0x101C0] =	vst v10  }
0x19f: {  	v59 =	vmul.f32 v34, v3;
	v3 =	vadd.f32 v63, v7;
	[tilespmem:$0x10160] =	vst v5  }
0x1a0: {  	v0 =	vsub.f32 v1, v0;
	[tilespmem:$0x101E0] =	vst v2  }
0x1a1: {  	v19 =	vsub.f32 v27, v48;
	[tilespmem:$0x100F0] =	vst v3  }
0x1a2: {  	v57 =	vmul.f32 v34, v28;
	v14 =	vsub.f32 v24, v51;
	[tilespmem:$0x10170] =	vst v0  }
0x1a3: {  	v12 =	vsub.f32 v23, v54;
	[tilespmem:$0x10190] =	vst v19  }
0x1a4: {  	v11 =	vadd.f32 v57, v21;
	[tilespmem:$0x101A0] =	vst v14  }
0x1a5: {  	v9 =	vadd.f32 v59, v9;
	[tilespmem:$0x101B0] =	vst v12  }
0x1a6: {  	v6 =	vadd.f32 v34, v6;
	v1 =	vsub.f32 v1, v3;
	[tilespmem:$0x10050] =	vst v11  }
0x1a7: {  	v14 =	vadd.f32 v55, v18;
	[tilespmem:$0x100D0] =	vst v9  }
0x1a8: {  	v11 =	vsub.f32 v6, v11;
	[tilespmem:$0x101F0] =	vst v1  }
0x1a9: {  	v6 =	vsub.f32 v6, v9;
	[tilespmem:$0x10040] =	vst v14  }
0x1aa: {  	s1 =	sshll.u32 s22, $0x4;
	v58 =	vsub.f32 v13, v14;
	[tilespmem:$0x10150] =	vst v11  }
0x1ab: {  	s1 =	sadd.s32 s18, s1;
	[tilespmem:$0x101D0] =	vst v6  }
0x1ac: {  	s9 =	simm.s32 $0x10000;
	s8 =	sadd.s32 s4, s1;
	[tilespmem:$0x10140] =	vst v58  }
0x1ad: {  	[hbm4b:s8+s2] =	stream.linear.scatter [tilespmem:s9], [sflag:$0x3], $0x80, $0x38;
	[tilespmem:$0x10480] =	vst v63  }
0x1ae: {  	_ =	swait.ge [sflag:s20], $0x80  }
0x1af: {  	s30 =	sor.u32 $0x80, s1;
	[sflag:s20] =	ssyncset.done $0x0  }
0x1b0: {  	s19 =	simm.s32 $0x10080;
	s22 =	sadd.s32 s4, s30;
	[sflag:s20] =	ssyncadd.s32 $0xFFFFFF80  }
0x1b1: {  	[hbm4b:s22+s2] =	stream.linear.scatter [tilespmem:s19], [sflag:$0x3], $0x80, $0x38;
	[tilespmem:$0x10480] =	vst v63  }
0x1b2: {  	_ =	swait.ge [sflag:s20], $0x80  }
0x1b3: {  	[sflag:s20] =	ssyncset.done $0x0  }
0x1b4: {  	s1 =	sadd.s32 s5, s1;
	[sflag:s20] =	ssyncadd.s32 $0xFFFFFF80  }
0x1b5: {  	[hbm4b:s1+s2] =	stream.linear.scatter [tilespmem:s0], [sflag:$0x3], $0x80, $0x38;
	[tilespmem:$0x10480] =	vst v63  }
0x1b6: {  	s21 =	sadd.s32 $0x1, s21;
	_ =	swait.ge [sflag:s20], $0x80  }
0x1b7: {  	p0 =	sne.s32 s21, $0x4;
	[sflag:s20] =	ssyncset.done $0x0  }
.Ltmp10:
0x1b8: {  	s30 =	sadd.s32 s5, s30;
	[sflag:s20] =	ssyncadd.s32 $0xFFFFFF80;
	(pc) =	sbr.rel @p0 .LBB2_2-.Ltmp10, $4  }
0x1b9: {  	[hbm4b:s30+s2] =	stream.linear.scatter [tilespmem:s3], [sflag:$0x3], $0x80, $0x38;
	[tilespmem:$0x10480] =	vst v63  }
0x1ba: {  	_ =	swait.ge [sflag:s20], $0x80  }
0x1bb: {  	[sflag:s20] =	ssyncset.done $0x0  }
0x1bc: {  	[sflag:s20] =	ssyncadd.s32 $0xFFFFFF80  }
0x1bd: {  	s8 =	rddreg [dreg:$0x7]  }
0x1be: {  	s1 =	rddreg [dreg:$0x6];
	s8 =	sadd.s32 $0x1, s8  }
0x1bf: {  	p0 =	sne.s32 s8, s1  }
.Ltmp11:
0x1c0: {  	_ = 	snop;
	(pc) =	sbr.rel @p0 .LBB2_1-.Ltmp11, $1  }
0x1c1: {  	_ =	sdelay $0x3  }
0x1c2: {  	_ =	sfence.sel $0x180000  }
0x1c3: {  	[bflag:$0x0] =	sbarrier.arrive $0xFFFF  }
0x1c4: {  	_ =	strace $0x90000047  }
0x1c5: {  	s0 =	stileid.u32;
	[bflag:$0x2] =	sbarrier.arrive $0xFFFF  }
0x1c6: {  	p0 =	sne.s32 s0, $0x0;
	s0 =	rddreg [dreg:$0x3]  }
0x1c7: {  	s0 =	sadd.s32 @!p0 $0x100000, s0  }
0x1c8: {  	[sflag:s0] =	ssyncadd.tile.s32 @!p0 $0x1;
	_ =	shalt  }
.Lfunc_end2:
_tile_overlayer_lowered:
.L_overlay_start_2:
0x1c9: {  	(tag) =	ssettag $0x2  }
0x1ca: {  	s0 =	rddreg [dreg:$0x0];
	s2 =	stileid.u32  }
0x1cb: {  	s1 =	rddreg [dreg:$0x1];
	p0 =	sne.s32 s2, $0x0  }
0x1cc: {  	s3 =	rddreg [dreg:$0x2];
	[bflag:$0x3] =	sbarrier.arrive $0xFFFF;
	s2 =	simm.s32 @!p0 $0x1C03  }
0x1cd: {  	[timem:s3], [sflag:s2] =	dma.local @!p0 [hbm:s0], s1  }
0x1ce: {  	s0 =	simm.s32 @!p0 $0x3  }
0x1cf: {  	_ =	swait.ge @!p0 [sflag:s0], s1  }
0x1d0: {  	s1 =	ssub.s32 @!p0 $0x0, s1;
	[sflag:s0] =	ssyncset.done @!p0 $0x0  }
0x1d1: {  	[sflag:s0] =	ssyncadd.s32 @!p0 s1  }
0x1d2: {  	[bflag:$0x3] =	sbarrier.arrive $0xFFFF  }
0x1d3: {  	_ =	shalt  }

</sc_bundles>
